<compile_context>
chip_gen: v7x
topology: tpu7x:2x2x1
jax: 0.10.2.dev20260603
libtpu: 0.0.44.dev20260713+nightly
codegen_flags: <defaults>
</compile_context>

<pallas_src>
import jax
import jax.numpy as jnp
from jax import lax
from jax.experimental import pallas as pl
from jax.experimental.pallas import tpu as pltpu
from jax.experimental.pallas import tpu_sc as plsc

D_MODEL = 128
MAX_REL = 128
SEQ_LEN = 1024
TBL = 2 * MAX_REL + 1
PAD = SEQ_LEN - MAX_REL - 1
E_LEN = 2 * PAD + TBL

NUM_CORES = 2
NUM_SUBCORES = 16
NUM_WORKERS = NUM_CORES * NUM_SUBCORES
ROWS_PER_SUBCORE = SEQ_LEN // NUM_WORKERS
STRIDE = 8
BAND = STRIDE * ROWS_PER_SUBCORE
SPAN = STRIDE * (ROWS_PER_SUBCORE - 1)

M = 640
CHUNK = M + SPAN
TAIL = SEQ_LEN - M
PADW = 5
PAD_CHUNK = PAD // PADW
LAG = 4
LANES = D_MODEL // 16


def _sc_body(table_hbm, out_hbm, e_sh, buf, sem):
    c = lax.axis_index("c")
    s = lax.axis_index("s")

    @pl.when(s == 0)
    def _():
        pltpu.sync_copy(table_hbm, e_sh.at[pl.ds(PAD, TBL)])

    @pl.when(jnp.logical_and(s >= 1, s <= 2 * PADW))
    def _():
        w = s - 1
        side = w // PADW
        k = (w % PADW) * PAD_CHUNK
        row = lax.select(side == 0, 0, TBL - 1)
        e_off = lax.select(side == 0, k, PAD + TBL + k)
        pltpu.sync_copy(table_hbm.at[pl.ds(row, 1)], buf.at[pl.ds(0, 1)])
        vals = [buf[0, pl.ds(lane * 16, 16)] for lane in range(LANES)]

        def fill(rr, carry):
            for lane in range(LANES):
                buf[rr, pl.ds(lane * 16, 16)] = vals[lane]
            return carry

        lax.fori_loop(1, PAD_CHUNK, fill, 0)
        pltpu.sync_copy(buf.at[pl.ds(0, PAD_CHUNK)],
                        e_sh.at[pl.ds(e_off, PAD_CHUNK)])

    plsc.subcore_barrier()

    u = c * NUM_SUBCORES + s
    i_first = BAND * (u // STRIDE) + (u % STRIDE)
    a0 = SEQ_LEN - 1 - (i_first + SPAN)
    pltpu.sync_copy(e_sh.at[pl.ds(a0, CHUNK)], buf.at[pl.ds(0, CHUNK)])

    pending = []
    for t in range(ROWS_PER_SUBCORE):
        i = i_first + STRIDE * t
        row_descs = [
            pltpu.async_copy(
                buf.at[pl.ds(SPAN - STRIDE * t, M)],
                out_hbm.at[i, pl.ds(0, M)], sem),
            pltpu.async_copy(
                e_sh.at[pl.ds(SEQ_LEN - 1 - i + M, TAIL)],
                out_hbm.at[i, pl.ds(M, TAIL)], sem),
        ]
        pending.append(row_descs)
        if len(pending) > LAG:
            for dsc in pending.pop(0):
                dsc.wait()
    for row_descs in pending:
        for dsc in row_descs:
            dsc.wait()


def kernel(seq_len, table):
    del seq_len
    mesh = plsc.VectorSubcoreMesh(
        core_axis_name="c",
        subcore_axis_name="s",
        num_cores=NUM_CORES,
        num_subcores=NUM_SUBCORES,
    )
    run = pl.kernel(
        _sc_body,
        out_type=jax.ShapeDtypeStruct((SEQ_LEN, SEQ_LEN, D_MODEL), jnp.float32),
        mesh=mesh,
        scratch_types=[
            pltpu.VMEM_SHARED((E_LEN, D_MODEL), jnp.float32),
            pltpu.VMEM((CHUNK, D_MODEL), jnp.float32),
            pltpu.SemaphoreType.DMA,
        ],
    )
    return run(table)

# --- scband reference (transcript-rebuilt; emitter-appended) ---
"""Pipeline reference for scband-relative-positional-encoding-29910152249375 (READ-ONLY COPY).

The authoritative reference and input builder live on the scoring server;
editing this copy changes nothing except your own understanding.
"""

import jax, jax.numpy as jnp
import numpy as np

D_MODEL = 128
MAX_REL = 128
SEQ_LEN = 1024

def setup_inputs(seed: int = 0) -> dict:
    key = jax.random.key(seed)
    table = jax.random.normal(key, (2 * MAX_REL + 1, D_MODEL), dtype=jnp.float32)
    return {"seq_len": 1024, "table": table}

def reference(seq_len, table):
    range_vec = jnp.arange(SEQ_LEN) + (seq_len - seq_len)
    distance_mat = range_vec[None, :] - range_vec[:, None]
    distance_mat_clipped = jnp.clip(distance_mat, -MAX_REL, MAX_REL)
    final_mat = distance_mat_clipped + MAX_REL
    embeddings = jnp.take(table, final_mat, axis=0)
    return embeddings

if __name__ == "__main__":
    import jax
    _d = setup_inputs()
    print(jax.jit(kernel)(*tuple(_d.values())))

</pallas_src>

<mosaic_0001>
#map = affine_map<(d0, d1) -> (0, 0)>
#map1 = affine_map<(d0, d1) -> (0, 0, 0)>
module attributes {stable_mosaic.version = 14 : i64} {
  func.func @_sc_body(%arg0: i32, %arg1: i32, %arg2: memref<257x128xf32, #tpu.memory_space<hbm>>, %arg3: memref<1024x1024x128xf32, #tpu.memory_space<hbm>>, %arg4: memref<2047x128xf32, #tpu.memory_space<vmem_shared>>, %arg5: memref<888x128xf32, #tpu.memory_space<vmem>>, %arg6: memref<!tpu.dma_semaphore, #tpu.memory_space<semaphore_mem>>) attributes {dimension_semantics = [#tpu.dimension_semantics<core_parallel>, #tpu.dimension_semantics<subcore_parallel>], iteration_bounds = array<i64: 2, 16>, scalar_prefetch = 0 : i64, scratch_operands = 3 : i64, tpu.core_type = #tpu.core_type<sc_vector_subcore>, window_params = [{transform_indices = #map}, {transform_indices = #map1}]} {
    %eq3A = arith.constant 0 : i32
    %eq3A_0 = arith.cmpi eq, %arg1, %eq3A : i32
    %convert_element_type3A = arith.extui %eq3A_0 : i1 to i32
    %cond3A = arith.constant 0 : i32
    %cond3A_1 = arith.cmpi ne, %convert_element_type3A, %cond3A : i32
    scf.if %cond3A_1 {
      "tpu.region"() ({
        %run_scoped3A = tpu.sem_alloc : memref<!tpu.dma_semaphore, #tpu.memory_space<semaphore_mem>>
        %dma_start3A_1517 = arith.constant 895 : i32
        %dma_start3A_1518 = arith.constant 0 : i32
        %dma_start3A_1519 = tpu.memref_slice %arg4[%dma_start3A_1517, %dma_start3A_1518] : memref<2047x128xf32, #tpu.memory_space<vmem_shared>> -> memref<257x128xf32, #tpu.memory_space<vmem_shared>>
        tpu.enqueue_dma source(%arg2 : memref<257x128xf32, #tpu.memory_space<hbm>>) target(%dma_start3A_1519 : memref<257x128xf32, #tpu.memory_space<vmem_shared>>) target_semaphore(%run_scoped3A : memref<!tpu.dma_semaphore, #tpu.memory_space<semaphore_mem>>)
        %dma_wait3A_1520 = arith.constant 895 : i32
        %dma_wait3A_1521 = arith.constant 0 : i32
        %dma_wait3A_1522 = tpu.memref_slice %arg4[%dma_wait3A_1520, %dma_wait3A_1521] : memref<2047x128xf32, #tpu.memory_space<vmem_shared>> -> memref<257x128xf32, #tpu.memory_space<vmem_shared>>
        tpu.wait_dma2 semaphore(%run_scoped3A : memref<!tpu.dma_semaphore, #tpu.memory_space<semaphore_mem>>) src(%arg2 : memref<257x128xf32, #tpu.memory_space<hbm>>) dst(%dma_wait3A_1522 : memref<257x128xf32, #tpu.memory_space<vmem_shared>>)
        tpu.yield
      }) : () -> ()
    } else {
    }
    %ge3A = arith.constant 1 : i32
    %ge3A_2 = arith.cmpi sge, %arg1, %ge3A : i32
    %le3A = arith.constant 10 : i32
    %le3A_3 = arith.cmpi sle, %arg1, %le3A : i32
    %and3A = arith.andi %ge3A_2, %le3A_3 : i1
    %convert_element_type3A_4 = arith.extui %and3A : i1 to i32
    %cond3A_5 = arith.constant 0 : i32
    %cond3A_6 = arith.cmpi ne, %convert_element_type3A_4, %cond3A_5 : i32
    scf.if %cond3A_6 {
      %sub3A_1517 = arith.constant 1 : i32
      %sub3A_1518 = arith.subi %arg1, %sub3A_1517 : i32
      %jit3A_1519 = arith.constant 5 : i32
      %div3A_1520 = arith.divsi %sub3A_1518, %jit3A_1519 : i32
      %sign3A_1521 = arith.constant 0 : i32
      %sign3A_1522 = arith.cmpi sgt, %sub3A_1518, %sign3A_1521 : i32
      %sign3A_1523 = arith.extui %sign3A_1522 : i1 to i32
      %sign3A_1524 = arith.constant 0 : i32
      %sign3A_1525 = arith.cmpi slt, %sub3A_1518, %sign3A_1524 : i32
      %sign3A_1526 = arith.extui %sign3A_1525 : i1 to i32
      %sign3A_1527 = arith.subi %sign3A_1523, %sign3A_1526 : i32
      %sign3A_1528 = arith.constant 0 : i32
      %sign3A_1529 = arith.cmpi sgt, %jit3A_1519, %sign3A_1528 : i32
      %sign3A_1530 = arith.extui %sign3A_1529 : i1 to i32
      %sign3A_1531 = arith.constant 0 : i32
      %sign3A_1532 = arith.cmpi slt, %jit3A_1519, %sign3A_1531 : i32
      %sign3A_1533 = arith.extui %sign3A_1532 : i1 to i32
      %sign3A_1534 = arith.subi %sign3A_1530, %sign3A_1533 : i32
      %ne3A_1535 = arith.cmpi ne, %sign3A_1527, %sign3A_1534 : i32
      %rem3A_1536 = arith.remsi %sub3A_1518, %jit3A_1519 : i32
      %ne3A_1537 = arith.constant 0 : i32
      %ne3A_1538 = arith.cmpi ne, %rem3A_1536, %ne3A_1537 : i32
      %and3A_1539 = arith.andi %ne3A_1535, %ne3A_1538 : i1
      %sub3A_1540 = arith.constant 1 : i32
      %sub3A_1541 = arith.subi %div3A_1520, %sub3A_1540 : i32
      %select_n3A_1542 = arith.select %and3A_1539, %sub3A_1541, %div3A_1520 : i32
      %jit3A_1543 = arith.constant 5 : i32
      %eq3A_1544 = arith.constant 0 : i32
      %eq3A_1545 = arith.cmpi eq, %jit3A_1543, %eq3A_1544 : i32
      %jit3A_1546 = arith.constant 1 : i32
      %select_n3A_1547 = arith.select %eq3A_1545, %jit3A_1546, %jit3A_1543 : i32
      %rem3A_1548 = arith.remsi %sub3A_1518, %select_n3A_1547 : i32
      %ne3A_1549 = arith.constant 0 : i32
      %ne3A_1550 = arith.cmpi ne, %rem3A_1548, %ne3A_1549 : i32
      %lt3A_1551 = arith.constant 0 : i32
      %lt3A_1552 = arith.cmpi slt, %rem3A_1548, %lt3A_1551 : i32
      %lt3A_1553 = arith.constant 0 : i32
      %lt3A_1554 = arith.cmpi slt, %select_n3A_1547, %lt3A_1553 : i32
      %ne3A_1555 = arith.xori %lt3A_1552, %lt3A_1554 : i1
      %and3A_1556 = arith.andi %ne3A_1555, %ne3A_1550 : i1
      %add3A_1557 = arith.addi %rem3A_1548, %select_n3A_1547 : i32
      %select_n3A_1558 = arith.select %and3A_1556, %add3A_1557, %rem3A_1548 : i32
      %mul3A_1559 = arith.constant 179 : i32
      %mul3A_1560 = arith.muli %select_n3A_1558, %mul3A_1559 : i32
      %eq3A_1561 = arith.constant 0 : i32
      %eq3A_1562 = arith.cmpi eq, %select_n3A_1542, %eq3A_1561 : i32
      %select_n3A_1563 = arith.constant 256 : i32
      %select_n3A_1564 = arith.constant 0 : i32
      %select_n3A_1565 = arith.select %eq3A_1562, %select_n3A_1564, %select_n3A_1563 : i32
      %eq3A_1566 = arith.constant 0 : i32
      %eq3A_1567 = arith.cmpi eq, %select_n3A_1542, %eq3A_1566 : i32
      %add3A_1568 = arith.constant 1152 : i32
      %add3A_1569 = arith.addi %add3A_1568, %mul3A_1560 : i32
      %select_n3A_1570 = arith.select %eq3A_1567, %mul3A_1560, %add3A_1569 : i32
      "tpu.region"() ({
        %run_scoped3A = tpu.sem_alloc : memref<!tpu.dma_semaphore, #tpu.memory_space<semaphore_mem>>
        %dma_start3A_1615 = arith.constant 0 : i32
        %dma_start3A_1616 = arith.constant 0 : i32
        %dma_start3A_1617 = tpu.memref_slice %arg5[%dma_start3A_1615, %dma_start3A_1616] : memref<888x128xf32, #tpu.memory_space<vmem>> -> memref<1x128xf32, #tpu.memory_space<vmem>>
        %dma_start3A_1618 = arith.constant 0 : i32
        %dma_start3A_1619 = tpu.memref_slice %arg2[%select_n3A_1565, %dma_start3A_1618] : memref<257x128xf32, #tpu.memory_space<hbm>> -> memref<1x128xf32, #tpu.memory_space<hbm>>
        %dma_start3A_1620 = arith.constant 0 : i32
        %dma_start3A_1621 = arith.constant 0 : i32
        %dma_start3A_1622 = tpu.memref_slice %arg5[%dma_start3A_1620, %dma_start3A_1621] : memref<888x128xf32, #tpu.memory_space<vmem>> -> memref<1x128xf32, #tpu.memory_space<vmem>>
        %dma_start3A_1623 = arith.constant 0 : i32
        %dma_start3A_1624 = tpu.memref_slice %arg2[%select_n3A_1565, %dma_start3A_1623] : memref<257x128xf32, #tpu.memory_space<hbm>> -> memref<1x128xf32, #tpu.memory_space<hbm>>
        tpu.enqueue_dma source(%dma_start3A_1624 : memref<1x128xf32, #tpu.memory_space<hbm>>) target(%dma_start3A_1622 : memref<1x128xf32, #tpu.memory_space<vmem>>) target_semaphore(%run_scoped3A : memref<!tpu.dma_semaphore, #tpu.memory_space<semaphore_mem>>)
        %dma_wait3A_1625 = arith.constant 0 : i32
        %dma_wait3A_1626 = arith.constant 0 : i32
        %dma_wait3A_1627 = tpu.memref_slice %arg5[%dma_wait3A_1625, %dma_wait3A_1626] : memref<888x128xf32, #tpu.memory_space<vmem>> -> memref<1x128xf32, #tpu.memory_space<vmem>>
        %dma_wait3A_1628 = arith.constant 0 : i32
        %dma_wait3A_1629 = tpu.memref_slice %arg2[%select_n3A_1565, %dma_wait3A_1628] : memref<257x128xf32, #tpu.memory_space<hbm>> -> memref<1x128xf32, #tpu.memory_space<hbm>>
        %dma_wait3A_1630 = arith.constant 0 : i32
        %dma_wait3A_1631 = arith.constant 0 : i32
        %dma_wait3A_1632 = tpu.memref_slice %arg5[%dma_wait3A_1630, %dma_wait3A_1631] : memref<888x128xf32, #tpu.memory_space<vmem>> -> memref<1x128xf32, #tpu.memory_space<vmem>>
        %dma_wait3A_1633 = arith.constant 0 : i32
        %dma_wait3A_1634 = tpu.memref_slice %arg2[%select_n3A_1565, %dma_wait3A_1633] : memref<257x128xf32, #tpu.memory_space<hbm>> -> memref<1x128xf32, #tpu.memory_space<hbm>>
        tpu.wait_dma2 semaphore(%run_scoped3A : memref<!tpu.dma_semaphore, #tpu.memory_space<semaphore_mem>>) src(%dma_wait3A_1634 : memref<1x128xf32, #tpu.memory_space<hbm>>) dst(%dma_wait3A_1632 : memref<1x128xf32, #tpu.memory_space<vmem>>)
        tpu.yield
      }) : () -> ()
      %get3A = arith.constant 0 : i32
      %get3A_1571 = arith.index_cast %get3A : i32 to index
      %get3A_1572 = arith.constant 0 : index
      %get3A_1573 = tpu.vector_load %arg5[%get3A_1571, %get3A_1572] {strides = array<i32>} : memref<888x128xf32, #tpu.memory_space<vmem>>, vector<1x16xf32>,
      %get3A_1574 = vector.shape_cast %get3A_1573 : vector<1x16xf32> to vector<16xf32>
      %get3A_1575 = arith.constant 0 : i32
      %get3A_1576 = arith.index_cast %get3A_1575 : i32 to index
      %get3A_1577 = arith.constant 16 : index
      %get3A_1578 = tpu.vector_load %arg5[%get3A_1576, %get3A_1577] {strides = array<i32>} : memref<888x128xf32, #tpu.memory_space<vmem>>, vector<1x16xf32>,
      %get3A_1579 = vector.shape_cast %get3A_1578 : vector<1x16xf32> to vector<16xf32>
      %get3A_1580 = arith.constant 0 : i32
      %get3A_1581 = arith.index_cast %get3A_1580 : i32 to index
      %get3A_1582 = arith.constant 32 : index
      %get3A_1583 = tpu.vector_load %arg5[%get3A_1581, %get3A_1582] {strides = array<i32>} : memref<888x128xf32, #tpu.memory_space<vmem>>, vector<1x16xf32>,
      %get3A_1584 = vector.shape_cast %get3A_1583 : vector<1x16xf32> to vector<16xf32>
      %get3A_1585 = arith.constant 0 : i32
      %get3A_1586 = arith.index_cast %get3A_1585 : i32 to index
      %get3A_1587 = arith.constant 48 : index
      %get3A_1588 = tpu.vector_load %arg5[%get3A_1586, %get3A_1587] {strides = array<i32>} : memref<888x128xf32, #tpu.memory_space<vmem>>, vector<1x16xf32>,
      %get3A_1589 = vector.shape_cast %get3A_1588 : vector<1x16xf32> to vector<16xf32>
      %get3A_1590 = arith.constant 0 : i32
      %get3A_1591 = arith.index_cast %get3A_1590 : i32 to index
      %get3A_1592 = arith.constant 64 : index
      %get3A_1593 = tpu.vector_load %arg5[%get3A_1591, %get3A_1592] {strides = array<i32>} : memref<888x128xf32, #tpu.memory_space<vmem>>, vector<1x16xf32>,
      %get3A_1594 = vector.shape_cast %get3A_1593 : vector<1x16xf32> to vector<16xf32>
      %get3A_1595 = arith.constant 0 : i32
      %get3A_1596 = arith.index_cast %get3A_1595 : i32 to index
      %get3A_1597 = arith.constant 80 : index
      %get3A_1598 = tpu.vector_load %arg5[%get3A_1596, %get3A_1597] {strides = array<i32>} : memref<888x128xf32, #tpu.memory_space<vmem>>, vector<1x16xf32>,
      %get3A_1599 = vector.shape_cast %get3A_1598 : vector<1x16xf32> to vector<16xf32>
      %get3A_1600 = arith.constant 0 : i32
      %get3A_1601 = arith.index_cast %get3A_1600 : i32 to index
      %get3A_1602 = arith.constant 96 : index
      %get3A_1603 = tpu.vector_load %arg5[%get3A_1601, %get3A_1602] {strides = array<i32>} : memref<888x128xf32, #tpu.memory_space<vmem>>, vector<1x16xf32>,
      %get3A_1604 = vector.shape_cast %get3A_1603 : vector<1x16xf32> to vector<16xf32>
      %get3A_1605 = arith.constant 0 : i32
      %get3A_1606 = arith.index_cast %get3A_1605 : i32 to index
      %get3A_1607 = arith.constant 112 : index
      %get3A_1608 = tpu.vector_load %arg5[%get3A_1606, %get3A_1607] {strides = array<i32>} : memref<888x128xf32, #tpu.memory_space<vmem>>, vector<1x16xf32>,
      %get3A_1609 = vector.shape_cast %get3A_1608 : vector<1x16xf32> to vector<16xf32>
      %scan3A = arith.constant 0 : i32
      %scan3A_1610 = arith.constant 1 : i32
      %scan3A_1611 = arith.constant 178 : i32
      %scan3A_1612 = arith.addi %scan3A_1610, %scan3A_1611 : i32
      %scan3A_1613 = arith.constant 1 : i32
      scf.for %scan3A_1615 = %scan3A_1610 to %scan3A_1612 step %scan3A_1613  : i32 {
        %swap3A = arith.index_cast %scan3A_1615 : i32 to index
        %swap3A_1616 = arith.constant 0 : index
        %swap3A_1617 = tpu.vector_load %arg5[%swap3A, %swap3A_1616] {strides = array<i32>} : memref<888x128xf32, #tpu.memory_space<vmem>>, vector<1x16xf32>,
        %swap3A_1618 = vector.shape_cast %swap3A_1617 : vector<1x16xf32> to vector<16xf32>
        %swap3A_1619 = vector.shape_cast %get3A_1574 : vector<16xf32> to vector<1x16xf32>
        tpu.vector_store %arg5[%swap3A, %swap3A_1616], %swap3A_1619 {strides = array<i32>} : memref<888x128xf32, #tpu.memory_space<vmem>>, vector<1x16xf32>,
        %swap3A_1620 = arith.index_cast %scan3A_1615 : i32 to index
        %swap3A_1621 = arith.constant 16 : index
        %swap3A_1622 = tpu.vector_load %arg5[%swap3A_1620, %swap3A_1621] {strides = array<i32>} : memref<888x128xf32, #tpu.memory_space<vmem>>, vector<1x16xf32>,
        %swap3A_1623 = vector.shape_cast %swap3A_1622 : vector<1x16xf32> to vector<16xf32>
        %swap3A_1624 = vector.shape_cast %get3A_1579 : vector<16xf32> to vector<1x16xf32>
        tpu.vector_store %arg5[%swap3A_1620, %swap3A_1621], %swap3A_1624 {strides = array<i32>} : memref<888x128xf32, #tpu.memory_space<vmem>>, vector<1x16xf32>,
        %swap3A_1625 = arith.index_cast %scan3A_1615 : i32 to index
        %swap3A_1626 = arith.constant 32 : index
        %swap3A_1627 = tpu.vector_load %arg5[%swap3A_1625, %swap3A_1626] {strides = array<i32>} : memref<888x128xf32, #tpu.memory_space<vmem>>, vector<1x16xf32>,
        %swap3A_1628 = vector.shape_cast %swap3A_1627 : vector<1x16xf32> to vector<16xf32>
        %swap3A_1629 = vector.shape_cast %get3A_1584 : vector<16xf32> to vector<1x16xf32>
        tpu.vector_store %arg5[%swap3A_1625, %swap3A_1626], %swap3A_1629 {strides = array<i32>} : memref<888x128xf32, #tpu.memory_space<vmem>>, vector<1x16xf32>,
        %swap3A_1630 = arith.index_cast %scan3A_1615 : i32 to index
        %swap3A_1631 = arith.constant 48 : index
        %swap3A_1632 = tpu.vector_load %arg5[%swap3A_1630, %swap3A_1631] {strides = array<i32>} : memref<888x128xf32, #tpu.memory_space<vmem>>, vector<1x16xf32>,
        %swap3A_1633 = vector.shape_cast %swap3A_1632 : vector<1x16xf32> to vector<16xf32>
        %swap3A_1634 = vector.shape_cast %get3A_1589 : vector<16xf32> to vector<1x16xf32>
        tpu.vector_store %arg5[%swap3A_1630, %swap3A_1631], %swap3A_1634 {strides = array<i32>} : memref<888x128xf32, #tpu.memory_space<vmem>>, vector<1x16xf32>,
        %swap3A_1635 = arith.index_cast %scan3A_1615 : i32 to index
        %swap3A_1636 = arith.constant 64 : index
        %swap3A_1637 = tpu.vector_load %arg5[%swap3A_1635, %swap3A_1636] {strides = array<i32>} : memref<888x128xf32, #tpu.memory_space<vmem>>, vector<1x16xf32>,
        %swap3A_1638 = vector.shape_cast %swap3A_1637 : vector<1x16xf32> to vector<16xf32>
        %swap3A_1639 = vector.shape_cast %get3A_1594 : vector<16xf32> to vector<1x16xf32>
        tpu.vector_store %arg5[%swap3A_1635, %swap3A_1636], %swap3A_1639 {strides = array<i32>} : memref<888x128xf32, #tpu.memory_space<vmem>>, vector<1x16xf32>,
        %swap3A_1640 = arith.index_cast %scan3A_1615 : i32 to index
        %swap3A_1641 = arith.constant 80 : index
        %swap3A_1642 = tpu.vector_load %arg5[%swap3A_1640, %swap3A_1641] {strides = array<i32>} : memref<888x128xf32, #tpu.memory_space<vmem>>, vector<1x16xf32>,
        %swap3A_1643 = vector.shape_cast %swap3A_1642 : vector<1x16xf32> to vector<16xf32>
        %swap3A_1644 = vector.shape_cast %get3A_1599 : vector<16xf32> to vector<1x16xf32>
        tpu.vector_store %arg5[%swap3A_1640, %swap3A_1641], %swap3A_1644 {strides = array<i32>} : memref<888x128xf32, #tpu.memory_space<vmem>>, vector<1x16xf32>,
        %swap3A_1645 = arith.index_cast %scan3A_1615 : i32 to index
        %swap3A_1646 = arith.constant 96 : index
        %swap3A_1647 = tpu.vector_load %arg5[%swap3A_1645, %swap3A_1646] {strides = array<i32>} : memref<888x128xf32, #tpu.memory_space<vmem>>, vector<1x16xf32>,
        %swap3A_1648 = vector.shape_cast %swap3A_1647 : vector<1x16xf32> to vector<16xf32>
        %swap3A_1649 = vector.shape_cast %get3A_1604 : vector<16xf32> to vector<1x16xf32>
        tpu.vector_store %arg5[%swap3A_1645, %swap3A_1646], %swap3A_1649 {strides = array<i32>} : memref<888x128xf32, #tpu.memory_space<vmem>>, vector<1x16xf32>,
        %swap3A_1650 = arith.index_cast %scan3A_1615 : i32 to index
        %swap3A_1651 = arith.constant 112 : index
        %swap3A_1652 = tpu.vector_load %arg5[%swap3A_1650, %swap3A_1651] {strides = array<i32>} : memref<888x128xf32, #tpu.memory_space<vmem>>, vector<1x16xf32>,
        %swap3A_1653 = vector.shape_cast %swap3A_1652 : vector<1x16xf32> to vector<16xf32>
        %swap3A_1654 = vector.shape_cast %get3A_1609 : vector<16xf32> to vector<1x16xf32>
        tpu.vector_store %arg5[%swap3A_1650, %swap3A_1651], %swap3A_1654 {strides = array<i32>} : memref<888x128xf32, #tpu.memory_space<vmem>>, vector<1x16xf32>,
      }
      %scan3A_1614 = arith.constant 178 : i32
      "tpu.region"() ({
        %run_scoped3A = tpu.sem_alloc : memref<!tpu.dma_semaphore, #tpu.memory_space<semaphore_mem>>
        %dma_start3A_1615 = arith.constant 0 : i32
        %dma_start3A_1616 = arith.constant 0 : i32
        %dma_start3A_1617 = tpu.memref_slice %arg5[%dma_start3A_1615, %dma_start3A_1616] : memref<888x128xf32, #tpu.memory_space<vmem>> -> memref<179x128xf32, #tpu.memory_space<vmem>>
        %dma_start3A_1618 = arith.constant 0 : i32
        %dma_start3A_1619 = tpu.memref_slice %arg4[%select_n3A_1570, %dma_start3A_1618] : memref<2047x128xf32, #tpu.memory_space<vmem_shared>> -> memref<179x128xf32, #tpu.memory_space<vmem_shared>>
        %dma_start3A_1620 = arith.constant 0 : i32
        %dma_start3A_1621 = tpu.memref_slice %arg4[%select_n3A_1570, %dma_start3A_1620] : memref<2047x128xf32, #tpu.memory_space<vmem_shared>> -> memref<179x128xf32, #tpu.memory_space<vmem_shared>>
        %dma_start3A_1622 = arith.constant 0 : i32
        %dma_start3A_1623 = arith.constant 0 : i32
        %dma_start3A_1624 = tpu.memref_slice %arg5[%dma_start3A_1622, %dma_start3A_1623] : memref<888x128xf32, #tpu.memory_space<vmem>> -> memref<179x128xf32, #tpu.memory_space<vmem>>
        tpu.enqueue_dma source(%dma_start3A_1624 : memref<179x128xf32, #tpu.memory_space<vmem>>) target(%dma_start3A_1621 : memref<179x128xf32, #tpu.memory_space<vmem_shared>>) target_semaphore(%run_scoped3A : memref<!tpu.dma_semaphore, #tpu.memory_space<semaphore_mem>>)
        %dma_wait3A_1625 = arith.constant 0 : i32
        %dma_wait3A_1626 = arith.constant 0 : i32
        %dma_wait3A_1627 = tpu.memref_slice %arg5[%dma_wait3A_1625, %dma_wait3A_1626] : memref<888x128xf32, #tpu.memory_space<vmem>> -> memref<179x128xf32, #tpu.memory_space<vmem>>
        %dma_wait3A_1628 = arith.constant 0 : i32
        %dma_wait3A_1629 = tpu.memref_slice %arg4[%select_n3A_1570, %dma_wait3A_1628] : memref<2047x128xf32, #tpu.memory_space<vmem_shared>> -> memref<179x128xf32, #tpu.memory_space<vmem_shared>>
        %dma_wait3A_1630 = arith.constant 0 : i32
        %dma_wait3A_1631 = tpu.memref_slice %arg4[%select_n3A_1570, %dma_wait3A_1630] : memref<2047x128xf32, #tpu.memory_space<vmem_shared>> -> memref<179x128xf32, #tpu.memory_space<vmem_shared>>
        %dma_wait3A_1632 = arith.constant 0 : i32
        %dma_wait3A_1633 = arith.constant 0 : i32
        %dma_wait3A_1634 = tpu.memref_slice %arg5[%dma_wait3A_1632, %dma_wait3A_1633] : memref<888x128xf32, #tpu.memory_space<vmem>> -> memref<179x128xf32, #tpu.memory_space<vmem>>
        tpu.wait_dma2 semaphore(%run_scoped3A : memref<!tpu.dma_semaphore, #tpu.memory_space<semaphore_mem>>) src(%dma_wait3A_1634 : memref<179x128xf32, #tpu.memory_space<vmem>>) dst(%dma_wait3A_1631 : memref<179x128xf32, #tpu.memory_space<vmem_shared>>)
        tpu.yield
      }) : () -> ()
    } else {
    }
    %barrier3A = arith.constant 0 : index
    tpu.barrier barrier_id(%barrier3A)
    %mul3A = arith.constant 16 : i32
    %mul3A_7 = arith.muli %arg0, %mul3A : i32
    %add3A = arith.addi %mul3A_7, %arg1 : i32
    %jit3A = arith.constant 8 : i32
    %div3A = arith.divsi %add3A, %jit3A : i32
    %sign3A = arith.constant 0 : i32
    %sign3A_8 = arith.cmpi sgt, %add3A, %sign3A : i32
    %sign3A_9 = arith.extui %sign3A_8 : i1 to i32
    %sign3A_10 = arith.constant 0 : i32
    %sign3A_11 = arith.cmpi slt, %add3A, %sign3A_10 : i32
    %sign3A_12 = arith.extui %sign3A_11 : i1 to i32
    %sign3A_13 = arith.subi %sign3A_9, %sign3A_12 : i32
    %sign3A_14 = arith.constant 0 : i32
    %sign3A_15 = arith.cmpi sgt, %jit3A, %sign3A_14 : i32
    %sign3A_16 = arith.extui %sign3A_15 : i1 to i32
    %sign3A_17 = arith.constant 0 : i32
    %sign3A_18 = arith.cmpi slt, %jit3A, %sign3A_17 : i32
    %sign3A_19 = arith.extui %sign3A_18 : i1 to i32
    %sign3A_20 = arith.subi %sign3A_16, %sign3A_19 : i32
    %ne3A = arith.cmpi ne, %sign3A_13, %sign3A_20 : i32
    %rem3A = arith.remsi %add3A, %jit3A : i32
    %ne3A_21 = arith.constant 0 : i32
    %ne3A_22 = arith.cmpi ne, %rem3A, %ne3A_21 : i32
    %and3A_23 = arith.andi %ne3A, %ne3A_22 : i1
    %sub3A = arith.constant 1 : i32
    %sub3A_24 = arith.subi %div3A, %sub3A : i32
    %select_n3A = arith.select %and3A_23, %sub3A_24, %div3A : i32
    %mul3A_25 = arith.constant 256 : i32
    %mul3A_26 = arith.muli %mul3A_25, %select_n3A : i32
    %jit3A_27 = arith.constant 8 : i32
    %eq3A_28 = arith.constant 0 : i32
    %eq3A_29 = arith.cmpi eq, %jit3A_27, %eq3A_28 : i32
    %jit3A_30 = arith.constant 1 : i32
    %select_n3A_31 = arith.select %eq3A_29, %jit3A_30, %jit3A_27 : i32
    %rem3A_32 = arith.remsi %add3A, %select_n3A_31 : i32
    %ne3A_33 = arith.constant 0 : i32
    %ne3A_34 = arith.cmpi ne, %rem3A_32, %ne3A_33 : i32
    %lt3A = arith.constant 0 : i32
    %lt3A_35 = arith.cmpi slt, %rem3A_32, %lt3A : i32
    %lt3A_36 = arith.constant 0 : i32
    %lt3A_37 = arith.cmpi slt, %select_n3A_31, %lt3A_36 : i32
    %ne3A_38 = arith.xori %lt3A_35, %lt3A_37 : i1
    %and3A_39 = arith.andi %ne3A_38, %ne3A_34 : i1
    %add3A_40 = arith.addi %rem3A_32, %select_n3A_31 : i32
    %select_n3A_41 = arith.select %and3A_39, %add3A_40, %rem3A_32 : i32
    %add3A_42 = arith.addi %mul3A_26, %select_n3A_41 : i32
    %add3A_43 = arith.constant 248 : i32
    %add3A_44 = arith.addi %add3A_42, %add3A_43 : i32
    %sub3A_45 = arith.constant 1023 : i32
    %sub3A_46 = arith.subi %sub3A_45, %add3A_44 : i32
    "tpu.region"() ({
      %run_scoped3A = tpu.sem_alloc : memref<!tpu.dma_semaphore, #tpu.memory_space<semaphore_mem>>
      %dma_start3A_1517 = arith.constant 0 : i32
      %dma_start3A_1518 = arith.constant 0 : i32
      %dma_start3A_1519 = tpu.memref_slice %arg5[%dma_start3A_1517, %dma_start3A_1518] : memref<888x128xf32, #tpu.memory_space<vmem>> -> memref<888x128xf32, #tpu.memory_space<vmem>>
      %dma_start3A_1520 = arith.constant 0 : i32
      %dma_start3A_1521 = tpu.memref_slice %arg4[%sub3A_46, %dma_start3A_1520] : memref<2047x128xf32, #tpu.memory_space<vmem_shared>> -> memref<888x128xf32, #tpu.memory_space<vmem_shared>>
      %dma_start3A_1522 = arith.constant 0 : i32
      %dma_start3A_1523 = arith.constant 0 : i32
      %dma_start3A_1524 = tpu.memref_slice %arg5[%dma_start3A_1522, %dma_start3A_1523] : memref<888x128xf32, #tpu.memory_space<vmem>> -> memref<888x128xf32, #tpu.memory_space<vmem>>
      %dma_start3A_1525 = arith.constant 0 : i32
      %dma_start3A_1526 = tpu.memref_slice %arg4[%sub3A_46, %dma_start3A_1525] : memref<2047x128xf32, #tpu.memory_space<vmem_shared>> -> memref<888x128xf32, #tpu.memory_space<vmem_shared>>
      tpu.enqueue_dma source(%dma_start3A_1526 : memref<888x128xf32, #tpu.memory_space<vmem_shared>>) target(%dma_start3A_1524 : memref<888x128xf32, #tpu.memory_space<vmem>>) target_semaphore(%run_scoped3A : memref<!tpu.dma_semaphore, #tpu.memory_space<semaphore_mem>>)
      %dma_wait3A_1527 = arith.constant 0 : i32
      %dma_wait3A_1528 = arith.constant 0 : i32
      %dma_wait3A_1529 = tpu.memref_slice %arg5[%dma_wait3A_1527, %dma_wait3A_1528] : memref<888x128xf32, #tpu.memory_space<vmem>> -> memref<888x128xf32, #tpu.memory_space<vmem>>
      %dma_wait3A_1530 = arith.constant 0 : i32
      %dma_wait3A_1531 = tpu.memref_slice %arg4[%sub3A_46, %dma_wait3A_1530] : memref<2047x128xf32, #tpu.memory_space<vmem_shared>> -> memref<888x128xf32, #tpu.memory_space<vmem_shared>>
      %dma_wait3A_1532 = arith.constant 0 : i32
      %dma_wait3A_1533 = arith.constant 0 : i32
      %dma_wait3A_1534 = tpu.memref_slice %arg5[%dma_wait3A_1532, %dma_wait3A_1533] : memref<888x128xf32, #tpu.memory_space<vmem>> -> memref<888x128xf32, #tpu.memory_space<vmem>>
      %dma_wait3A_1535 = arith.constant 0 : i32
      %dma_wait3A_1536 = tpu.memref_slice %arg4[%sub3A_46, %dma_wait3A_1535] : memref<2047x128xf32, #tpu.memory_space<vmem_shared>> -> memref<888x128xf32, #tpu.memory_space<vmem_shared>>
      tpu.wait_dma2 semaphore(%run_scoped3A : memref<!tpu.dma_semaphore, #tpu.memory_space<semaphore_mem>>) src(%dma_wait3A_1536 : memref<888x128xf32, #tpu.memory_space<vmem_shared>>) dst(%dma_wait3A_1534 : memref<888x128xf32, #tpu.memory_space<vmem>>)
      tpu.yield
    }) : () -> ()
    %add3A_47 = arith.constant 0 : i32
    %add3A_48 = arith.addi %add3A_42, %add3A_47 : i32
    %dma_start3A = arith.constant 248 : i32
    %dma_start3A_49 = arith.constant 0 : i32
    %dma_start3A_50 = tpu.memref_slice %arg5[%dma_start3A, %dma_start3A_49] : memref<888x128xf32, #tpu.memory_space<vmem>> -> memref<640x128xf32, #tpu.memory_space<vmem>>
    %dma_start3A_51 = arith.constant 0 : i32
    %dma_start3A_52 = arith.constant 0 : i32
    %dma_start3A_53 = tpu.memref_slice %arg3[%add3A_48, %dma_start3A_51, %dma_start3A_52] : memref<1024x1024x128xf32, #tpu.memory_space<hbm>> -> memref<1x640x128xf32, #tpu.memory_space<hbm>>
    %dma_start3A_54 = tpu.memref_squeeze %dma_start3A_53 : memref<1x640x128xf32, #tpu.memory_space<hbm>> -> memref<640x128xf32, #tpu.memory_space<hbm>>
    %dma_start3A_55 = arith.constant 0 : i32
    %dma_start3A_56 = arith.constant 0 : i32
    %dma_start3A_57 = tpu.memref_slice %arg3[%add3A_48, %dma_start3A_55, %dma_start3A_56] : memref<1024x1024x128xf32, #tpu.memory_space<hbm>> -> memref<1x640x128xf32, #tpu.memory_space<hbm>>
    %dma_start3A_58 = tpu.memref_squeeze %dma_start3A_57 : memref<1x640x128xf32, #tpu.memory_space<hbm>> -> memref<640x128xf32, #tpu.memory_space<hbm>>
    %dma_start3A_59 = arith.constant 248 : i32
    %dma_start3A_60 = arith.constant 0 : i32
    %dma_start3A_61 = tpu.memref_slice %arg5[%dma_start3A_59, %dma_start3A_60] : memref<888x128xf32, #tpu.memory_space<vmem>> -> memref<640x128xf32, #tpu.memory_space<vmem>>
    tpu.enqueue_dma source(%dma_start3A_61 : memref<640x128xf32, #tpu.memory_space<vmem>>) target(%dma_start3A_58 : memref<640x128xf32, #tpu.memory_space<hbm>>) target_semaphore(%arg6 : memref<!tpu.dma_semaphore, #tpu.memory_space<semaphore_mem>>)
    %sub3A_62 = arith.constant 1023 : i32
    %sub3A_63 = arith.subi %sub3A_62, %add3A_48 : i32
    %add3A_64 = arith.constant 640 : i32
    %add3A_65 = arith.addi %sub3A_63, %add3A_64 : i32
    %dma_start3A_66 = arith.constant 640 : i32
    %dma_start3A_67 = arith.constant 0 : i32
    %dma_start3A_68 = tpu.memref_slice %arg3[%add3A_48, %dma_start3A_66, %dma_start3A_67] : memref<1024x1024x128xf32, #tpu.memory_space<hbm>> -> memref<1x384x128xf32, #tpu.memory_space<hbm>>
    %dma_start3A_69 = tpu.memref_squeeze %dma_start3A_68 : memref<1x384x128xf32, #tpu.memory_space<hbm>> -> memref<384x128xf32, #tpu.memory_space<hbm>>
    %dma_start3A_70 = arith.constant 0 : i32
    %dma_start3A_71 = tpu.memref_slice %arg4[%add3A_65, %dma_start3A_70] : memref<2047x128xf32, #tpu.memory_space<vmem_shared>> -> memref<384x128xf32, #tpu.memory_space<vmem_shared>>
    tpu.enqueue_dma source(%dma_start3A_71 : memref<384x128xf32, #tpu.memory_space<vmem_shared>>) target(%dma_start3A_69 : memref<384x128xf32, #tpu.memory_space<hbm>>) target_semaphore(%arg6 : memref<!tpu.dma_semaphore, #tpu.memory_space<semaphore_mem>>)
    %add3A_72 = arith.constant 8 : i32
    %add3A_73 = arith.addi %add3A_42, %add3A_72 : i32
    %dma_start3A_74 = arith.constant 240 : i32
    %dma_start3A_75 = arith.constant 0 : i32
    %dma_start3A_76 = tpu.memref_slice %arg5[%dma_start3A_74, %dma_start3A_75] : memref<888x128xf32, #tpu.memory_space<vmem>> -> memref<640x128xf32, #tpu.memory_space<vmem>>
    %dma_start3A_77 = arith.constant 0 : i32
    %dma_start3A_78 = arith.constant 0 : i32
    %dma_start3A_79 = tpu.memref_slice %arg3[%add3A_73, %dma_start3A_77, %dma_start3A_78] : memref<1024x1024x128xf32, #tpu.memory_space<hbm>> -> memref<1x640x128xf32, #tpu.memory_space<hbm>>
    %dma_start3A_80 = tpu.memref_squeeze %dma_start3A_79 : memref<1x640x128xf32, #tpu.memory_space<hbm>> -> memref<640x128xf32, #tpu.memory_space<hbm>>
    %dma_start3A_81 = arith.constant 0 : i32
    %dma_start3A_82 = arith.constant 0 : i32
    %dma_start3A_83 = tpu.memref_slice %arg3[%add3A_73, %dma_start3A_81, %dma_start3A_82] : memref<1024x1024x128xf32, #tpu.memory_space<hbm>> -> memref<1x640x128xf32, #tpu.memory_space<hbm>>
    %dma_start3A_84 = tpu.memref_squeeze %dma_start3A_83 : memref<1x640x128xf32, #tpu.memory_space<hbm>> -> memref<640x128xf32, #tpu.memory_space<hbm>>
    %dma_start3A_85 = arith.constant 240 : i32
    %dma_start3A_86 = arith.constant 0 : i32
    %dma_start3A_87 = tpu.memref_slice %arg5[%dma_start3A_85, %dma_start3A_86] : memref<888x128xf32, #tpu.memory_space<vmem>> -> memref<640x128xf32, #tpu.memory_space<vmem>>
    tpu.enqueue_dma source(%dma_start3A_87 : memref<640x128xf32, #tpu.memory_space<vmem>>) target(%dma_start3A_84 : memref<640x128xf32, #tpu.memory_space<hbm>>) target_semaphore(%arg6 : memref<!tpu.dma_semaphore, #tpu.memory_space<semaphore_mem>>)
    %sub3A_88 = arith.constant 1023 : i32
    %sub3A_89 = arith.subi %sub3A_88, %add3A_73 : i32
    %add3A_90 = arith.constant 640 : i32
    %add3A_91 = arith.addi %sub3A_89, %add3A_90 : i32
    %dma_start3A_92 = arith.constant 640 : i32
    %dma_start3A_93 = arith.constant 0 : i32
    %dma_start3A_94 = tpu.memref_slice %arg3[%add3A_73, %dma_start3A_92, %dma_start3A_93] : memref<1024x1024x128xf32, #tpu.memory_space<hbm>> -> memref<1x384x128xf32, #tpu.memory_space<hbm>>
    %dma_start3A_95 = tpu.memref_squeeze %dma_start3A_94 : memref<1x384x128xf32, #tpu.memory_space<hbm>> -> memref<384x128xf32, #tpu.memory_space<hbm>>
    %dma_start3A_96 = arith.constant 0 : i32
    %dma_start3A_97 = tpu.memref_slice %arg4[%add3A_91, %dma_start3A_96] : memref<2047x128xf32, #tpu.memory_space<vmem_shared>> -> memref<384x128xf32, #tpu.memory_space<vmem_shared>>
    tpu.enqueue_dma source(%dma_start3A_97 : memref<384x128xf32, #tpu.memory_space<vmem_shared>>) target(%dma_start3A_95 : memref<384x128xf32, #tpu.memory_space<hbm>>) target_semaphore(%arg6 : memref<!tpu.dma_semaphore, #tpu.memory_space<semaphore_mem>>)
    %add3A_98 = arith.constant 16 : i32
    %add3A_99 = arith.addi %add3A_42, %add3A_98 : i32
    %dma_start3A_100 = arith.constant 232 : i32
    %dma_start3A_101 = arith.constant 0 : i32
    %dma_start3A_102 = tpu.memref_slice %arg5[%dma_start3A_100, %dma_start3A_101] : memref<888x128xf32, #tpu.memory_space<vmem>> -> memref<640x128xf32, #tpu.memory_space<vmem>>
    %dma_start3A_103 = arith.constant 0 : i32
    %dma_start3A_104 = arith.constant 0 : i32
    %dma_start3A_105 = tpu.memref_slice %arg3[%add3A_99, %dma_start3A_103, %dma_start3A_104] : memref<1024x1024x128xf32, #tpu.memory_space<hbm>> -> memref<1x640x128xf32, #tpu.memory_space<hbm>>
    %dma_start3A_106 = tpu.memref_squeeze %dma_start3A_105 : memref<1x640x128xf32, #tpu.memory_space<hbm>> -> memref<640x128xf32, #tpu.memory_space<hbm>>
    %dma_start3A_107 = arith.constant 0 : i32
    %dma_start3A_108 = arith.constant 0 : i32
    %dma_start3A_109 = tpu.memref_slice %arg3[%add3A_99, %dma_start3A_107, %dma_start3A_108] : memref<1024x1024x128xf32, #tpu.memory_space<hbm>> -> memref<1x640x128xf32, #tpu.memory_space<hbm>>
    %dma_start3A_110 = tpu.memref_squeeze %dma_start3A_109 : memref<1x640x128xf32, #tpu.memory_space<hbm>> -> memref<640x128xf32, #tpu.memory_space<hbm>>
    %dma_start3A_111 = arith.constant 232 : i32
    %dma_start3A_112 = arith.constant 0 : i32
    %dma_start3A_113 = tpu.memref_slice %arg5[%dma_start3A_111, %dma_start3A_112] : memref<888x128xf32, #tpu.memory_space<vmem>> -> memref<640x128xf32, #tpu.memory_space<vmem>>
    tpu.enqueue_dma source(%dma_start3A_113 : memref<640x128xf32, #tpu.memory_space<vmem>>) target(%dma_start3A_110 : memref<640x128xf32, #tpu.memory_space<hbm>>) target_semaphore(%arg6 : memref<!tpu.dma_semaphore, #tpu.memory_space<semaphore_mem>>)
    %sub3A_114 = arith.constant 1023 : i32
    %sub3A_115 = arith.subi %sub3A_114, %add3A_99 : i32
    %add3A_116 = arith.constant 640 : i32
    %add3A_117 = arith.addi %sub3A_115, %add3A_116 : i32
    %dma_start3A_118 = arith.constant 640 : i32
    %dma_start3A_119 = arith.constant 0 : i32
    %dma_start3A_120 = tpu.memref_slice %arg3[%add3A_99, %dma_start3A_118, %dma_start3A_119] : memref<1024x1024x128xf32, #tpu.memory_space<hbm>> -> memref<1x384x128xf32, #tpu.memory_space<hbm>>
    %dma_start3A_121 = tpu.memref_squeeze %dma_start3A_120 : memref<1x384x128xf32, #tpu.memory_space<hbm>> -> memref<384x128xf32, #tpu.memory_space<hbm>>
    %dma_start3A_122 = arith.constant 0 : i32
    %dma_start3A_123 = tpu.memref_slice %arg4[%add3A_117, %dma_start3A_122] : memref<2047x128xf32, #tpu.memory_space<vmem_shared>> -> memref<384x128xf32, #tpu.memory_space<vmem_shared>>
    tpu.enqueue_dma source(%dma_start3A_123 : memref<384x128xf32, #tpu.memory_space<vmem_shared>>) target(%dma_start3A_121 : memref<384x128xf32, #tpu.memory_space<hbm>>) target_semaphore(%arg6 : memref<!tpu.dma_semaphore, #tpu.memory_space<semaphore_mem>>)
    %add3A_124 = arith.constant 24 : i32
    %add3A_125 = arith.addi %add3A_42, %add3A_124 : i32
    %dma_start3A_126 = arith.constant 224 : i32
    %dma_start3A_127 = arith.constant 0 : i32
    %dma_start3A_128 = tpu.memref_slice %arg5[%dma_start3A_126, %dma_start3A_127] : memref<888x128xf32, #tpu.memory_space<vmem>> -> memref<640x128xf32, #tpu.memory_space<vmem>>
    %dma_start3A_129 = arith.constant 0 : i32
    %dma_start3A_130 = arith.constant 0 : i32
    %dma_start3A_131 = tpu.memref_slice %arg3[%add3A_125, %dma_start3A_129, %dma_start3A_130] : memref<1024x1024x128xf32, #tpu.memory_space<hbm>> -> memref<1x640x128xf32, #tpu.memory_space<hbm>>
    %dma_start3A_132 = tpu.memref_squeeze %dma_start3A_131 : memref<1x640x128xf32, #tpu.memory_space<hbm>> -> memref<640x128xf32, #tpu.memory_space<hbm>>
    %dma_start3A_133 = arith.constant 0 : i32
    %dma_start3A_134 = arith.constant 0 : i32
    %dma_start3A_135 = tpu.memref_slice %arg3[%add3A_125, %dma_start3A_133, %dma_start3A_134] : memref<1024x1024x128xf32, #tpu.memory_space<hbm>> -> memref<1x640x128xf32, #tpu.memory_space<hbm>>
    %dma_start3A_136 = tpu.memref_squeeze %dma_start3A_135 : memref<1x640x128xf32, #tpu.memory_space<hbm>> -> memref<640x128xf32, #tpu.memory_space<hbm>>
    %dma_start3A_137 = arith.constant 224 : i32
    %dma_start3A_138 = arith.constant 0 : i32
    %dma_start3A_139 = tpu.memref_slice %arg5[%dma_start3A_137, %dma_start3A_138] : memref<888x128xf32, #tpu.memory_space<vmem>> -> memref<640x128xf32, #tpu.memory_space<vmem>>
    tpu.enqueue_dma source(%dma_start3A_139 : memref<640x128xf32, #tpu.memory_space<vmem>>) target(%dma_start3A_136 : memref<640x128xf32, #tpu.memory_space<hbm>>) target_semaphore(%arg6 : memref<!tpu.dma_semaphore, #tpu.memory_space<semaphore_mem>>)
    %sub3A_140 = arith.constant 1023 : i32
    %sub3A_141 = arith.subi %sub3A_140, %add3A_125 : i32
    %add3A_142 = arith.constant 640 : i32
    %add3A_143 = arith.addi %sub3A_141, %add3A_142 : i32
    %dma_start3A_144 = arith.constant 640 : i32
    %dma_start3A_145 = arith.constant 0 : i32
    %dma_start3A_146 = tpu.memref_slice %arg3[%add3A_125, %dma_start3A_144, %dma_start3A_145] : memref<1024x1024x128xf32, #tpu.memory_space<hbm>> -> memref<1x384x128xf32, #tpu.memory_space<hbm>>
    %dma_start3A_147 = tpu.memref_squeeze %dma_start3A_146 : memref<1x384x128xf32, #tpu.memory_space<hbm>> -> memref<384x128xf32, #tpu.memory_space<hbm>>
    %dma_start3A_148 = arith.constant 0 : i32
    %dma_start3A_149 = tpu.memref_slice %arg4[%add3A_143, %dma_start3A_148] : memref<2047x128xf32, #tpu.memory_space<vmem_shared>> -> memref<384x128xf32, #tpu.memory_space<vmem_shared>>
    tpu.enqueue_dma source(%dma_start3A_149 : memref<384x128xf32, #tpu.memory_space<vmem_shared>>) target(%dma_start3A_147 : memref<384x128xf32, #tpu.memory_space<hbm>>) target_semaphore(%arg6 : memref<!tpu.dma_semaphore, #tpu.memory_space<semaphore_mem>>)
    %add3A_150 = arith.constant 32 : i32
    %add3A_151 = arith.addi %add3A_42, %add3A_150 : i32
    %dma_start3A_152 = arith.constant 216 : i32
    %dma_start3A_153 = arith.constant 0 : i32
    %dma_start3A_154 = tpu.memref_slice %arg5[%dma_start3A_152, %dma_start3A_153] : memref<888x128xf32, #tpu.memory_space<vmem>> -> memref<640x128xf32, #tpu.memory_space<vmem>>
    %dma_start3A_155 = arith.constant 0 : i32
    %dma_start3A_156 = arith.constant 0 : i32
    %dma_start3A_157 = tpu.memref_slice %arg3[%add3A_151, %dma_start3A_155, %dma_start3A_156] : memref<1024x1024x128xf32, #tpu.memory_space<hbm>> -> memref<1x640x128xf32, #tpu.memory_space<hbm>>
    %dma_start3A_158 = tpu.memref_squeeze %dma_start3A_157 : memref<1x640x128xf32, #tpu.memory_space<hbm>> -> memref<640x128xf32, #tpu.memory_space<hbm>>
    %dma_start3A_159 = arith.constant 0 : i32
    %dma_start3A_160 = arith.constant 0 : i32
    %dma_start3A_161 = tpu.memref_slice %arg3[%add3A_151, %dma_start3A_159, %dma_start3A_160] : memref<1024x1024x128xf32, #tpu.memory_space<hbm>> -> memref<1x640x128xf32, #tpu.memory_space<hbm>>
    %dma_start3A_162 = tpu.memref_squeeze %dma_start3A_161 : memref<1x640x128xf32, #tpu.memory_space<hbm>> -> memref<640x128xf32, #tpu.memory_space<hbm>>
    %dma_start3A_163 = arith.constant 216 : i32
    %dma_start3A_164 = arith.constant 0 : i32
    %dma_start3A_165 = tpu.memref_slice %arg5[%dma_start3A_163, %dma_start3A_164] : memref<888x128xf32, #tpu.memory_space<vmem>> -> memref<640x128xf32, #tpu.memory_space<vmem>>
    tpu.enqueue_dma source(%dma_start3A_165 : memref<640x128xf32, #tpu.memory_space<vmem>>) target(%dma_start3A_162 : memref<640x128xf32, #tpu.memory_space<hbm>>) target_semaphore(%arg6 : memref<!tpu.dma_semaphore, #tpu.memory_space<semaphore_mem>>)
    %sub3A_166 = arith.constant 1023 : i32
    %sub3A_167 = arith.subi %sub3A_166, %add3A_151 : i32
    %add3A_168 = arith.constant 640 : i32
    %add3A_169 = arith.addi %sub3A_167, %add3A_168 : i32
    %dma_start3A_170 = arith.constant 640 : i32
    %dma_start3A_171 = arith.constant 0 : i32
    %dma_start3A_172 = tpu.memref_slice %arg3[%add3A_151, %dma_start3A_170, %dma_start3A_171] : memref<1024x1024x128xf32, #tpu.memory_space<hbm>> -> memref<1x384x128xf32, #tpu.memory_space<hbm>>
    %dma_start3A_173 = tpu.memref_squeeze %dma_start3A_172 : memref<1x384x128xf32, #tpu.memory_space<hbm>> -> memref<384x128xf32, #tpu.memory_space<hbm>>
    %dma_start3A_174 = arith.constant 0 : i32
    %dma_start3A_175 = tpu.memref_slice %arg4[%add3A_169, %dma_start3A_174] : memref<2047x128xf32, #tpu.memory_space<vmem_shared>> -> memref<384x128xf32, #tpu.memory_space<vmem_shared>>
    tpu.enqueue_dma source(%dma_start3A_175 : memref<384x128xf32, #tpu.memory_space<vmem_shared>>) target(%dma_start3A_173 : memref<384x128xf32, #tpu.memory_space<hbm>>) target_semaphore(%arg6 : memref<!tpu.dma_semaphore, #tpu.memory_space<semaphore_mem>>)
    %dma_wait3A = arith.constant 248 : i32
    %dma_wait3A_176 = arith.constant 0 : i32
    %dma_wait3A_177 = tpu.memref_slice %arg5[%dma_wait3A, %dma_wait3A_176] : memref<888x128xf32, #tpu.memory_space<vmem>> -> memref<640x128xf32, #tpu.memory_space<vmem>>
    %dma_wait3A_178 = arith.constant 0 : i32
    %dma_wait3A_179 = arith.constant 0 : i32
    %dma_wait3A_180 = tpu.memref_slice %arg3[%add3A_48, %dma_wait3A_178, %dma_wait3A_179] : memref<1024x1024x128xf32, #tpu.memory_space<hbm>> -> memref<1x640x128xf32, #tpu.memory_space<hbm>>
    %dma_wait3A_181 = tpu.memref_squeeze %dma_wait3A_180 : memref<1x640x128xf32, #tpu.memory_space<hbm>> -> memref<640x128xf32, #tpu.memory_space<hbm>>
    %dma_wait3A_182 = arith.constant 0 : i32
    %dma_wait3A_183 = arith.constant 0 : i32
    %dma_wait3A_184 = tpu.memref_slice %arg3[%add3A_48, %dma_wait3A_182, %dma_wait3A_183] : memref<1024x1024x128xf32, #tpu.memory_space<hbm>> -> memref<1x640x128xf32, #tpu.memory_space<hbm>>
    %dma_wait3A_185 = tpu.memref_squeeze %dma_wait3A_184 : memref<1x640x128xf32, #tpu.memory_space<hbm>> -> memref<640x128xf32, #tpu.memory_space<hbm>>
    %dma_wait3A_186 = arith.constant 248 : i32
    %dma_wait3A_187 = arith.constant 0 : i32
    %dma_wait3A_188 = tpu.memref_slice %arg5[%dma_wait3A_186, %dma_wait3A_187] : memref<888x128xf32, #tpu.memory_space<vmem>> -> memref<640x128xf32, #tpu.memory_space<vmem>>
    tpu.wait_dma2 semaphore(%arg6 : memref<!tpu.dma_semaphore, #tpu.memory_space<semaphore_mem>>) src(%dma_wait3A_188 : memref<640x128xf32, #tpu.memory_space<vmem>>) dst(%dma_wait3A_185 : memref<640x128xf32, #tpu.memory_space<hbm>>)
    %dma_wait3A_189 = arith.constant 640 : i32
    %dma_wait3A_190 = arith.constant 0 : i32
    %dma_wait3A_191 = tpu.memref_slice %arg3[%add3A_48, %dma_wait3A_189, %dma_wait3A_190] : memref<1024x1024x128xf32, #tpu.memory_space<hbm>> -> memref<1x384x128xf32, #tpu.memory_space<hbm>>
    %dma_wait3A_192 = tpu.memref_squeeze %dma_wait3A_191 : memref<1x384x128xf32, #tpu.memory_space<hbm>> -> memref<384x128xf32, #tpu.memory_space<hbm>>
    %dma_wait3A_193 = arith.constant 0 : i32
    %dma_wait3A_194 = tpu.memref_slice %arg4[%add3A_65, %dma_wait3A_193] : memref<2047x128xf32, #tpu.memory_space<vmem_shared>> -> memref<384x128xf32, #tpu.memory_space<vmem_shared>>
    tpu.wait_dma2 semaphore(%arg6 : memref<!tpu.dma_semaphore, #tpu.memory_space<semaphore_mem>>) src(%dma_wait3A_194 : memref<384x128xf32, #tpu.memory_space<vmem_shared>>) dst(%dma_wait3A_192 : memref<384x128xf32, #tpu.memory_space<hbm>>)
    %add3A_195 = arith.constant 40 : i32
    %add3A_196 = arith.addi %add3A_42, %add3A_195 : i32
    %dma_start3A_197 = arith.constant 208 : i32
    %dma_start3A_198 = arith.constant 0 : i32
    %dma_start3A_199 = tpu.memref_slice %arg5[%dma_start3A_197, %dma_start3A_198] : memref<888x128xf32, #tpu.memory_space<vmem>> -> memref<640x128xf32, #tpu.memory_space<vmem>>
    %dma_start3A_200 = arith.constant 0 : i32
    %dma_start3A_201 = arith.constant 0 : i32
    %dma_start3A_202 = tpu.memref_slice %arg3[%add3A_196, %dma_start3A_200, %dma_start3A_201] : memref<1024x1024x128xf32, #tpu.memory_space<hbm>> -> memref<1x640x128xf32, #tpu.memory_space<hbm>>
    %dma_start3A_203 = tpu.memref_squeeze %dma_start3A_202 : memref<1x640x128xf32, #tpu.memory_space<hbm>> -> memref<640x128xf32, #tpu.memory_space<hbm>>
    %dma_start3A_204 = arith.constant 0 : i32
    %dma_start3A_205 = arith.constant 0 : i32
    %dma_start3A_206 = tpu.memref_slice %arg3[%add3A_196, %dma_start3A_204, %dma_start3A_205] : memref<1024x1024x128xf32, #tpu.memory_space<hbm>> -> memref<1x640x128xf32, #tpu.memory_space<hbm>>
    %dma_start3A_207 = tpu.memref_squeeze %dma_start3A_206 : memref<1x640x128xf32, #tpu.memory_space<hbm>> -> memref<640x128xf32, #tpu.memory_space<hbm>>
    %dma_start3A_208 = arith.constant 208 : i32
    %dma_start3A_209 = arith.constant 0 : i32
    %dma_start3A_210 = tpu.memref_slice %arg5[%dma_start3A_208, %dma_start3A_209] : memref<888x128xf32, #tpu.memory_space<vmem>> -> memref<640x128xf32, #tpu.memory_space<vmem>>
    tpu.enqueue_dma source(%dma_start3A_210 : memref<640x128xf32, #tpu.memory_space<vmem>>) target(%dma_start3A_207 : memref<640x128xf32, #tpu.memory_space<hbm>>) target_semaphore(%arg6 : memref<!tpu.dma_semaphore, #tpu.memory_space<semaphore_mem>>)
    %sub3A_211 = arith.constant 1023 : i32
    %sub3A_212 = arith.subi %sub3A_211, %add3A_196 : i32
    %add3A_213 = arith.constant 640 : i32
    %add3A_214 = arith.addi %sub3A_212, %add3A_213 : i32
    %dma_start3A_215 = arith.constant 640 : i32
    %dma_start3A_216 = arith.constant 0 : i32
    %dma_start3A_217 = tpu.memref_slice %arg3[%add3A_196, %dma_start3A_215, %dma_start3A_216] : memref<1024x1024x128xf32, #tpu.memory_space<hbm>> -> memref<1x384x128xf32, #tpu.memory_space<hbm>>
    %dma_start3A_218 = tpu.memref_squeeze %dma_start3A_217 : memref<1x384x128xf32, #tpu.memory_space<hbm>> -> memref<384x128xf32, #tpu.memory_space<hbm>>
    %dma_start3A_219 = arith.constant 0 : i32
    %dma_start3A_220 = tpu.memref_slice %arg4[%add3A_214, %dma_start3A_219] : memref<2047x128xf32, #tpu.memory_space<vmem_shared>> -> memref<384x128xf32, #tpu.memory_space<vmem_shared>>
    tpu.enqueue_dma source(%dma_start3A_220 : memref<384x128xf32, #tpu.memory_space<vmem_shared>>) target(%dma_start3A_218 : memref<384x128xf32, #tpu.memory_space<hbm>>) target_semaphore(%arg6 : memref<!tpu.dma_semaphore, #tpu.memory_space<semaphore_mem>>)
    %dma_wait3A_221 = arith.constant 240 : i32
    %dma_wait3A_222 = arith.constant 0 : i32
    %dma_wait3A_223 = tpu.memref_slice %arg5[%dma_wait3A_221, %dma_wait3A_222] : memref<888x128xf32, #tpu.memory_space<vmem>> -> memref<640x128xf32, #tpu.memory_space<vmem>>
    %dma_wait3A_224 = arith.constant 0 : i32
    %dma_wait3A_225 = arith.constant 0 : i32
    %dma_wait3A_226 = tpu.memref_slice %arg3[%add3A_73, %dma_wait3A_224, %dma_wait3A_225] : memref<1024x1024x128xf32, #tpu.memory_space<hbm>> -> memref<1x640x128xf32, #tpu.memory_space<hbm>>
    %dma_wait3A_227 = tpu.memref_squeeze %dma_wait3A_226 : memref<1x640x128xf32, #tpu.memory_space<hbm>> -> memref<640x128xf32, #tpu.memory_space<hbm>>
    %dma_wait3A_228 = arith.constant 0 : i32
    %dma_wait3A_229 = arith.constant 0 : i32
    %dma_wait3A_230 = tpu.memref_slice %arg3[%add3A_73, %dma_wait3A_228, %dma_wait3A_229] : memref<1024x1024x128xf32, #tpu.memory_space<hbm>> -> memref<1x640x128xf32, #tpu.memory_space<hbm>>
    %dma_wait3A_231 = tpu.memref_squeeze %dma_wait3A_230 : memref<1x640x128xf32, #tpu.memory_space<hbm>> -> memref<640x128xf32, #tpu.memory_space<hbm>>
    %dma_wait3A_232 = arith.constant 240 : i32
    %dma_wait3A_233 = arith.constant 0 : i32
    %dma_wait3A_234 = tpu.memref_slice %arg5[%dma_wait3A_232, %dma_wait3A_233] : memref<888x128xf32, #tpu.memory_space<vmem>> -> memref<640x128xf32, #tpu.memory_space<vmem>>
    tpu.wait_dma2 semaphore(%arg6 : memref<!tpu.dma_semaphore, #tpu.memory_space<semaphore_mem>>) src(%dma_wait3A_234 : memref<640x128xf32, #tpu.memory_space<vmem>>) dst(%dma_wait3A_231 : memref<640x128xf32, #tpu.memory_space<hbm>>)
    %dma_wait3A_235 = arith.constant 640 : i32
    %dma_wait3A_236 = arith.constant 0 : i32
    %dma_wait3A_237 = tpu.memref_slice %arg3[%add3A_73, %dma_wait3A_235, %dma_wait3A_236] : memref<1024x1024x128xf32, #tpu.memory_space<hbm>> -> memref<1x384x128xf32, #tpu.memory_space<hbm>>
    %dma_wait3A_238 = tpu.memref_squeeze %dma_wait3A_237 : memref<1x384x128xf32, #tpu.memory_space<hbm>> -> memref<384x128xf32, #tpu.memory_space<hbm>>
    %dma_wait3A_239 = arith.constant 0 : i32
    %dma_wait3A_240 = tpu.memref_slice %arg4[%add3A_91, %dma_wait3A_239] : memref<2047x128xf32, #tpu.memory_space<vmem_shared>> -> memref<384x128xf32, #tpu.memory_space<vmem_shared>>
    tpu.wait_dma2 semaphore(%arg6 : memref<!tpu.dma_semaphore, #tpu.memory_space<semaphore_mem>>) src(%dma_wait3A_240 : memref<384x128xf32, #tpu.memory_space<vmem_shared>>) dst(%dma_wait3A_238 : memref<384x128xf32, #tpu.memory_space<hbm>>)
    %add3A_241 = arith.constant 48 : i32
    %add3A_242 = arith.addi %add3A_42, %add3A_241 : i32
    %dma_start3A_243 = arith.constant 200 : i32
    %dma_start3A_244 = arith.constant 0 : i32
    %dma_start3A_245 = tpu.memref_slice %arg5[%dma_start3A_243, %dma_start3A_244] : memref<888x128xf32, #tpu.memory_space<vmem>> -> memref<640x128xf32, #tpu.memory_space<vmem>>
    %dma_start3A_246 = arith.constant 0 : i32
    %dma_start3A_247 = arith.constant 0 : i32
    %dma_start3A_248 = tpu.memref_slice %arg3[%add3A_242, %dma_start3A_246, %dma_start3A_247] : memref<1024x1024x128xf32, #tpu.memory_space<hbm>> -> memref<1x640x128xf32, #tpu.memory_space<hbm>>
    %dma_start3A_249 = tpu.memref_squeeze %dma_start3A_248 : memref<1x640x128xf32, #tpu.memory_space<hbm>> -> memref<640x128xf32, #tpu.memory_space<hbm>>
    %dma_start3A_250 = arith.constant 0 : i32
    %dma_start3A_251 = arith.constant 0 : i32
    %dma_start3A_252 = tpu.memref_slice %arg3[%add3A_242, %dma_start3A_250, %dma_start3A_251] : memref<1024x1024x128xf32, #tpu.memory_space<hbm>> -> memref<1x640x128xf32, #tpu.memory_space<hbm>>
    %dma_start3A_253 = tpu.memref_squeeze %dma_start3A_252 : memref<1x640x128xf32, #tpu.memory_space<hbm>> -> memref<640x128xf32, #tpu.memory_space<hbm>>
    %dma_start3A_254 = arith.constant 200 : i32
    %dma_start3A_255 = arith.constant 0 : i32
    %dma_start3A_256 = tpu.memref_slice %arg5[%dma_start3A_254, %dma_start3A_255] : memref<888x128xf32, #tpu.memory_space<vmem>> -> memref<640x128xf32, #tpu.memory_space<vmem>>
    tpu.enqueue_dma source(%dma_start3A_256 : memref<640x128xf32, #tpu.memory_space<vmem>>) target(%dma_start3A_253 : memref<640x128xf32, #tpu.memory_space<hbm>>) target_semaphore(%arg6 : memref<!tpu.dma_semaphore, #tpu.memory_space<semaphore_mem>>)
    %sub3A_257 = arith.constant 1023 : i32
    %sub3A_258 = arith.subi %sub3A_257, %add3A_242 : i32
    %add3A_259 = arith.constant 640 : i32
    %add3A_260 = arith.addi %sub3A_258, %add3A_259 : i32
    %dma_start3A_261 = arith.constant 640 : i32
    %dma_start3A_262 = arith.constant 0 : i32
    %dma_start3A_263 = tpu.memref_slice %arg3[%add3A_242, %dma_start3A_261, %dma_start3A_262] : memref<1024x1024x128xf32, #tpu.memory_space<hbm>> -> memref<1x384x128xf32, #tpu.memory_space<hbm>>
    %dma_start3A_264 = tpu.memref_squeeze %dma_start3A_263 : memref<1x384x128xf32, #tpu.memory_space<hbm>> -> memref<384x128xf32, #tpu.memory_space<hbm>>
    %dma_start3A_265 = arith.constant 0 : i32
    %dma_start3A_266 = tpu.memref_slice %arg4[%add3A_260, %dma_start3A_265] : memref<2047x128xf32, #tpu.memory_space<vmem_shared>> -> memref<384x128xf32, #tpu.memory_space<vmem_shared>>
    tpu.enqueue_dma source(%dma_start3A_266 : memref<384x128xf32, #tpu.memory_space<vmem_shared>>) target(%dma_start3A_264 : memref<384x128xf32, #tpu.memory_space<hbm>>) target_semaphore(%arg6 : memref<!tpu.dma_semaphore, #tpu.memory_space<semaphore_mem>>)
    %dma_wait3A_267 = arith.constant 232 : i32
    %dma_wait3A_268 = arith.constant 0 : i32
    %dma_wait3A_269 = tpu.memref_slice %arg5[%dma_wait3A_267, %dma_wait3A_268] : memref<888x128xf32, #tpu.memory_space<vmem>> -> memref<640x128xf32, #tpu.memory_space<vmem>>
    %dma_wait3A_270 = arith.constant 0 : i32
    %dma_wait3A_271 = arith.constant 0 : i32
    %dma_wait3A_272 = tpu.memref_slice %arg3[%add3A_99, %dma_wait3A_270, %dma_wait3A_271] : memref<1024x1024x128xf32, #tpu.memory_space<hbm>> -> memref<1x640x128xf32, #tpu.memory_space<hbm>>
    %dma_wait3A_273 = tpu.memref_squeeze %dma_wait3A_272 : memref<1x640x128xf32, #tpu.memory_space<hbm>> -> memref<640x128xf32, #tpu.memory_space<hbm>>
    %dma_wait3A_274 = arith.constant 0 : i32
    %dma_wait3A_275 = arith.constant 0 : i32
    %dma_wait3A_276 = tpu.memref_slice %arg3[%add3A_99, %dma_wait3A_274, %dma_wait3A_275] : memref<1024x1024x128xf32, #tpu.memory_space<hbm>> -> memref<1x640x128xf32, #tpu.memory_space<hbm>>
    %dma_wait3A_277 = tpu.memref_squeeze %dma_wait3A_276 : memref<1x640x128xf32, #tpu.memory_space<hbm>> -> memref<640x128xf32, #tpu.memory_space<hbm>>
    %dma_wait3A_278 = arith.constant 232 : i32
    %dma_wait3A_279 = arith.constant 0 : i32
    %dma_wait3A_280 = tpu.memref_slice %arg5[%dma_wait3A_278, %dma_wait3A_279] : memref<888x128xf32, #tpu.memory_space<vmem>> -> memref<640x128xf32, #tpu.memory_space<vmem>>
    tpu.wait_dma2 semaphore(%arg6 : memref<!tpu.dma_semaphore, #tpu.memory_space<semaphore_mem>>) src(%dma_wait3A_280 : memref<640x128xf32, #tpu.memory_space<vmem>>) dst(%dma_wait3A_277 : memref<640x128xf32, #tpu.memory_space<hbm>>)
    %dma_wait3A_281 = arith.constant 640 : i32
    %dma_wait3A_282 = arith.constant 0 : i32
    %dma_wait3A_283 = tpu.memref_slice %arg3[%add3A_99, %dma_wait3A_281, %dma_wait3A_282] : memref<1024x1024x128xf32, #tpu.memory_space<hbm>> -> memref<1x384x128xf32, #tpu.memory_space<hbm>>
    %dma_wait3A_284 = tpu.memref_squeeze %dma_wait3A_283 : memref<1x384x128xf32, #tpu.memory_space<hbm>> -> memref<384x128xf32, #tpu.memory_space<hbm>>
    %dma_wait3A_285 = arith.constant 0 : i32
    %dma_wait3A_286 = tpu.memref_slice %arg4[%add3A_117, %dma_wait3A_285] : memref<2047x128xf32, #tpu.memory_space<vmem_shared>> -> memref<384x128xf32, #tpu.memory_space<vmem_shared>>
    tpu.wait_dma2 semaphore(%arg6 : memref<!tpu.dma_semaphore, #tpu.memory_space<semaphore_mem>>) src(%dma_wait3A_286 : memref<384x128xf32, #tpu.memory_space<vmem_shared>>) dst(%dma_wait3A_284 : memref<384x128xf32, #tpu.memory_space<hbm>>)
    %add3A_287 = arith.constant 56 : i32
    %add3A_288 = arith.addi %add3A_42, %add3A_287 : i32
    %dma_start3A_289 = arith.constant 192 : i32
    %dma_start3A_290 = arith.constant 0 : i32
    %dma_start3A_291 = tpu.memref_slice %arg5[%dma_start3A_289, %dma_start3A_290] : memref<888x128xf32, #tpu.memory_space<vmem>> -> memref<640x128xf32, #tpu.memory_space<vmem>>
    %dma_start3A_292 = arith.constant 0 : i32
    %dma_start3A_293 = arith.constant 0 : i32
    %dma_start3A_294 = tpu.memref_slice %arg3[%add3A_288, %dma_start3A_292, %dma_start3A_293] : memref<1024x1024x128xf32, #tpu.memory_space<hbm>> -> memref<1x640x128xf32, #tpu.memory_space<hbm>>
    %dma_start3A_295 = tpu.memref_squeeze %dma_start3A_294 : memref<1x640x128xf32, #tpu.memory_space<hbm>> -> memref<640x128xf32, #tpu.memory_space<hbm>>
    %dma_start3A_296 = arith.constant 0 : i32
    %dma_start3A_297 = arith.constant 0 : i32
    %dma_start3A_298 = tpu.memref_slice %arg3[%add3A_288, %dma_start3A_296, %dma_start3A_297] : memref<1024x1024x128xf32, #tpu.memory_space<hbm>> -> memref<1x640x128xf32, #tpu.memory_space<hbm>>
    %dma_start3A_299 = tpu.memref_squeeze %dma_start3A_298 : memref<1x640x128xf32, #tpu.memory_space<hbm>> -> memref<640x128xf32, #tpu.memory_space<hbm>>
    %dma_start3A_300 = arith.constant 192 : i32
    %dma_start3A_301 = arith.constant 0 : i32
    %dma_start3A_302 = tpu.memref_slice %arg5[%dma_start3A_300, %dma_start3A_301] : memref<888x128xf32, #tpu.memory_space<vmem>> -> memref<640x128xf32, #tpu.memory_space<vmem>>
    tpu.enqueue_dma source(%dma_start3A_302 : memref<640x128xf32, #tpu.memory_space<vmem>>) target(%dma_start3A_299 : memref<640x128xf32, #tpu.memory_space<hbm>>) target_semaphore(%arg6 : memref<!tpu.dma_semaphore, #tpu.memory_space<semaphore_mem>>)
    %sub3A_303 = arith.constant 1023 : i32
    %sub3A_304 = arith.subi %sub3A_303, %add3A_288 : i32
    %add3A_305 = arith.constant 640 : i32
    %add3A_306 = arith.addi %sub3A_304, %add3A_305 : i32
    %dma_start3A_307 = arith.constant 640 : i32
    %dma_start3A_308 = arith.constant 0 : i32
    %dma_start3A_309 = tpu.memref_slice %arg3[%add3A_288, %dma_start3A_307, %dma_start3A_308] : memref<1024x1024x128xf32, #tpu.memory_space<hbm>> -> memref<1x384x128xf32, #tpu.memory_space<hbm>>
    %dma_start3A_310 = tpu.memref_squeeze %dma_start3A_309 : memref<1x384x128xf32, #tpu.memory_space<hbm>> -> memref<384x128xf32, #tpu.memory_space<hbm>>
    %dma_start3A_311 = arith.constant 0 : i32
    %dma_start3A_312 = tpu.memref_slice %arg4[%add3A_306, %dma_start3A_311] : memref<2047x128xf32, #tpu.memory_space<vmem_shared>> -> memref<384x128xf32, #tpu.memory_space<vmem_shared>>
    tpu.enqueue_dma source(%dma_start3A_312 : memref<384x128xf32, #tpu.memory_space<vmem_shared>>) target(%dma_start3A_310 : memref<384x128xf32, #tpu.memory_space<hbm>>) target_semaphore(%arg6 : memref<!tpu.dma_semaphore, #tpu.memory_space<semaphore_mem>>)
    %dma_wait3A_313 = arith.constant 224 : i32
    %dma_wait3A_314 = arith.constant 0 : i32
    %dma_wait3A_315 = tpu.memref_slice %arg5[%dma_wait3A_313, %dma_wait3A_314] : memref<888x128xf32, #tpu.memory_space<vmem>> -> memref<640x128xf32, #tpu.memory_space<vmem>>
    %dma_wait3A_316 = arith.constant 0 : i32
    %dma_wait3A_317 = arith.constant 0 : i32
    %dma_wait3A_318 = tpu.memref_slice %arg3[%add3A_125, %dma_wait3A_316, %dma_wait3A_317] : memref<1024x1024x128xf32, #tpu.memory_space<hbm>> -> memref<1x640x128xf32, #tpu.memory_space<hbm>>
    %dma_wait3A_319 = tpu.memref_squeeze %dma_wait3A_318 : memref<1x640x128xf32, #tpu.memory_space<hbm>> -> memref<640x128xf32, #tpu.memory_space<hbm>>
    %dma_wait3A_320 = arith.constant 0 : i32
    %dma_wait3A_321 = arith.constant 0 : i32
    %dma_wait3A_322 = tpu.memref_slice %arg3[%add3A_125, %dma_wait3A_320, %dma_wait3A_321] : memref<1024x1024x128xf32, #tpu.memory_space<hbm>> -> memref<1x640x128xf32, #tpu.memory_space<hbm>>
    %dma_wait3A_323 = tpu.memref_squeeze %dma_wait3A_322 : memref<1x640x128xf32, #tpu.memory_space<hbm>> -> memref<640x128xf32, #tpu.memory_space<hbm>>
    %dma_wait3A_324 = arith.constant 224 : i32
    %dma_wait3A_325 = arith.constant 0 : i32
    %dma_wait3A_326 = tpu.memref_slice %arg5[%dma_wait3A_324, %dma_wait3A_325] : memref<888x128xf32, #tpu.memory_space<vmem>> -> memref<640x128xf32, #tpu.memory_space<vmem>>
    tpu.wait_dma2 semaphore(%arg6 : memref<!tpu.dma_semaphore, #tpu.memory_space<semaphore_mem>>) src(%dma_wait3A_326 : memref<640x128xf32, #tpu.memory_space<vmem>>) dst(%dma_wait3A_323 : memref<640x128xf32, #tpu.memory_space<hbm>>)
    %dma_wait3A_327 = arith.constant 640 : i32
    %dma_wait3A_328 = arith.constant 0 : i32
    %dma_wait3A_329 = tpu.memref_slice %arg3[%add3A_125, %dma_wait3A_327, %dma_wait3A_328] : memref<1024x1024x128xf32, #tpu.memory_space<hbm>> -> memref<1x384x128xf32, #tpu.memory_space<hbm>>
    %dma_wait3A_330 = tpu.memref_squeeze %dma_wait3A_329 : memref<1x384x128xf32, #tpu.memory_space<hbm>> -> memref<384x128xf32, #tpu.memory_space<hbm>>
    %dma_wait3A_331 = arith.constant 0 : i32
    %dma_wait3A_332 = tpu.memref_slice %arg4[%add3A_143, %dma_wait3A_331] : memref<2047x128xf32, #tpu.memory_space<vmem_shared>> -> memref<384x128xf32, #tpu.memory_space<vmem_shared>>
    tpu.wait_dma2 semaphore(%arg6 : memref<!tpu.dma_semaphore, #tpu.memory_space<semaphore_mem>>) src(%dma_wait3A_332 : memref<384x128xf32, #tpu.memory_space<vmem_shared>>) dst(%dma_wait3A_330 : memref<384x128xf32, #tpu.memory_space<hbm>>)
    %add3A_333 = arith.constant 64 : i32
    %add3A_334 = arith.addi %add3A_42, %add3A_333 : i32
    %dma_start3A_335 = arith.constant 184 : i32
    %dma_start3A_336 = arith.constant 0 : i32
    %dma_start3A_337 = tpu.memref_slice %arg5[%dma_start3A_335, %dma_start3A_336] : memref<888x128xf32, #tpu.memory_space<vmem>> -> memref<640x128xf32, #tpu.memory_space<vmem>>
    %dma_start3A_338 = arith.constant 0 : i32
    %dma_start3A_339 = arith.constant 0 : i32
    %dma_start3A_340 = tpu.memref_slice %arg3[%add3A_334, %dma_start3A_338, %dma_start3A_339] : memref<1024x1024x128xf32, #tpu.memory_space<hbm>> -> memref<1x640x128xf32, #tpu.memory_space<hbm>>
    %dma_start3A_341 = tpu.memref_squeeze %dma_start3A_340 : memref<1x640x128xf32, #tpu.memory_space<hbm>> -> memref<640x128xf32, #tpu.memory_space<hbm>>
    %dma_start3A_342 = arith.constant 0 : i32
    %dma_start3A_343 = arith.constant 0 : i32
    %dma_start3A_344 = tpu.memref_slice %arg3[%add3A_334, %dma_start3A_342, %dma_start3A_343] : memref<1024x1024x128xf32, #tpu.memory_space<hbm>> -> memref<1x640x128xf32, #tpu.memory_space<hbm>>
    %dma_start3A_345 = tpu.memref_squeeze %dma_start3A_344 : memref<1x640x128xf32, #tpu.memory_space<hbm>> -> memref<640x128xf32, #tpu.memory_space<hbm>>
    %dma_start3A_346 = arith.constant 184 : i32
    %dma_start3A_347 = arith.constant 0 : i32
    %dma_start3A_348 = tpu.memref_slice %arg5[%dma_start3A_346, %dma_start3A_347] : memref<888x128xf32, #tpu.memory_space<vmem>> -> memref<640x128xf32, #tpu.memory_space<vmem>>
    tpu.enqueue_dma source(%dma_start3A_348 : memref<640x128xf32, #tpu.memory_space<vmem>>) target(%dma_start3A_345 : memref<640x128xf32, #tpu.memory_space<hbm>>) target_semaphore(%arg6 : memref<!tpu.dma_semaphore, #tpu.memory_space<semaphore_mem>>)
    %sub3A_349 = arith.constant 1023 : i32
    %sub3A_350 = arith.subi %sub3A_349, %add3A_334 : i32
    %add3A_351 = arith.constant 640 : i32
    %add3A_352 = arith.addi %sub3A_350, %add3A_351 : i32
    %dma_start3A_353 = arith.constant 640 : i32
    %dma_start3A_354 = arith.constant 0 : i32
    %dma_start3A_355 = tpu.memref_slice %arg3[%add3A_334, %dma_start3A_353, %dma_start3A_354] : memref<1024x1024x128xf32, #tpu.memory_space<hbm>> -> memref<1x384x128xf32, #tpu.memory_space<hbm>>
    %dma_start3A_356 = tpu.memref_squeeze %dma_start3A_355 : memref<1x384x128xf32, #tpu.memory_space<hbm>> -> memref<384x128xf32, #tpu.memory_space<hbm>>
    %dma_start3A_357 = arith.constant 0 : i32
    %dma_start3A_358 = tpu.memref_slice %arg4[%add3A_352, %dma_start3A_357] : memref<2047x128xf32, #tpu.memory_space<vmem_shared>> -> memref<384x128xf32, #tpu.memory_space<vmem_shared>>
    tpu.enqueue_dma source(%dma_start3A_358 : memref<384x128xf32, #tpu.memory_space<vmem_shared>>) target(%dma_start3A_356 : memref<384x128xf32, #tpu.memory_space<hbm>>) target_semaphore(%arg6 : memref<!tpu.dma_semaphore, #tpu.memory_space<semaphore_mem>>)
    %dma_wait3A_359 = arith.constant 216 : i32
    %dma_wait3A_360 = arith.constant 0 : i32
    %dma_wait3A_361 = tpu.memref_slice %arg5[%dma_wait3A_359, %dma_wait3A_360] : memref<888x128xf32, #tpu.memory_space<vmem>> -> memref<640x128xf32, #tpu.memory_space<vmem>>
    %dma_wait3A_362 = arith.constant 0 : i32
    %dma_wait3A_363 = arith.constant 0 : i32
    %dma_wait3A_364 = tpu.memref_slice %arg3[%add3A_151, %dma_wait3A_362, %dma_wait3A_363] : memref<1024x1024x128xf32, #tpu.memory_space<hbm>> -> memref<1x640x128xf32, #tpu.memory_space<hbm>>
    %dma_wait3A_365 = tpu.memref_squeeze %dma_wait3A_364 : memref<1x640x128xf32, #tpu.memory_space<hbm>> -> memref<640x128xf32, #tpu.memory_space<hbm>>
    %dma_wait3A_366 = arith.constant 0 : i32
    %dma_wait3A_367 = arith.constant 0 : i32
    %dma_wait3A_368 = tpu.memref_slice %arg3[%add3A_151, %dma_wait3A_366, %dma_wait3A_367] : memref<1024x1024x128xf32, #tpu.memory_space<hbm>> -> memref<1x640x128xf32, #tpu.memory_space<hbm>>
    %dma_wait3A_369 = tpu.memref_squeeze %dma_wait3A_368 : memref<1x640x128xf32, #tpu.memory_space<hbm>> -> memref<640x128xf32, #tpu.memory_space<hbm>>
    %dma_wait3A_370 = arith.constant 216 : i32
    %dma_wait3A_371 = arith.constant 0 : i32
    %dma_wait3A_372 = tpu.memref_slice %arg5[%dma_wait3A_370, %dma_wait3A_371] : memref<888x128xf32, #tpu.memory_space<vmem>> -> memref<640x128xf32, #tpu.memory_space<vmem>>
    tpu.wait_dma2 semaphore(%arg6 : memref<!tpu.dma_semaphore, #tpu.memory_space<semaphore_mem>>) src(%dma_wait3A_372 : memref<640x128xf32, #tpu.memory_space<vmem>>) dst(%dma_wait3A_369 : memref<640x128xf32, #tpu.memory_space<hbm>>)
    %dma_wait3A_373 = arith.constant 640 : i32
    %dma_wait3A_374 = arith.constant 0 : i32
    %dma_wait3A_375 = tpu.memref_slice %arg3[%add3A_151, %dma_wait3A_373, %dma_wait3A_374] : memref<1024x1024x128xf32, #tpu.memory_space<hbm>> -> memref<1x384x128xf32, #tpu.memory_space<hbm>>
    %dma_wait3A_376 = tpu.memref_squeeze %dma_wait3A_375 : memref<1x384x128xf32, #tpu.memory_space<hbm>> -> memref<384x128xf32, #tpu.memory_space<hbm>>
    %dma_wait3A_377 = arith.constant 0 : i32
    %dma_wait3A_378 = tpu.memref_slice %arg4[%add3A_169, %dma_wait3A_377] : memref<2047x128xf32, #tpu.memory_space<vmem_shared>> -> memref<384x128xf32, #tpu.memory_space<vmem_shared>>
    tpu.wait_dma2 semaphore(%arg6 : memref<!tpu.dma_semaphore, #tpu.memory_space<semaphore_mem>>) src(%dma_wait3A_378 : memref<384x128xf32, #tpu.memory_space<vmem_shared>>) dst(%dma_wait3A_376 : memref<384x128xf32, #tpu.memory_space<hbm>>)
    %add3A_379 = arith.constant 72 : i32
    %add3A_380 = arith.addi %add3A_42, %add3A_379 : i32
    %dma_start3A_381 = arith.constant 176 : i32
    %dma_start3A_382 = arith.constant 0 : i32
    %dma_start3A_383 = tpu.memref_slice %arg5[%dma_start3A_381, %dma_start3A_382] : memref<888x128xf32, #tpu.memory_space<vmem>> -> memref<640x128xf32, #tpu.memory_space<vmem>>
    %dma_start3A_384 = arith.constant 0 : i32
    %dma_start3A_385 = arith.constant 0 : i32
    %dma_start3A_386 = tpu.memref_slice %arg3[%add3A_380, %dma_start3A_384, %dma_start3A_385] : memref<1024x1024x128xf32, #tpu.memory_space<hbm>> -> memref<1x640x128xf32, #tpu.memory_space<hbm>>
    %dma_start3A_387 = tpu.memref_squeeze %dma_start3A_386 : memref<1x640x128xf32, #tpu.memory_space<hbm>> -> memref<640x128xf32, #tpu.memory_space<hbm>>
    %dma_start3A_388 = arith.constant 0 : i32
    %dma_start3A_389 = arith.constant 0 : i32
    %dma_start3A_390 = tpu.memref_slice %arg3[%add3A_380, %dma_start3A_388, %dma_start3A_389] : memref<1024x1024x128xf32, #tpu.memory_space<hbm>> -> memref<1x640x128xf32, #tpu.memory_space<hbm>>
    %dma_start3A_391 = tpu.memref_squeeze %dma_start3A_390 : memref<1x640x128xf32, #tpu.memory_space<hbm>> -> memref<640x128xf32, #tpu.memory_space<hbm>>
    %dma_start3A_392 = arith.constant 176 : i32
    %dma_start3A_393 = arith.constant 0 : i32
    %dma_start3A_394 = tpu.memref_slice %arg5[%dma_start3A_392, %dma_start3A_393] : memref<888x128xf32, #tpu.memory_space<vmem>> -> memref<640x128xf32, #tpu.memory_space<vmem>>
    tpu.enqueue_dma source(%dma_start3A_394 : memref<640x128xf32, #tpu.memory_space<vmem>>) target(%dma_start3A_391 : memref<640x128xf32, #tpu.memory_space<hbm>>) target_semaphore(%arg6 : memref<!tpu.dma_semaphore, #tpu.memory_space<semaphore_mem>>)
    %sub3A_395 = arith.constant 1023 : i32
    %sub3A_396 = arith.subi %sub3A_395, %add3A_380 : i32
    %add3A_397 = arith.constant 640 : i32
    %add3A_398 = arith.addi %sub3A_396, %add3A_397 : i32
    %dma_start3A_399 = arith.constant 640 : i32
    %dma_start3A_400 = arith.constant 0 : i32
    %dma_start3A_401 = tpu.memref_slice %arg3[%add3A_380, %dma_start3A_399, %dma_start3A_400] : memref<1024x1024x128xf32, #tpu.memory_space<hbm>> -> memref<1x384x128xf32, #tpu.memory_space<hbm>>
    %dma_start3A_402 = tpu.memref_squeeze %dma_start3A_401 : memref<1x384x128xf32, #tpu.memory_space<hbm>> -> memref<384x128xf32, #tpu.memory_space<hbm>>
    %dma_start3A_403 = arith.constant 0 : i32
    %dma_start3A_404 = tpu.memref_slice %arg4[%add3A_398, %dma_start3A_403] : memref<2047x128xf32, #tpu.memory_space<vmem_shared>> -> memref<384x128xf32, #tpu.memory_space<vmem_shared>>
    tpu.enqueue_dma source(%dma_start3A_404 : memref<384x128xf32, #tpu.memory_space<vmem_shared>>) target(%dma_start3A_402 : memref<384x128xf32, #tpu.memory_space<hbm>>) target_semaphore(%arg6 : memref<!tpu.dma_semaphore, #tpu.memory_space<semaphore_mem>>)
    %dma_wait3A_405 = arith.constant 208 : i32
    %dma_wait3A_406 = arith.constant 0 : i32
    %dma_wait3A_407 = tpu.memref_slice %arg5[%dma_wait3A_405, %dma_wait3A_406] : memref<888x128xf32, #tpu.memory_space<vmem>> -> memref<640x128xf32, #tpu.memory_space<vmem>>
    %dma_wait3A_408 = arith.constant 0 : i32
    %dma_wait3A_409 = arith.constant 0 : i32
    %dma_wait3A_410 = tpu.memref_slice %arg3[%add3A_196, %dma_wait3A_408, %dma_wait3A_409] : memref<1024x1024x128xf32, #tpu.memory_space<hbm>> -> memref<1x640x128xf32, #tpu.memory_space<hbm>>
    %dma_wait3A_411 = tpu.memref_squeeze %dma_wait3A_410 : memref<1x640x128xf32, #tpu.memory_space<hbm>> -> memref<640x128xf32, #tpu.memory_space<hbm>>
    %dma_wait3A_412 = arith.constant 0 : i32
    %dma_wait3A_413 = arith.constant 0 : i32
    %dma_wait3A_414 = tpu.memref_slice %arg3[%add3A_196, %dma_wait3A_412, %dma_wait3A_413] : memref<1024x1024x128xf32, #tpu.memory_space<hbm>> -> memref<1x640x128xf32, #tpu.memory_space<hbm>>
    %dma_wait3A_415 = tpu.memref_squeeze %dma_wait3A_414 : memref<1x640x128xf32, #tpu.memory_space<hbm>> -> memref<640x128xf32, #tpu.memory_space<hbm>>
    %dma_wait3A_416 = arith.constant 208 : i32
    %dma_wait3A_417 = arith.constant 0 : i32
    %dma_wait3A_418 = tpu.memref_slice %arg5[%dma_wait3A_416, %dma_wait3A_417] : memref<888x128xf32, #tpu.memory_space<vmem>> -> memref<640x128xf32, #tpu.memory_space<vmem>>
    tpu.wait_dma2 semaphore(%arg6 : memref<!tpu.dma_semaphore, #tpu.memory_space<semaphore_mem>>) src(%dma_wait3A_418 : memref<640x128xf32, #tpu.memory_space<vmem>>) dst(%dma_wait3A_415 : memref<640x128xf32, #tpu.memory_space<hbm>>)
    %dma_wait3A_419 = arith.constant 640 : i32
    %dma_wait3A_420 = arith.constant 0 : i32
    %dma_wait3A_421 = tpu.memref_slice %arg3[%add3A_196, %dma_wait3A_419, %dma_wait3A_420] : memref<1024x1024x128xf32, #tpu.memory_space<hbm>> -> memref<1x384x128xf32, #tpu.memory_space<hbm>>
    %dma_wait3A_422 = tpu.memref_squeeze %dma_wait3A_421 : memref<1x384x128xf32, #tpu.memory_space<hbm>> -> memref<384x128xf32, #tpu.memory_space<hbm>>
    %dma_wait3A_423 = arith.constant 0 : i32
    %dma_wait3A_424 = tpu.memref_slice %arg4[%add3A_214, %dma_wait3A_423] : memref<2047x128xf32, #tpu.memory_space<vmem_shared>> -> memref<384x128xf32, #tpu.memory_space<vmem_shared>>
    tpu.wait_dma2 semaphore(%arg6 : memref<!tpu.dma_semaphore, #tpu.memory_space<semaphore_mem>>) src(%dma_wait3A_424 : memref<384x128xf32, #tpu.memory_space<vmem_shared>>) dst(%dma_wait3A_422 : memref<384x128xf32, #tpu.memory_space<hbm>>)
    %add3A_425 = arith.constant 80 : i32
    %add3A_426 = arith.addi %add3A_42, %add3A_425 : i32
    %dma_start3A_427 = arith.constant 168 : i32
    %dma_start3A_428 = arith.constant 0 : i32
    %dma_start3A_429 = tpu.memref_slice %arg5[%dma_start3A_427, %dma_start3A_428] : memref<888x128xf32, #tpu.memory_space<vmem>> -> memref<640x128xf32, #tpu.memory_space<vmem>>
    %dma_start3A_430 = arith.constant 0 : i32
    %dma_start3A_431 = arith.constant 0 : i32
    %dma_start3A_432 = tpu.memref_slice %arg3[%add3A_426, %dma_start3A_430, %dma_start3A_431] : memref<1024x1024x128xf32, #tpu.memory_space<hbm>> -> memref<1x640x128xf32, #tpu.memory_space<hbm>>
    %dma_start3A_433 = tpu.memref_squeeze %dma_start3A_432 : memref<1x640x128xf32, #tpu.memory_space<hbm>> -> memref<640x128xf32, #tpu.memory_space<hbm>>
    %dma_start3A_434 = arith.constant 0 : i32
    %dma_start3A_435 = arith.constant 0 : i32
    %dma_start3A_436 = tpu.memref_slice %arg3[%add3A_426, %dma_start3A_434, %dma_start3A_435] : memref<1024x1024x128xf32, #tpu.memory_space<hbm>> -> memref<1x640x128xf32, #tpu.memory_space<hbm>>
    %dma_start3A_437 = tpu.memref_squeeze %dma_start3A_436 : memref<1x640x128xf32, #tpu.memory_space<hbm>> -> memref<640x128xf32, #tpu.memory_space<hbm>>
    %dma_start3A_438 = arith.constant 168 : i32
    %dma_start3A_439 = arith.constant 0 : i32
    %dma_start3A_440 = tpu.memref_slice %arg5[%dma_start3A_438, %dma_start3A_439] : memref<888x128xf32, #tpu.memory_space<vmem>> -> memref<640x128xf32, #tpu.memory_space<vmem>>
    tpu.enqueue_dma source(%dma_start3A_440 : memref<640x128xf32, #tpu.memory_space<vmem>>) target(%dma_start3A_437 : memref<640x128xf32, #tpu.memory_space<hbm>>) target_semaphore(%arg6 : memref<!tpu.dma_semaphore, #tpu.memory_space<semaphore_mem>>)
    %sub3A_441 = arith.constant 1023 : i32
    %sub3A_442 = arith.subi %sub3A_441, %add3A_426 : i32
    %add3A_443 = arith.constant 640 : i32
    %add3A_444 = arith.addi %sub3A_442, %add3A_443 : i32
    %dma_start3A_445 = arith.constant 640 : i32
    %dma_start3A_446 = arith.constant 0 : i32
    %dma_start3A_447 = tpu.memref_slice %arg3[%add3A_426, %dma_start3A_445, %dma_start3A_446] : memref<1024x1024x128xf32, #tpu.memory_space<hbm>> -> memref<1x384x128xf32, #tpu.memory_space<hbm>>
    %dma_start3A_448 = tpu.memref_squeeze %dma_start3A_447 : memref<1x384x128xf32, #tpu.memory_space<hbm>> -> memref<384x128xf32, #tpu.memory_space<hbm>>
    %dma_start3A_449 = arith.constant 0 : i32
    %dma_start3A_450 = tpu.memref_slice %arg4[%add3A_444, %dma_start3A_449] : memref<2047x128xf32, #tpu.memory_space<vmem_shared>> -> memref<384x128xf32, #tpu.memory_space<vmem_shared>>
    tpu.enqueue_dma source(%dma_start3A_450 : memref<384x128xf32, #tpu.memory_space<vmem_shared>>) target(%dma_start3A_448 : memref<384x128xf32, #tpu.memory_space<hbm>>) target_semaphore(%arg6 : memref<!tpu.dma_semaphore, #tpu.memory_space<semaphore_mem>>)
    %dma_wait3A_451 = arith.constant 200 : i32
    %dma_wait3A_452 = arith.constant 0 : i32
    %dma_wait3A_453 = tpu.memref_slice %arg5[%dma_wait3A_451, %dma_wait3A_452] : memref<888x128xf32, #tpu.memory_space<vmem>> -> memref<640x128xf32, #tpu.memory_space<vmem>>
    %dma_wait3A_454 = arith.constant 0 : i32
    %dma_wait3A_455 = arith.constant 0 : i32
    %dma_wait3A_456 = tpu.memref_slice %arg3[%add3A_242, %dma_wait3A_454, %dma_wait3A_455] : memref<1024x1024x128xf32, #tpu.memory_space<hbm>> -> memref<1x640x128xf32, #tpu.memory_space<hbm>>
    %dma_wait3A_457 = tpu.memref_squeeze %dma_wait3A_456 : memref<1x640x128xf32, #tpu.memory_space<hbm>> -> memref<640x128xf32, #tpu.memory_space<hbm>>
    %dma_wait3A_458 = arith.constant 0 : i32
    %dma_wait3A_459 = arith.constant 0 : i32
    %dma_wait3A_460 = tpu.memref_slice %arg3[%add3A_242, %dma_wait3A_458, %dma_wait3A_459] : memref<1024x1024x128xf32, #tpu.memory_space<hbm>> -> memref<1x640x128xf32, #tpu.memory_space<hbm>>
    %dma_wait3A_461 = tpu.memref_squeeze %dma_wait3A_460 : memref<1x640x128xf32, #tpu.memory_space<hbm>> -> memref<640x128xf32, #tpu.memory_space<hbm>>
    %dma_wait3A_462 = arith.constant 200 : i32
    %dma_wait3A_463 = arith.constant 0 : i32
    %dma_wait3A_464 = tpu.memref_slice %arg5[%dma_wait3A_462, %dma_wait3A_463] : memref<888x128xf32, #tpu.memory_space<vmem>> -> memref<640x128xf32, #tpu.memory_space<vmem>>
    tpu.wait_dma2 semaphore(%arg6 : memref<!tpu.dma_semaphore, #tpu.memory_space<semaphore_mem>>) src(%dma_wait3A_464 : memref<640x128xf32, #tpu.memory_space<vmem>>) dst(%dma_wait3A_461 : memref<640x128xf32, #tpu.memory_space<hbm>>)
    %dma_wait3A_465 = arith.constant 640 : i32
    %dma_wait3A_466 = arith.constant 0 : i32
    %dma_wait3A_467 = tpu.memref_slice %arg3[%add3A_242, %dma_wait3A_465, %dma_wait3A_466] : memref<1024x1024x128xf32, #tpu.memory_space<hbm>> -> memref<1x384x128xf32, #tpu.memory_space<hbm>>
    %dma_wait3A_468 = tpu.memref_squeeze %dma_wait3A_467 : memref<1x384x128xf32, #tpu.memory_space<hbm>> -> memref<384x128xf32, #tpu.memory_space<hbm>>
    %dma_wait3A_469 = arith.constant 0 : i32
    %dma_wait3A_470 = tpu.memref_slice %arg4[%add3A_260, %dma_wait3A_469] : memref<2047x128xf32, #tpu.memory_space<vmem_shared>> -> memref<384x128xf32, #tpu.memory_space<vmem_shared>>
    tpu.wait_dma2 semaphore(%arg6 : memref<!tpu.dma_semaphore, #tpu.memory_space<semaphore_mem>>) src(%dma_wait3A_470 : memref<384x128xf32, #tpu.memory_space<vmem_shared>>) dst(%dma_wait3A_468 : memref<384x128xf32, #tpu.memory_space<hbm>>)
    %add3A_471 = arith.constant 88 : i32
    %add3A_472 = arith.addi %add3A_42, %add3A_471 : i32
    %dma_start3A_473 = arith.constant 160 : i32
    %dma_start3A_474 = arith.constant 0 : i32
    %dma_start3A_475 = tpu.memref_slice %arg5[%dma_start3A_473, %dma_start3A_474] : memref<888x128xf32, #tpu.memory_space<vmem>> -> memref<640x128xf32, #tpu.memory_space<vmem>>
    %dma_start3A_476 = arith.constant 0 : i32
    %dma_start3A_477 = arith.constant 0 : i32
    %dma_start3A_478 = tpu.memref_slice %arg3[%add3A_472, %dma_start3A_476, %dma_start3A_477] : memref<1024x1024x128xf32, #tpu.memory_space<hbm>> -> memref<1x640x128xf32, #tpu.memory_space<hbm>>
    %dma_start3A_479 = tpu.memref_squeeze %dma_start3A_478 : memref<1x640x128xf32, #tpu.memory_space<hbm>> -> memref<640x128xf32, #tpu.memory_space<hbm>>
    %dma_start3A_480 = arith.constant 0 : i32
    %dma_start3A_481 = arith.constant 0 : i32
    %dma_start3A_482 = tpu.memref_slice %arg3[%add3A_472, %dma_start3A_480, %dma_start3A_481] : memref<1024x1024x128xf32, #tpu.memory_space<hbm>> -> memref<1x640x128xf32, #tpu.memory_space<hbm>>
    %dma_start3A_483 = tpu.memref_squeeze %dma_start3A_482 : memref<1x640x128xf32, #tpu.memory_space<hbm>> -> memref<640x128xf32, #tpu.memory_space<hbm>>
    %dma_start3A_484 = arith.constant 160 : i32
    %dma_start3A_485 = arith.constant 0 : i32
    %dma_start3A_486 = tpu.memref_slice %arg5[%dma_start3A_484, %dma_start3A_485] : memref<888x128xf32, #tpu.memory_space<vmem>> -> memref<640x128xf32, #tpu.memory_space<vmem>>
    tpu.enqueue_dma source(%dma_start3A_486 : memref<640x128xf32, #tpu.memory_space<vmem>>) target(%dma_start3A_483 : memref<640x128xf32, #tpu.memory_space<hbm>>) target_semaphore(%arg6 : memref<!tpu.dma_semaphore, #tpu.memory_space<semaphore_mem>>)
    %sub3A_487 = arith.constant 1023 : i32
    %sub3A_488 = arith.subi %sub3A_487, %add3A_472 : i32
    %add3A_489 = arith.constant 640 : i32
    %add3A_490 = arith.addi %sub3A_488, %add3A_489 : i32
    %dma_start3A_491 = arith.constant 640 : i32
    %dma_start3A_492 = arith.constant 0 : i32
    %dma_start3A_493 = tpu.memref_slice %arg3[%add3A_472, %dma_start3A_491, %dma_start3A_492] : memref<1024x1024x128xf32, #tpu.memory_space<hbm>> -> memref<1x384x128xf32, #tpu.memory_space<hbm>>
    %dma_start3A_494 = tpu.memref_squeeze %dma_start3A_493 : memref<1x384x128xf32, #tpu.memory_space<hbm>> -> memref<384x128xf32, #tpu.memory_space<hbm>>
    %dma_start3A_495 = arith.constant 0 : i32
    %dma_start3A_496 = tpu.memref_slice %arg4[%add3A_490, %dma_start3A_495] : memref<2047x128xf32, #tpu.memory_space<vmem_shared>> -> memref<384x128xf32, #tpu.memory_space<vmem_shared>>
    tpu.enqueue_dma source(%dma_start3A_496 : memref<384x128xf32, #tpu.memory_space<vmem_shared>>) target(%dma_start3A_494 : memref<384x128xf32, #tpu.memory_space<hbm>>) target_semaphore(%arg6 : memref<!tpu.dma_semaphore, #tpu.memory_space<semaphore_mem>>)
    %dma_wait3A_497 = arith.constant 192 : i32
    %dma_wait3A_498 = arith.constant 0 : i32
    %dma_wait3A_499 = tpu.memref_slice %arg5[%dma_wait3A_497, %dma_wait3A_498] : memref<888x128xf32, #tpu.memory_space<vmem>> -> memref<640x128xf32, #tpu.memory_space<vmem>>
    %dma_wait3A_500 = arith.constant 0 : i32
    %dma_wait3A_501 = arith.constant 0 : i32
    %dma_wait3A_502 = tpu.memref_slice %arg3[%add3A_288, %dma_wait3A_500, %dma_wait3A_501] : memref<1024x1024x128xf32, #tpu.memory_space<hbm>> -> memref<1x640x128xf32, #tpu.memory_space<hbm>>
    %dma_wait3A_503 = tpu.memref_squeeze %dma_wait3A_502 : memref<1x640x128xf32, #tpu.memory_space<hbm>> -> memref<640x128xf32, #tpu.memory_space<hbm>>
    %dma_wait3A_504 = arith.constant 0 : i32
    %dma_wait3A_505 = arith.constant 0 : i32
    %dma_wait3A_506 = tpu.memref_slice %arg3[%add3A_288, %dma_wait3A_504, %dma_wait3A_505] : memref<1024x1024x128xf32, #tpu.memory_space<hbm>> -> memref<1x640x128xf32, #tpu.memory_space<hbm>>
    %dma_wait3A_507 = tpu.memref_squeeze %dma_wait3A_506 : memref<1x640x128xf32, #tpu.memory_space<hbm>> -> memref<640x128xf32, #tpu.memory_space<hbm>>
    %dma_wait3A_508 = arith.constant 192 : i32
    %dma_wait3A_509 = arith.constant 0 : i32
    %dma_wait3A_510 = tpu.memref_slice %arg5[%dma_wait3A_508, %dma_wait3A_509] : memref<888x128xf32, #tpu.memory_space<vmem>> -> memref<640x128xf32, #tpu.memory_space<vmem>>
    tpu.wait_dma2 semaphore(%arg6 : memref<!tpu.dma_semaphore, #tpu.memory_space<semaphore_mem>>) src(%dma_wait3A_510 : memref<640x128xf32, #tpu.memory_space<vmem>>) dst(%dma_wait3A_507 : memref<640x128xf32, #tpu.memory_space<hbm>>)
    %dma_wait3A_511 = arith.constant 640 : i32
    %dma_wait3A_512 = arith.constant 0 : i32
    %dma_wait3A_513 = tpu.memref_slice %arg3[%add3A_288, %dma_wait3A_511, %dma_wait3A_512] : memref<1024x1024x128xf32, #tpu.memory_space<hbm>> -> memref<1x384x128xf32, #tpu.memory_space<hbm>>
    %dma_wait3A_514 = tpu.memref_squeeze %dma_wait3A_513 : memref<1x384x128xf32, #tpu.memory_space<hbm>> -> memref<384x128xf32, #tpu.memory_space<hbm>>
    %dma_wait3A_515 = arith.constant 0 : i32
    %dma_wait3A_516 = tpu.memref_slice %arg4[%add3A_306, %dma_wait3A_515] : memref<2047x128xf32, #tpu.memory_space<vmem_shared>> -> memref<384x128xf32, #tpu.memory_space<vmem_shared>>
    tpu.wait_dma2 semaphore(%arg6 : memref<!tpu.dma_semaphore, #tpu.memory_space<semaphore_mem>>) src(%dma_wait3A_516 : memref<384x128xf32, #tpu.memory_space<vmem_shared>>) dst(%dma_wait3A_514 : memref<384x128xf32, #tpu.memory_space<hbm>>)
    %add3A_517 = arith.constant 96 : i32
    %add3A_518 = arith.addi %add3A_42, %add3A_517 : i32
    %dma_start3A_519 = arith.constant 152 : i32
    %dma_start3A_520 = arith.constant 0 : i32
    %dma_start3A_521 = tpu.memref_slice %arg5[%dma_start3A_519, %dma_start3A_520] : memref<888x128xf32, #tpu.memory_space<vmem>> -> memref<640x128xf32, #tpu.memory_space<vmem>>
    %dma_start3A_522 = arith.constant 0 : i32
    %dma_start3A_523 = arith.constant 0 : i32
    %dma_start3A_524 = tpu.memref_slice %arg3[%add3A_518, %dma_start3A_522, %dma_start3A_523] : memref<1024x1024x128xf32, #tpu.memory_space<hbm>> -> memref<1x640x128xf32, #tpu.memory_space<hbm>>
    %dma_start3A_525 = tpu.memref_squeeze %dma_start3A_524 : memref<1x640x128xf32, #tpu.memory_space<hbm>> -> memref<640x128xf32, #tpu.memory_space<hbm>>
    %dma_start3A_526 = arith.constant 0 : i32
    %dma_start3A_527 = arith.constant 0 : i32
    %dma_start3A_528 = tpu.memref_slice %arg3[%add3A_518, %dma_start3A_526, %dma_start3A_527] : memref<1024x1024x128xf32, #tpu.memory_space<hbm>> -> memref<1x640x128xf32, #tpu.memory_space<hbm>>
    %dma_start3A_529 = tpu.memref_squeeze %dma_start3A_528 : memref<1x640x128xf32, #tpu.memory_space<hbm>> -> memref<640x128xf32, #tpu.memory_space<hbm>>
    %dma_start3A_530 = arith.constant 152 : i32
    %dma_start3A_531 = arith.constant 0 : i32
    %dma_start3A_532 = tpu.memref_slice %arg5[%dma_start3A_530, %dma_start3A_531] : memref<888x128xf32, #tpu.memory_space<vmem>> -> memref<640x128xf32, #tpu.memory_space<vmem>>
    tpu.enqueue_dma source(%dma_start3A_532 : memref<640x128xf32, #tpu.memory_space<vmem>>) target(%dma_start3A_529 : memref<640x128xf32, #tpu.memory_space<hbm>>) target_semaphore(%arg6 : memref<!tpu.dma_semaphore, #tpu.memory_space<semaphore_mem>>)
    %sub3A_533 = arith.constant 1023 : i32
    %sub3A_534 = arith.subi %sub3A_533, %add3A_518 : i32
    %add3A_535 = arith.constant 640 : i32
    %add3A_536 = arith.addi %sub3A_534, %add3A_535 : i32
    %dma_start3A_537 = arith.constant 640 : i32
    %dma_start3A_538 = arith.constant 0 : i32
    %dma_start3A_539 = tpu.memref_slice %arg3[%add3A_518, %dma_start3A_537, %dma_start3A_538] : memref<1024x1024x128xf32, #tpu.memory_space<hbm>> -> memref<1x384x128xf32, #tpu.memory_space<hbm>>
    %dma_start3A_540 = tpu.memref_squeeze %dma_start3A_539 : memref<1x384x128xf32, #tpu.memory_space<hbm>> -> memref<384x128xf32, #tpu.memory_space<hbm>>
    %dma_start3A_541 = arith.constant 0 : i32
    %dma_start3A_542 = tpu.memref_slice %arg4[%add3A_536, %dma_start3A_541] : memref<2047x128xf32, #tpu.memory_space<vmem_shared>> -> memref<384x128xf32, #tpu.memory_space<vmem_shared>>
    tpu.enqueue_dma source(%dma_start3A_542 : memref<384x128xf32, #tpu.memory_space<vmem_shared>>) target(%dma_start3A_540 : memref<384x128xf32, #tpu.memory_space<hbm>>) target_semaphore(%arg6 : memref<!tpu.dma_semaphore, #tpu.memory_space<semaphore_mem>>)
    %dma_wait3A_543 = arith.constant 184 : i32
    %dma_wait3A_544 = arith.constant 0 : i32
    %dma_wait3A_545 = tpu.memref_slice %arg5[%dma_wait3A_543, %dma_wait3A_544] : memref<888x128xf32, #tpu.memory_space<vmem>> -> memref<640x128xf32, #tpu.memory_space<vmem>>
    %dma_wait3A_546 = arith.constant 0 : i32
    %dma_wait3A_547 = arith.constant 0 : i32
    %dma_wait3A_548 = tpu.memref_slice %arg3[%add3A_334, %dma_wait3A_546, %dma_wait3A_547] : memref<1024x1024x128xf32, #tpu.memory_space<hbm>> -> memref<1x640x128xf32, #tpu.memory_space<hbm>>
    %dma_wait3A_549 = tpu.memref_squeeze %dma_wait3A_548 : memref<1x640x128xf32, #tpu.memory_space<hbm>> -> memref<640x128xf32, #tpu.memory_space<hbm>>
    %dma_wait3A_550 = arith.constant 0 : i32
    %dma_wait3A_551 = arith.constant 0 : i32
    %dma_wait3A_552 = tpu.memref_slice %arg3[%add3A_334, %dma_wait3A_550, %dma_wait3A_551] : memref<1024x1024x128xf32, #tpu.memory_space<hbm>> -> memref<1x640x128xf32, #tpu.memory_space<hbm>>
    %dma_wait3A_553 = tpu.memref_squeeze %dma_wait3A_552 : memref<1x640x128xf32, #tpu.memory_space<hbm>> -> memref<640x128xf32, #tpu.memory_space<hbm>>
    %dma_wait3A_554 = arith.constant 184 : i32
    %dma_wait3A_555 = arith.constant 0 : i32
    %dma_wait3A_556 = tpu.memref_slice %arg5[%dma_wait3A_554, %dma_wait3A_555] : memref<888x128xf32, #tpu.memory_space<vmem>> -> memref<640x128xf32, #tpu.memory_space<vmem>>
    tpu.wait_dma2 semaphore(%arg6 : memref<!tpu.dma_semaphore, #tpu.memory_space<semaphore_mem>>) src(%dma_wait3A_556 : memref<640x128xf32, #tpu.memory_space<vmem>>) dst(%dma_wait3A_553 : memref<640x128xf32, #tpu.memory_space<hbm>>)
    %dma_wait3A_557 = arith.constant 640 : i32
    %dma_wait3A_558 = arith.constant 0 : i32
    %dma_wait3A_559 = tpu.memref_slice %arg3[%add3A_334, %dma_wait3A_557, %dma_wait3A_558] : memref<1024x1024x128xf32, #tpu.memory_space<hbm>> -> memref<1x384x128xf32, #tpu.memory_space<hbm>>
    %dma_wait3A_560 = tpu.memref_squeeze %dma_wait3A_559 : memref<1x384x128xf32, #tpu.memory_space<hbm>> -> memref<384x128xf32, #tpu.memory_space<hbm>>
    %dma_wait3A_561 = arith.constant 0 : i32
    %dma_wait3A_562 = tpu.memref_slice %arg4[%add3A_352, %dma_wait3A_561] : memref<2047x128xf32, #tpu.memory_space<vmem_shared>> -> memref<384x128xf32, #tpu.memory_space<vmem_shared>>
    tpu.wait_dma2 semaphore(%arg6 : memref<!tpu.dma_semaphore, #tpu.memory_space<semaphore_mem>>) src(%dma_wait3A_562 : memref<384x128xf32, #tpu.memory_space<vmem_shared>>) dst(%dma_wait3A_560 : memref<384x128xf32, #tpu.memory_space<hbm>>)
    %add3A_563 = arith.constant 104 : i32
    %add3A_564 = arith.addi %add3A_42, %add3A_563 : i32
    %dma_start3A_565 = arith.constant 144 : i32
    %dma_start3A_566 = arith.constant 0 : i32
    %dma_start3A_567 = tpu.memref_slice %arg5[%dma_start3A_565, %dma_start3A_566] : memref<888x128xf32, #tpu.memory_space<vmem>> -> memref<640x128xf32, #tpu.memory_space<vmem>>
    %dma_start3A_568 = arith.constant 0 : i32
    %dma_start3A_569 = arith.constant 0 : i32
    %dma_start3A_570 = tpu.memref_slice %arg3[%add3A_564, %dma_start3A_568, %dma_start3A_569] : memref<1024x1024x128xf32, #tpu.memory_space<hbm>> -> memref<1x640x128xf32, #tpu.memory_space<hbm>>
    %dma_start3A_571 = tpu.memref_squeeze %dma_start3A_570 : memref<1x640x128xf32, #tpu.memory_space<hbm>> -> memref<640x128xf32, #tpu.memory_space<hbm>>
    %dma_start3A_572 = arith.constant 0 : i32
    %dma_start3A_573 = arith.constant 0 : i32
    %dma_start3A_574 = tpu.memref_slice %arg3[%add3A_564, %dma_start3A_572, %dma_start3A_573] : memref<1024x1024x128xf32, #tpu.memory_space<hbm>> -> memref<1x640x128xf32, #tpu.memory_space<hbm>>
    %dma_start3A_575 = tpu.memref_squeeze %dma_start3A_574 : memref<1x640x128xf32, #tpu.memory_space<hbm>> -> memref<640x128xf32, #tpu.memory_space<hbm>>
    %dma_start3A_576 = arith.constant 144 : i32
    %dma_start3A_577 = arith.constant 0 : i32
    %dma_start3A_578 = tpu.memref_slice %arg5[%dma_start3A_576, %dma_start3A_577] : memref<888x128xf32, #tpu.memory_space<vmem>> -> memref<640x128xf32, #tpu.memory_space<vmem>>
    tpu.enqueue_dma source(%dma_start3A_578 : memref<640x128xf32, #tpu.memory_space<vmem>>) target(%dma_start3A_575 : memref<640x128xf32, #tpu.memory_space<hbm>>) target_semaphore(%arg6 : memref<!tpu.dma_semaphore, #tpu.memory_space<semaphore_mem>>)
    %sub3A_579 = arith.constant 1023 : i32
    %sub3A_580 = arith.subi %sub3A_579, %add3A_564 : i32
    %add3A_581 = arith.constant 640 : i32
    %add3A_582 = arith.addi %sub3A_580, %add3A_581 : i32
    %dma_start3A_583 = arith.constant 640 : i32
    %dma_start3A_584 = arith.constant 0 : i32
    %dma_start3A_585 = tpu.memref_slice %arg3[%add3A_564, %dma_start3A_583, %dma_start3A_584] : memref<1024x1024x128xf32, #tpu.memory_space<hbm>> -> memref<1x384x128xf32, #tpu.memory_space<hbm>>
    %dma_start3A_586 = tpu.memref_squeeze %dma_start3A_585 : memref<1x384x128xf32, #tpu.memory_space<hbm>> -> memref<384x128xf32, #tpu.memory_space<hbm>>
    %dma_start3A_587 = arith.constant 0 : i32
    %dma_start3A_588 = tpu.memref_slice %arg4[%add3A_582, %dma_start3A_587] : memref<2047x128xf32, #tpu.memory_space<vmem_shared>> -> memref<384x128xf32, #tpu.memory_space<vmem_shared>>
    tpu.enqueue_dma source(%dma_start3A_588 : memref<384x128xf32, #tpu.memory_space<vmem_shared>>) target(%dma_start3A_586 : memref<384x128xf32, #tpu.memory_space<hbm>>) target_semaphore(%arg6 : memref<!tpu.dma_semaphore, #tpu.memory_space<semaphore_mem>>)
    %dma_wait3A_589 = arith.constant 176 : i32
    %dma_wait3A_590 = arith.constant 0 : i32
    %dma_wait3A_591 = tpu.memref_slice %arg5[%dma_wait3A_589, %dma_wait3A_590] : memref<888x128xf32, #tpu.memory_space<vmem>> -> memref<640x128xf32, #tpu.memory_space<vmem>>
    %dma_wait3A_592 = arith.constant 0 : i32
    %dma_wait3A_593 = arith.constant 0 : i32
    %dma_wait3A_594 = tpu.memref_slice %arg3[%add3A_380, %dma_wait3A_592, %dma_wait3A_593] : memref<1024x1024x128xf32, #tpu.memory_space<hbm>> -> memref<1x640x128xf32, #tpu.memory_space<hbm>>
    %dma_wait3A_595 = tpu.memref_squeeze %dma_wait3A_594 : memref<1x640x128xf32, #tpu.memory_space<hbm>> -> memref<640x128xf32, #tpu.memory_space<hbm>>
    %dma_wait3A_596 = arith.constant 0 : i32
    %dma_wait3A_597 = arith.constant 0 : i32
    %dma_wait3A_598 = tpu.memref_slice %arg3[%add3A_380, %dma_wait3A_596, %dma_wait3A_597] : memref<1024x1024x128xf32, #tpu.memory_space<hbm>> -> memref<1x640x128xf32, #tpu.memory_space<hbm>>
    %dma_wait3A_599 = tpu.memref_squeeze %dma_wait3A_598 : memref<1x640x128xf32, #tpu.memory_space<hbm>> -> memref<640x128xf32, #tpu.memory_space<hbm>>
    %dma_wait3A_600 = arith.constant 176 : i32
    %dma_wait3A_601 = arith.constant 0 : i32
    %dma_wait3A_602 = tpu.memref_slice %arg5[%dma_wait3A_600, %dma_wait3A_601] : memref<888x128xf32, #tpu.memory_space<vmem>> -> memref<640x128xf32, #tpu.memory_space<vmem>>
    tpu.wait_dma2 semaphore(%arg6 : memref<!tpu.dma_semaphore, #tpu.memory_space<semaphore_mem>>) src(%dma_wait3A_602 : memref<640x128xf32, #tpu.memory_space<vmem>>) dst(%dma_wait3A_599 : memref<640x128xf32, #tpu.memory_space<hbm>>)
    %dma_wait3A_603 = arith.constant 640 : i32
    %dma_wait3A_604 = arith.constant 0 : i32
    %dma_wait3A_605 = tpu.memref_slice %arg3[%add3A_380, %dma_wait3A_603, %dma_wait3A_604] : memref<1024x1024x128xf32, #tpu.memory_space<hbm>> -> memref<1x384x128xf32, #tpu.memory_space<hbm>>
    %dma_wait3A_606 = tpu.memref_squeeze %dma_wait3A_605 : memref<1x384x128xf32, #tpu.memory_space<hbm>> -> memref<384x128xf32, #tpu.memory_space<hbm>>
    %dma_wait3A_607 = arith.constant 0 : i32
    %dma_wait3A_608 = tpu.memref_slice %arg4[%add3A_398, %dma_wait3A_607] : memref<2047x128xf32, #tpu.memory_space<vmem_shared>> -> memref<384x128xf32, #tpu.memory_space<vmem_shared>>
    tpu.wait_dma2 semaphore(%arg6 : memref<!tpu.dma_semaphore, #tpu.memory_space<semaphore_mem>>) src(%dma_wait3A_608 : memref<384x128xf32, #tpu.memory_space<vmem_shared>>) dst(%dma_wait3A_606 : memref<384x128xf32, #tpu.memory_space<hbm>>)
    %add3A_609 = arith.constant 112 : i32
    %add3A_610 = arith.addi %add3A_42, %add3A_609 : i32
    %dma_start3A_611 = arith.constant 136 : i32
    %dma_start3A_612 = arith.constant 0 : i32
    %dma_start3A_613 = tpu.memref_slice %arg5[%dma_start3A_611, %dma_start3A_612] : memref<888x128xf32, #tpu.memory_space<vmem>> -> memref<640x128xf32, #tpu.memory_space<vmem>>
    %dma_start3A_614 = arith.constant 0 : i32
    %dma_start3A_615 = arith.constant 0 : i32
    %dma_start3A_616 = tpu.memref_slice %arg3[%add3A_610, %dma_start3A_614, %dma_start3A_615] : memref<1024x1024x128xf32, #tpu.memory_space<hbm>> -> memref<1x640x128xf32, #tpu.memory_space<hbm>>
    %dma_start3A_617 = tpu.memref_squeeze %dma_start3A_616 : memref<1x640x128xf32, #tpu.memory_space<hbm>> -> memref<640x128xf32, #tpu.memory_space<hbm>>
    %dma_start3A_618 = arith.constant 0 : i32
    %dma_start3A_619 = arith.constant 0 : i32
    %dma_start3A_620 = tpu.memref_slice %arg3[%add3A_610, %dma_start3A_618, %dma_start3A_619] : memref<1024x1024x128xf32, #tpu.memory_space<hbm>> -> memref<1x640x128xf32, #tpu.memory_space<hbm>>
    %dma_start3A_621 = tpu.memref_squeeze %dma_start3A_620 : memref<1x640x128xf32, #tpu.memory_space<hbm>> -> memref<640x128xf32, #tpu.memory_space<hbm>>
    %dma_start3A_622 = arith.constant 136 : i32
    %dma_start3A_623 = arith.constant 0 : i32
    %dma_start3A_624 = tpu.memref_slice %arg5[%dma_start3A_622, %dma_start3A_623] : memref<888x128xf32, #tpu.memory_space<vmem>> -> memref<640x128xf32, #tpu.memory_space<vmem>>
    tpu.enqueue_dma source(%dma_start3A_624 : memref<640x128xf32, #tpu.memory_space<vmem>>) target(%dma_start3A_621 : memref<640x128xf32, #tpu.memory_space<hbm>>) target_semaphore(%arg6 : memref<!tpu.dma_semaphore, #tpu.memory_space<semaphore_mem>>)
    %sub3A_625 = arith.constant 1023 : i32
    %sub3A_626 = arith.subi %sub3A_625, %add3A_610 : i32
    %add3A_627 = arith.constant 640 : i32
    %add3A_628 = arith.addi %sub3A_626, %add3A_627 : i32
    %dma_start3A_629 = arith.constant 640 : i32
    %dma_start3A_630 = arith.constant 0 : i32
    %dma_start3A_631 = tpu.memref_slice %arg3[%add3A_610, %dma_start3A_629, %dma_start3A_630] : memref<1024x1024x128xf32, #tpu.memory_space<hbm>> -> memref<1x384x128xf32, #tpu.memory_space<hbm>>
    %dma_start3A_632 = tpu.memref_squeeze %dma_start3A_631 : memref<1x384x128xf32, #tpu.memory_space<hbm>> -> memref<384x128xf32, #tpu.memory_space<hbm>>
    %dma_start3A_633 = arith.constant 0 : i32
    %dma_start3A_634 = tpu.memref_slice %arg4[%add3A_628, %dma_start3A_633] : memref<2047x128xf32, #tpu.memory_space<vmem_shared>> -> memref<384x128xf32, #tpu.memory_space<vmem_shared>>
    tpu.enqueue_dma source(%dma_start3A_634 : memref<384x128xf32, #tpu.memory_space<vmem_shared>>) target(%dma_start3A_632 : memref<384x128xf32, #tpu.memory_space<hbm>>) target_semaphore(%arg6 : memref<!tpu.dma_semaphore, #tpu.memory_space<semaphore_mem>>)
    %dma_wait3A_635 = arith.constant 168 : i32
    %dma_wait3A_636 = arith.constant 0 : i32
    %dma_wait3A_637 = tpu.memref_slice %arg5[%dma_wait3A_635, %dma_wait3A_636] : memref<888x128xf32, #tpu.memory_space<vmem>> -> memref<640x128xf32, #tpu.memory_space<vmem>>
    %dma_wait3A_638 = arith.constant 0 : i32
    %dma_wait3A_639 = arith.constant 0 : i32
    %dma_wait3A_640 = tpu.memref_slice %arg3[%add3A_426, %dma_wait3A_638, %dma_wait3A_639] : memref<1024x1024x128xf32, #tpu.memory_space<hbm>> -> memref<1x640x128xf32, #tpu.memory_space<hbm>>
    %dma_wait3A_641 = tpu.memref_squeeze %dma_wait3A_640 : memref<1x640x128xf32, #tpu.memory_space<hbm>> -> memref<640x128xf32, #tpu.memory_space<hbm>>
    %dma_wait3A_642 = arith.constant 0 : i32
    %dma_wait3A_643 = arith.constant 0 : i32
    %dma_wait3A_644 = tpu.memref_slice %arg3[%add3A_426, %dma_wait3A_642, %dma_wait3A_643] : memref<1024x1024x128xf32, #tpu.memory_space<hbm>> -> memref<1x640x128xf32, #tpu.memory_space<hbm>>
    %dma_wait3A_645 = tpu.memref_squeeze %dma_wait3A_644 : memref<1x640x128xf32, #tpu.memory_space<hbm>> -> memref<640x128xf32, #tpu.memory_space<hbm>>
    %dma_wait3A_646 = arith.constant 168 : i32
    %dma_wait3A_647 = arith.constant 0 : i32
    %dma_wait3A_648 = tpu.memref_slice %arg5[%dma_wait3A_646, %dma_wait3A_647] : memref<888x128xf32, #tpu.memory_space<vmem>> -> memref<640x128xf32, #tpu.memory_space<vmem>>
    tpu.wait_dma2 semaphore(%arg6 : memref<!tpu.dma_semaphore, #tpu.memory_space<semaphore_mem>>) src(%dma_wait3A_648 : memref<640x128xf32, #tpu.memory_space<vmem>>) dst(%dma_wait3A_645 : memref<640x128xf32, #tpu.memory_space<hbm>>)
    %dma_wait3A_649 = arith.constant 640 : i32
    %dma_wait3A_650 = arith.constant 0 : i32
    %dma_wait3A_651 = tpu.memref_slice %arg3[%add3A_426, %dma_wait3A_649, %dma_wait3A_650] : memref<1024x1024x128xf32, #tpu.memory_space<hbm>> -> memref<1x384x128xf32, #tpu.memory_space<hbm>>
    %dma_wait3A_652 = tpu.memref_squeeze %dma_wait3A_651 : memref<1x384x128xf32, #tpu.memory_space<hbm>> -> memref<384x128xf32, #tpu.memory_space<hbm>>
    %dma_wait3A_653 = arith.constant 0 : i32
    %dma_wait3A_654 = tpu.memref_slice %arg4[%add3A_444, %dma_wait3A_653] : memref<2047x128xf32, #tpu.memory_space<vmem_shared>> -> memref<384x128xf32, #tpu.memory_space<vmem_shared>>
    tpu.wait_dma2 semaphore(%arg6 : memref<!tpu.dma_semaphore, #tpu.memory_space<semaphore_mem>>) src(%dma_wait3A_654 : memref<384x128xf32, #tpu.memory_space<vmem_shared>>) dst(%dma_wait3A_652 : memref<384x128xf32, #tpu.memory_space<hbm>>)
    %add3A_655 = arith.constant 120 : i32
    %add3A_656 = arith.addi %add3A_42, %add3A_655 : i32
    %dma_start3A_657 = arith.constant 128 : i32
    %dma_start3A_658 = arith.constant 0 : i32
    %dma_start3A_659 = tpu.memref_slice %arg5[%dma_start3A_657, %dma_start3A_658] : memref<888x128xf32, #tpu.memory_space<vmem>> -> memref<640x128xf32, #tpu.memory_space<vmem>>
    %dma_start3A_660 = arith.constant 0 : i32
    %dma_start3A_661 = arith.constant 0 : i32
    %dma_start3A_662 = tpu.memref_slice %arg3[%add3A_656, %dma_start3A_660, %dma_start3A_661] : memref<1024x1024x128xf32, #tpu.memory_space<hbm>> -> memref<1x640x128xf32, #tpu.memory_space<hbm>>
    %dma_start3A_663 = tpu.memref_squeeze %dma_start3A_662 : memref<1x640x128xf32, #tpu.memory_space<hbm>> -> memref<640x128xf32, #tpu.memory_space<hbm>>
    %dma_start3A_664 = arith.constant 0 : i32
    %dma_start3A_665 = arith.constant 0 : i32
    %dma_start3A_666 = tpu.memref_slice %arg3[%add3A_656, %dma_start3A_664, %dma_start3A_665] : memref<1024x1024x128xf32, #tpu.memory_space<hbm>> -> memref<1x640x128xf32, #tpu.memory_space<hbm>>
    %dma_start3A_667 = tpu.memref_squeeze %dma_start3A_666 : memref<1x640x128xf32, #tpu.memory_space<hbm>> -> memref<640x128xf32, #tpu.memory_space<hbm>>
    %dma_start3A_668 = arith.constant 128 : i32
    %dma_start3A_669 = arith.constant 0 : i32
    %dma_start3A_670 = tpu.memref_slice %arg5[%dma_start3A_668, %dma_start3A_669] : memref<888x128xf32, #tpu.memory_space<vmem>> -> memref<640x128xf32, #tpu.memory_space<vmem>>
    tpu.enqueue_dma source(%dma_start3A_670 : memref<640x128xf32, #tpu.memory_space<vmem>>) target(%dma_start3A_667 : memref<640x128xf32, #tpu.memory_space<hbm>>) target_semaphore(%arg6 : memref<!tpu.dma_semaphore, #tpu.memory_space<semaphore_mem>>)
    %sub3A_671 = arith.constant 1023 : i32
    %sub3A_672 = arith.subi %sub3A_671, %add3A_656 : i32
    %add3A_673 = arith.constant 640 : i32
    %add3A_674 = arith.addi %sub3A_672, %add3A_673 : i32
    %dma_start3A_675 = arith.constant 640 : i32
    %dma_start3A_676 = arith.constant 0 : i32
    %dma_start3A_677 = tpu.memref_slice %arg3[%add3A_656, %dma_start3A_675, %dma_start3A_676] : memref<1024x1024x128xf32, #tpu.memory_space<hbm>> -> memref<1x384x128xf32, #tpu.memory_space<hbm>>
    %dma_start3A_678 = tpu.memref_squeeze %dma_start3A_677 : memref<1x384x128xf32, #tpu.memory_space<hbm>> -> memref<384x128xf32, #tpu.memory_space<hbm>>
    %dma_start3A_679 = arith.constant 0 : i32
    %dma_start3A_680 = tpu.memref_slice %arg4[%add3A_674, %dma_start3A_679] : memref<2047x128xf32, #tpu.memory_space<vmem_shared>> -> memref<384x128xf32, #tpu.memory_space<vmem_shared>>
    tpu.enqueue_dma source(%dma_start3A_680 : memref<384x128xf32, #tpu.memory_space<vmem_shared>>) target(%dma_start3A_678 : memref<384x128xf32, #tpu.memory_space<hbm>>) target_semaphore(%arg6 : memref<!tpu.dma_semaphore, #tpu.memory_space<semaphore_mem>>)
    %dma_wait3A_681 = arith.constant 160 : i32
    %dma_wait3A_682 = arith.constant 0 : i32
    %dma_wait3A_683 = tpu.memref_slice %arg5[%dma_wait3A_681, %dma_wait3A_682] : memref<888x128xf32, #tpu.memory_space<vmem>> -> memref<640x128xf32, #tpu.memory_space<vmem>>
    %dma_wait3A_684 = arith.constant 0 : i32
    %dma_wait3A_685 = arith.constant 0 : i32
    %dma_wait3A_686 = tpu.memref_slice %arg3[%add3A_472, %dma_wait3A_684, %dma_wait3A_685] : memref<1024x1024x128xf32, #tpu.memory_space<hbm>> -> memref<1x640x128xf32, #tpu.memory_space<hbm>>
    %dma_wait3A_687 = tpu.memref_squeeze %dma_wait3A_686 : memref<1x640x128xf32, #tpu.memory_space<hbm>> -> memref<640x128xf32, #tpu.memory_space<hbm>>
    %dma_wait3A_688 = arith.constant 0 : i32
    %dma_wait3A_689 = arith.constant 0 : i32
    %dma_wait3A_690 = tpu.memref_slice %arg3[%add3A_472, %dma_wait3A_688, %dma_wait3A_689] : memref<1024x1024x128xf32, #tpu.memory_space<hbm>> -> memref<1x640x128xf32, #tpu.memory_space<hbm>>
    %dma_wait3A_691 = tpu.memref_squeeze %dma_wait3A_690 : memref<1x640x128xf32, #tpu.memory_space<hbm>> -> memref<640x128xf32, #tpu.memory_space<hbm>>
    %dma_wait3A_692 = arith.constant 160 : i32
    %dma_wait3A_693 = arith.constant 0 : i32
    %dma_wait3A_694 = tpu.memref_slice %arg5[%dma_wait3A_692, %dma_wait3A_693] : memref<888x128xf32, #tpu.memory_space<vmem>> -> memref<640x128xf32, #tpu.memory_space<vmem>>
    tpu.wait_dma2 semaphore(%arg6 : memref<!tpu.dma_semaphore, #tpu.memory_space<semaphore_mem>>) src(%dma_wait3A_694 : memref<640x128xf32, #tpu.memory_space<vmem>>) dst(%dma_wait3A_691 : memref<640x128xf32, #tpu.memory_space<hbm>>)
    %dma_wait3A_695 = arith.constant 640 : i32
    %dma_wait3A_696 = arith.constant 0 : i32
    %dma_wait3A_697 = tpu.memref_slice %arg3[%add3A_472, %dma_wait3A_695, %dma_wait3A_696] : memref<1024x1024x128xf32, #tpu.memory_space<hbm>> -> memref<1x384x128xf32, #tpu.memory_space<hbm>>
    %dma_wait3A_698 = tpu.memref_squeeze %dma_wait3A_697 : memref<1x384x128xf32, #tpu.memory_space<hbm>> -> memref<384x128xf32, #tpu.memory_space<hbm>>
    %dma_wait3A_699 = arith.constant 0 : i32
    %dma_wait3A_700 = tpu.memref_slice %arg4[%add3A_490, %dma_wait3A_699] : memref<2047x128xf32, #tpu.memory_space<vmem_shared>> -> memref<384x128xf32, #tpu.memory_space<vmem_shared>>
    tpu.wait_dma2 semaphore(%arg6 : memref<!tpu.dma_semaphore, #tpu.memory_space<semaphore_mem>>) src(%dma_wait3A_700 : memref<384x128xf32, #tpu.memory_space<vmem_shared>>) dst(%dma_wait3A_698 : memref<384x128xf32, #tpu.memory_space<hbm>>)
    %add3A_701 = arith.constant 128 : i32
    %add3A_702 = arith.addi %add3A_42, %add3A_701 : i32
    %dma_start3A_703 = arith.constant 120 : i32
    %dma_start3A_704 = arith.constant 0 : i32
    %dma_start3A_705 = tpu.memref_slice %arg5[%dma_start3A_703, %dma_start3A_704] : memref<888x128xf32, #tpu.memory_space<vmem>> -> memref<640x128xf32, #tpu.memory_space<vmem>>
    %dma_start3A_706 = arith.constant 0 : i32
    %dma_start3A_707 = arith.constant 0 : i32
    %dma_start3A_708 = tpu.memref_slice %arg3[%add3A_702, %dma_start3A_706, %dma_start3A_707] : memref<1024x1024x128xf32, #tpu.memory_space<hbm>> -> memref<1x640x128xf32, #tpu.memory_space<hbm>>
    %dma_start3A_709 = tpu.memref_squeeze %dma_start3A_708 : memref<1x640x128xf32, #tpu.memory_space<hbm>> -> memref<640x128xf32, #tpu.memory_space<hbm>>
    %dma_start3A_710 = arith.constant 0 : i32
    %dma_start3A_711 = arith.constant 0 : i32
    %dma_start3A_712 = tpu.memref_slice %arg3[%add3A_702, %dma_start3A_710, %dma_start3A_711] : memref<1024x1024x128xf32, #tpu.memory_space<hbm>> -> memref<1x640x128xf32, #tpu.memory_space<hbm>>
    %dma_start3A_713 = tpu.memref_squeeze %dma_start3A_712 : memref<1x640x128xf32, #tpu.memory_space<hbm>> -> memref<640x128xf32, #tpu.memory_space<hbm>>
    %dma_start3A_714 = arith.constant 120 : i32
    %dma_start3A_715 = arith.constant 0 : i32
    %dma_start3A_716 = tpu.memref_slice %arg5[%dma_start3A_714, %dma_start3A_715] : memref<888x128xf32, #tpu.memory_space<vmem>> -> memref<640x128xf32, #tpu.memory_space<vmem>>
    tpu.enqueue_dma source(%dma_start3A_716 : memref<640x128xf32, #tpu.memory_space<vmem>>) target(%dma_start3A_713 : memref<640x128xf32, #tpu.memory_space<hbm>>) target_semaphore(%arg6 : memref<!tpu.dma_semaphore, #tpu.memory_space<semaphore_mem>>)
    %sub3A_717 = arith.constant 1023 : i32
    %sub3A_718 = arith.subi %sub3A_717, %add3A_702 : i32
    %add3A_719 = arith.constant 640 : i32
    %add3A_720 = arith.addi %sub3A_718, %add3A_719 : i32
    %dma_start3A_721 = arith.constant 640 : i32
    %dma_start3A_722 = arith.constant 0 : i32
    %dma_start3A_723 = tpu.memref_slice %arg3[%add3A_702, %dma_start3A_721, %dma_start3A_722] : memref<1024x1024x128xf32, #tpu.memory_space<hbm>> -> memref<1x384x128xf32, #tpu.memory_space<hbm>>
    %dma_start3A_724 = tpu.memref_squeeze %dma_start3A_723 : memref<1x384x128xf32, #tpu.memory_space<hbm>> -> memref<384x128xf32, #tpu.memory_space<hbm>>
    %dma_start3A_725 = arith.constant 0 : i32
    %dma_start3A_726 = tpu.memref_slice %arg4[%add3A_720, %dma_start3A_725] : memref<2047x128xf32, #tpu.memory_space<vmem_shared>> -> memref<384x128xf32, #tpu.memory_space<vmem_shared>>
    tpu.enqueue_dma source(%dma_start3A_726 : memref<384x128xf32, #tpu.memory_space<vmem_shared>>) target(%dma_start3A_724 : memref<384x128xf32, #tpu.memory_space<hbm>>) target_semaphore(%arg6 : memref<!tpu.dma_semaphore, #tpu.memory_space<semaphore_mem>>)
    %dma_wait3A_727 = arith.constant 152 : i32
    %dma_wait3A_728 = arith.constant 0 : i32
    %dma_wait3A_729 = tpu.memref_slice %arg5[%dma_wait3A_727, %dma_wait3A_728] : memref<888x128xf32, #tpu.memory_space<vmem>> -> memref<640x128xf32, #tpu.memory_space<vmem>>
    %dma_wait3A_730 = arith.constant 0 : i32
    %dma_wait3A_731 = arith.constant 0 : i32
    %dma_wait3A_732 = tpu.memref_slice %arg3[%add3A_518, %dma_wait3A_730, %dma_wait3A_731] : memref<1024x1024x128xf32, #tpu.memory_space<hbm>> -> memref<1x640x128xf32, #tpu.memory_space<hbm>>
    %dma_wait3A_733 = tpu.memref_squeeze %dma_wait3A_732 : memref<1x640x128xf32, #tpu.memory_space<hbm>> -> memref<640x128xf32, #tpu.memory_space<hbm>>
    %dma_wait3A_734 = arith.constant 0 : i32
    %dma_wait3A_735 = arith.constant 0 : i32
    %dma_wait3A_736 = tpu.memref_slice %arg3[%add3A_518, %dma_wait3A_734, %dma_wait3A_735] : memref<1024x1024x128xf32, #tpu.memory_space<hbm>> -> memref<1x640x128xf32, #tpu.memory_space<hbm>>
    %dma_wait3A_737 = tpu.memref_squeeze %dma_wait3A_736 : memref<1x640x128xf32, #tpu.memory_space<hbm>> -> memref<640x128xf32, #tpu.memory_space<hbm>>
    %dma_wait3A_738 = arith.constant 152 : i32
    %dma_wait3A_739 = arith.constant 0 : i32
    %dma_wait3A_740 = tpu.memref_slice %arg5[%dma_wait3A_738, %dma_wait3A_739] : memref<888x128xf32, #tpu.memory_space<vmem>> -> memref<640x128xf32, #tpu.memory_space<vmem>>
    tpu.wait_dma2 semaphore(%arg6 : memref<!tpu.dma_semaphore, #tpu.memory_space<semaphore_mem>>) src(%dma_wait3A_740 : memref<640x128xf32, #tpu.memory_space<vmem>>) dst(%dma_wait3A_737 : memref<640x128xf32, #tpu.memory_space<hbm>>)
    %dma_wait3A_741 = arith.constant 640 : i32
    %dma_wait3A_742 = arith.constant 0 : i32
    %dma_wait3A_743 = tpu.memref_slice %arg3[%add3A_518, %dma_wait3A_741, %dma_wait3A_742] : memref<1024x1024x128xf32, #tpu.memory_space<hbm>> -> memref<1x384x128xf32, #tpu.memory_space<hbm>>
    %dma_wait3A_744 = tpu.memref_squeeze %dma_wait3A_743 : memref<1x384x128xf32, #tpu.memory_space<hbm>> -> memref<384x128xf32, #tpu.memory_space<hbm>>
    %dma_wait3A_745 = arith.constant 0 : i32
    %dma_wait3A_746 = tpu.memref_slice %arg4[%add3A_536, %dma_wait3A_745] : memref<2047x128xf32, #tpu.memory_space<vmem_shared>> -> memref<384x128xf32, #tpu.memory_space<vmem_shared>>
    tpu.wait_dma2 semaphore(%arg6 : memref<!tpu.dma_semaphore, #tpu.memory_space<semaphore_mem>>) src(%dma_wait3A_746 : memref<384x128xf32, #tpu.memory_space<vmem_shared>>) dst(%dma_wait3A_744 : memref<384x128xf32, #tpu.memory_space<hbm>>)
    %add3A_747 = arith.constant 136 : i32
    %add3A_748 = arith.addi %add3A_42, %add3A_747 : i32
    %dma_start3A_749 = arith.constant 112 : i32
    %dma_start3A_750 = arith.constant 0 : i32
    %dma_start3A_751 = tpu.memref_slice %arg5[%dma_start3A_749, %dma_start3A_750] : memref<888x128xf32, #tpu.memory_space<vmem>> -> memref<640x128xf32, #tpu.memory_space<vmem>>
    %dma_start3A_752 = arith.constant 0 : i32
    %dma_start3A_753 = arith.constant 0 : i32
    %dma_start3A_754 = tpu.memref_slice %arg3[%add3A_748, %dma_start3A_752, %dma_start3A_753] : memref<1024x1024x128xf32, #tpu.memory_space<hbm>> -> memref<1x640x128xf32, #tpu.memory_space<hbm>>
    %dma_start3A_755 = tpu.memref_squeeze %dma_start3A_754 : memref<1x640x128xf32, #tpu.memory_space<hbm>> -> memref<640x128xf32, #tpu.memory_space<hbm>>
    %dma_start3A_756 = arith.constant 0 : i32
    %dma_start3A_757 = arith.constant 0 : i32
    %dma_start3A_758 = tpu.memref_slice %arg3[%add3A_748, %dma_start3A_756, %dma_start3A_757] : memref<1024x1024x128xf32, #tpu.memory_space<hbm>> -> memref<1x640x128xf32, #tpu.memory_space<hbm>>
    %dma_start3A_759 = tpu.memref_squeeze %dma_start3A_758 : memref<1x640x128xf32, #tpu.memory_space<hbm>> -> memref<640x128xf32, #tpu.memory_space<hbm>>
    %dma_start3A_760 = arith.constant 112 : i32
    %dma_start3A_761 = arith.constant 0 : i32
    %dma_start3A_762 = tpu.memref_slice %arg5[%dma_start3A_760, %dma_start3A_761] : memref<888x128xf32, #tpu.memory_space<vmem>> -> memref<640x128xf32, #tpu.memory_space<vmem>>
    tpu.enqueue_dma source(%dma_start3A_762 : memref<640x128xf32, #tpu.memory_space<vmem>>) target(%dma_start3A_759 : memref<640x128xf32, #tpu.memory_space<hbm>>) target_semaphore(%arg6 : memref<!tpu.dma_semaphore, #tpu.memory_space<semaphore_mem>>)
    %sub3A_763 = arith.constant 1023 : i32
    %sub3A_764 = arith.subi %sub3A_763, %add3A_748 : i32
    %add3A_765 = arith.constant 640 : i32
    %add3A_766 = arith.addi %sub3A_764, %add3A_765 : i32
    %dma_start3A_767 = arith.constant 640 : i32
    %dma_start3A_768 = arith.constant 0 : i32
    %dma_start3A_769 = tpu.memref_slice %arg3[%add3A_748, %dma_start3A_767, %dma_start3A_768] : memref<1024x1024x128xf32, #tpu.memory_space<hbm>> -> memref<1x384x128xf32, #tpu.memory_space<hbm>>
    %dma_start3A_770 = tpu.memref_squeeze %dma_start3A_769 : memref<1x384x128xf32, #tpu.memory_space<hbm>> -> memref<384x128xf32, #tpu.memory_space<hbm>>
    %dma_start3A_771 = arith.constant 0 : i32
    %dma_start3A_772 = tpu.memref_slice %arg4[%add3A_766, %dma_start3A_771] : memref<2047x128xf32, #tpu.memory_space<vmem_shared>> -> memref<384x128xf32, #tpu.memory_space<vmem_shared>>
    tpu.enqueue_dma source(%dma_start3A_772 : memref<384x128xf32, #tpu.memory_space<vmem_shared>>) target(%dma_start3A_770 : memref<384x128xf32, #tpu.memory_space<hbm>>) target_semaphore(%arg6 : memref<!tpu.dma_semaphore, #tpu.memory_space<semaphore_mem>>)
    %dma_wait3A_773 = arith.constant 144 : i32
    %dma_wait3A_774 = arith.constant 0 : i32
    %dma_wait3A_775 = tpu.memref_slice %arg5[%dma_wait3A_773, %dma_wait3A_774] : memref<888x128xf32, #tpu.memory_space<vmem>> -> memref<640x128xf32, #tpu.memory_space<vmem>>
    %dma_wait3A_776 = arith.constant 0 : i32
    %dma_wait3A_777 = arith.constant 0 : i32
    %dma_wait3A_778 = tpu.memref_slice %arg3[%add3A_564, %dma_wait3A_776, %dma_wait3A_777] : memref<1024x1024x128xf32, #tpu.memory_space<hbm>> -> memref<1x640x128xf32, #tpu.memory_space<hbm>>
    %dma_wait3A_779 = tpu.memref_squeeze %dma_wait3A_778 : memref<1x640x128xf32, #tpu.memory_space<hbm>> -> memref<640x128xf32, #tpu.memory_space<hbm>>
    %dma_wait3A_780 = arith.constant 0 : i32
    %dma_wait3A_781 = arith.constant 0 : i32
    %dma_wait3A_782 = tpu.memref_slice %arg3[%add3A_564, %dma_wait3A_780, %dma_wait3A_781] : memref<1024x1024x128xf32, #tpu.memory_space<hbm>> -> memref<1x640x128xf32, #tpu.memory_space<hbm>>
    %dma_wait3A_783 = tpu.memref_squeeze %dma_wait3A_782 : memref<1x640x128xf32, #tpu.memory_space<hbm>> -> memref<640x128xf32, #tpu.memory_space<hbm>>
    %dma_wait3A_784 = arith.constant 144 : i32
    %dma_wait3A_785 = arith.constant 0 : i32
    %dma_wait3A_786 = tpu.memref_slice %arg5[%dma_wait3A_784, %dma_wait3A_785] : memref<888x128xf32, #tpu.memory_space<vmem>> -> memref<640x128xf32, #tpu.memory_space<vmem>>
    tpu.wait_dma2 semaphore(%arg6 : memref<!tpu.dma_semaphore, #tpu.memory_space<semaphore_mem>>) src(%dma_wait3A_786 : memref<640x128xf32, #tpu.memory_space<vmem>>) dst(%dma_wait3A_783 : memref<640x128xf32, #tpu.memory_space<hbm>>)
    %dma_wait3A_787 = arith.constant 640 : i32
    %dma_wait3A_788 = arith.constant 0 : i32
    %dma_wait3A_789 = tpu.memref_slice %arg3[%add3A_564, %dma_wait3A_787, %dma_wait3A_788] : memref<1024x1024x128xf32, #tpu.memory_space<hbm>> -> memref<1x384x128xf32, #tpu.memory_space<hbm>>
    %dma_wait3A_790 = tpu.memref_squeeze %dma_wait3A_789 : memref<1x384x128xf32, #tpu.memory_space<hbm>> -> memref<384x128xf32, #tpu.memory_space<hbm>>
    %dma_wait3A_791 = arith.constant 0 : i32
    %dma_wait3A_792 = tpu.memref_slice %arg4[%add3A_582, %dma_wait3A_791] : memref<2047x128xf32, #tpu.memory_space<vmem_shared>> -> memref<384x128xf32, #tpu.memory_space<vmem_shared>>
    tpu.wait_dma2 semaphore(%arg6 : memref<!tpu.dma_semaphore, #tpu.memory_space<semaphore_mem>>) src(%dma_wait3A_792 : memref<384x128xf32, #tpu.memory_space<vmem_shared>>) dst(%dma_wait3A_790 : memref<384x128xf32, #tpu.memory_space<hbm>>)
    %add3A_793 = arith.constant 144 : i32
    %add3A_794 = arith.addi %add3A_42, %add3A_793 : i32
    %dma_start3A_795 = arith.constant 104 : i32
    %dma_start3A_796 = arith.constant 0 : i32
    %dma_start3A_797 = tpu.memref_slice %arg5[%dma_start3A_795, %dma_start3A_796] : memref<888x128xf32, #tpu.memory_space<vmem>> -> memref<640x128xf32, #tpu.memory_space<vmem>>
    %dma_start3A_798 = arith.constant 0 : i32
    %dma_start3A_799 = arith.constant 0 : i32
    %dma_start3A_800 = tpu.memref_slice %arg3[%add3A_794, %dma_start3A_798, %dma_start3A_799] : memref<1024x1024x128xf32, #tpu.memory_space<hbm>> -> memref<1x640x128xf32, #tpu.memory_space<hbm>>
    %dma_start3A_801 = tpu.memref_squeeze %dma_start3A_800 : memref<1x640x128xf32, #tpu.memory_space<hbm>> -> memref<640x128xf32, #tpu.memory_space<hbm>>
    %dma_start3A_802 = arith.constant 0 : i32
    %dma_start3A_803 = arith.constant 0 : i32
    %dma_start3A_804 = tpu.memref_slice %arg3[%add3A_794, %dma_start3A_802, %dma_start3A_803] : memref<1024x1024x128xf32, #tpu.memory_space<hbm>> -> memref<1x640x128xf32, #tpu.memory_space<hbm>>
    %dma_start3A_805 = tpu.memref_squeeze %dma_start3A_804 : memref<1x640x128xf32, #tpu.memory_space<hbm>> -> memref<640x128xf32, #tpu.memory_space<hbm>>
    %dma_start3A_806 = arith.constant 104 : i32
    %dma_start3A_807 = arith.constant 0 : i32
    %dma_start3A_808 = tpu.memref_slice %arg5[%dma_start3A_806, %dma_start3A_807] : memref<888x128xf32, #tpu.memory_space<vmem>> -> memref<640x128xf32, #tpu.memory_space<vmem>>
    tpu.enqueue_dma source(%dma_start3A_808 : memref<640x128xf32, #tpu.memory_space<vmem>>) target(%dma_start3A_805 : memref<640x128xf32, #tpu.memory_space<hbm>>) target_semaphore(%arg6 : memref<!tpu.dma_semaphore, #tpu.memory_space<semaphore_mem>>)
    %sub3A_809 = arith.constant 1023 : i32
    %sub3A_810 = arith.subi %sub3A_809, %add3A_794 : i32
    %add3A_811 = arith.constant 640 : i32
    %add3A_812 = arith.addi %sub3A_810, %add3A_811 : i32
    %dma_start3A_813 = arith.constant 640 : i32
    %dma_start3A_814 = arith.constant 0 : i32
    %dma_start3A_815 = tpu.memref_slice %arg3[%add3A_794, %dma_start3A_813, %dma_start3A_814] : memref<1024x1024x128xf32, #tpu.memory_space<hbm>> -> memref<1x384x128xf32, #tpu.memory_space<hbm>>
    %dma_start3A_816 = tpu.memref_squeeze %dma_start3A_815 : memref<1x384x128xf32, #tpu.memory_space<hbm>> -> memref<384x128xf32, #tpu.memory_space<hbm>>
    %dma_start3A_817 = arith.constant 0 : i32
    %dma_start3A_818 = tpu.memref_slice %arg4[%add3A_812, %dma_start3A_817] : memref<2047x128xf32, #tpu.memory_space<vmem_shared>> -> memref<384x128xf32, #tpu.memory_space<vmem_shared>>
    tpu.enqueue_dma source(%dma_start3A_818 : memref<384x128xf32, #tpu.memory_space<vmem_shared>>) target(%dma_start3A_816 : memref<384x128xf32, #tpu.memory_space<hbm>>) target_semaphore(%arg6 : memref<!tpu.dma_semaphore, #tpu.memory_space<semaphore_mem>>)
    %dma_wait3A_819 = arith.constant 136 : i32
    %dma_wait3A_820 = arith.constant 0 : i32
    %dma_wait3A_821 = tpu.memref_slice %arg5[%dma_wait3A_819, %dma_wait3A_820] : memref<888x128xf32, #tpu.memory_space<vmem>> -> memref<640x128xf32, #tpu.memory_space<vmem>>
    %dma_wait3A_822 = arith.constant 0 : i32
    %dma_wait3A_823 = arith.constant 0 : i32
    %dma_wait3A_824 = tpu.memref_slice %arg3[%add3A_610, %dma_wait3A_822, %dma_wait3A_823] : memref<1024x1024x128xf32, #tpu.memory_space<hbm>> -> memref<1x640x128xf32, #tpu.memory_space<hbm>>
    %dma_wait3A_825 = tpu.memref_squeeze %dma_wait3A_824 : memref<1x640x128xf32, #tpu.memory_space<hbm>> -> memref<640x128xf32, #tpu.memory_space<hbm>>
    %dma_wait3A_826 = arith.constant 0 : i32
    %dma_wait3A_827 = arith.constant 0 : i32
    %dma_wait3A_828 = tpu.memref_slice %arg3[%add3A_610, %dma_wait3A_826, %dma_wait3A_827] : memref<1024x1024x128xf32, #tpu.memory_space<hbm>> -> memref<1x640x128xf32, #tpu.memory_space<hbm>>
    %dma_wait3A_829 = tpu.memref_squeeze %dma_wait3A_828 : memref<1x640x128xf32, #tpu.memory_space<hbm>> -> memref<640x128xf32, #tpu.memory_space<hbm>>
    %dma_wait3A_830 = arith.constant 136 : i32
    %dma_wait3A_831 = arith.constant 0 : i32
    %dma_wait3A_832 = tpu.memref_slice %arg5[%dma_wait3A_830, %dma_wait3A_831] : memref<888x128xf32, #tpu.memory_space<vmem>> -> memref<640x128xf32, #tpu.memory_space<vmem>>
    tpu.wait_dma2 semaphore(%arg6 : memref<!tpu.dma_semaphore, #tpu.memory_space<semaphore_mem>>) src(%dma_wait3A_832 : memref<640x128xf32, #tpu.memory_space<vmem>>) dst(%dma_wait3A_829 : memref<640x128xf32, #tpu.memory_space<hbm>>)
    %dma_wait3A_833 = arith.constant 640 : i32
    %dma_wait3A_834 = arith.constant 0 : i32
    %dma_wait3A_835 = tpu.memref_slice %arg3[%add3A_610, %dma_wait3A_833, %dma_wait3A_834] : memref<1024x1024x128xf32, #tpu.memory_space<hbm>> -> memref<1x384x128xf32, #tpu.memory_space<hbm>>
    %dma_wait3A_836 = tpu.memref_squeeze %dma_wait3A_835 : memref<1x384x128xf32, #tpu.memory_space<hbm>> -> memref<384x128xf32, #tpu.memory_space<hbm>>
    %dma_wait3A_837 = arith.constant 0 : i32
    %dma_wait3A_838 = tpu.memref_slice %arg4[%add3A_628, %dma_wait3A_837] : memref<2047x128xf32, #tpu.memory_space<vmem_shared>> -> memref<384x128xf32, #tpu.memory_space<vmem_shared>>
    tpu.wait_dma2 semaphore(%arg6 : memref<!tpu.dma_semaphore, #tpu.memory_space<semaphore_mem>>) src(%dma_wait3A_838 : memref<384x128xf32, #tpu.memory_space<vmem_shared>>) dst(%dma_wait3A_836 : memref<384x128xf32, #tpu.memory_space<hbm>>)
    %add3A_839 = arith.constant 152 : i32
    %add3A_840 = arith.addi %add3A_42, %add3A_839 : i32
    %dma_start3A_841 = arith.constant 96 : i32
    %dma_start3A_842 = arith.constant 0 : i32
    %dma_start3A_843 = tpu.memref_slice %arg5[%dma_start3A_841, %dma_start3A_842] : memref<888x128xf32, #tpu.memory_space<vmem>> -> memref<640x128xf32, #tpu.memory_space<vmem>>
    %dma_start3A_844 = arith.constant 0 : i32
    %dma_start3A_845 = arith.constant 0 : i32
    %dma_start3A_846 = tpu.memref_slice %arg3[%add3A_840, %dma_start3A_844, %dma_start3A_845] : memref<1024x1024x128xf32, #tpu.memory_space<hbm>> -> memref<1x640x128xf32, #tpu.memory_space<hbm>>
    %dma_start3A_847 = tpu.memref_squeeze %dma_start3A_846 : memref<1x640x128xf32, #tpu.memory_space<hbm>> -> memref<640x128xf32, #tpu.memory_space<hbm>>
    %dma_start3A_848 = arith.constant 0 : i32
    %dma_start3A_849 = arith.constant 0 : i32
    %dma_start3A_850 = tpu.memref_slice %arg3[%add3A_840, %dma_start3A_848, %dma_start3A_849] : memref<1024x1024x128xf32, #tpu.memory_space<hbm>> -> memref<1x640x128xf32, #tpu.memory_space<hbm>>
    %dma_start3A_851 = tpu.memref_squeeze %dma_start3A_850 : memref<1x640x128xf32, #tpu.memory_space<hbm>> -> memref<640x128xf32, #tpu.memory_space<hbm>>
    %dma_start3A_852 = arith.constant 96 : i32
    %dma_start3A_853 = arith.constant 0 : i32
    %dma_start3A_854 = tpu.memref_slice %arg5[%dma_start3A_852, %dma_start3A_853] : memref<888x128xf32, #tpu.memory_space<vmem>> -> memref<640x128xf32, #tpu.memory_space<vmem>>
    tpu.enqueue_dma source(%dma_start3A_854 : memref<640x128xf32, #tpu.memory_space<vmem>>) target(%dma_start3A_851 : memref<640x128xf32, #tpu.memory_space<hbm>>) target_semaphore(%arg6 : memref<!tpu.dma_semaphore, #tpu.memory_space<semaphore_mem>>)
    %sub3A_855 = arith.constant 1023 : i32
    %sub3A_856 = arith.subi %sub3A_855, %add3A_840 : i32
    %add3A_857 = arith.constant 640 : i32
    %add3A_858 = arith.addi %sub3A_856, %add3A_857 : i32
    %dma_start3A_859 = arith.constant 640 : i32
    %dma_start3A_860 = arith.constant 0 : i32
    %dma_start3A_861 = tpu.memref_slice %arg3[%add3A_840, %dma_start3A_859, %dma_start3A_860] : memref<1024x1024x128xf32, #tpu.memory_space<hbm>> -> memref<1x384x128xf32, #tpu.memory_space<hbm>>
    %dma_start3A_862 = tpu.memref_squeeze %dma_start3A_861 : memref<1x384x128xf32, #tpu.memory_space<hbm>> -> memref<384x128xf32, #tpu.memory_space<hbm>>
    %dma_start3A_863 = arith.constant 0 : i32
    %dma_start3A_864 = tpu.memref_slice %arg4[%add3A_858, %dma_start3A_863] : memref<2047x128xf32, #tpu.memory_space<vmem_shared>> -> memref<384x128xf32, #tpu.memory_space<vmem_shared>>
    tpu.enqueue_dma source(%dma_start3A_864 : memref<384x128xf32, #tpu.memory_space<vmem_shared>>) target(%dma_start3A_862 : memref<384x128xf32, #tpu.memory_space<hbm>>) target_semaphore(%arg6 : memref<!tpu.dma_semaphore, #tpu.memory_space<semaphore_mem>>)
    %dma_wait3A_865 = arith.constant 128 : i32
    %dma_wait3A_866 = arith.constant 0 : i32
    %dma_wait3A_867 = tpu.memref_slice %arg5[%dma_wait3A_865, %dma_wait3A_866] : memref<888x128xf32, #tpu.memory_space<vmem>> -> memref<640x128xf32, #tpu.memory_space<vmem>>
    %dma_wait3A_868 = arith.constant 0 : i32
    %dma_wait3A_869 = arith.constant 0 : i32
    %dma_wait3A_870 = tpu.memref_slice %arg3[%add3A_656, %dma_wait3A_868, %dma_wait3A_869] : memref<1024x1024x128xf32, #tpu.memory_space<hbm>> -> memref<1x640x128xf32, #tpu.memory_space<hbm>>
    %dma_wait3A_871 = tpu.memref_squeeze %dma_wait3A_870 : memref<1x640x128xf32, #tpu.memory_space<hbm>> -> memref<640x128xf32, #tpu.memory_space<hbm>>
    %dma_wait3A_872 = arith.constant 0 : i32
    %dma_wait3A_873 = arith.constant 0 : i32
    %dma_wait3A_874 = tpu.memref_slice %arg3[%add3A_656, %dma_wait3A_872, %dma_wait3A_873] : memref<1024x1024x128xf32, #tpu.memory_space<hbm>> -> memref<1x640x128xf32, #tpu.memory_space<hbm>>
    %dma_wait3A_875 = tpu.memref_squeeze %dma_wait3A_874 : memref<1x640x128xf32, #tpu.memory_space<hbm>> -> memref<640x128xf32, #tpu.memory_space<hbm>>
    %dma_wait3A_876 = arith.constant 128 : i32
    %dma_wait3A_877 = arith.constant 0 : i32
    %dma_wait3A_878 = tpu.memref_slice %arg5[%dma_wait3A_876, %dma_wait3A_877] : memref<888x128xf32, #tpu.memory_space<vmem>> -> memref<640x128xf32, #tpu.memory_space<vmem>>
    tpu.wait_dma2 semaphore(%arg6 : memref<!tpu.dma_semaphore, #tpu.memory_space<semaphore_mem>>) src(%dma_wait3A_878 : memref<640x128xf32, #tpu.memory_space<vmem>>) dst(%dma_wait3A_875 : memref<640x128xf32, #tpu.memory_space<hbm>>)
    %dma_wait3A_879 = arith.constant 640 : i32
    %dma_wait3A_880 = arith.constant 0 : i32
    %dma_wait3A_881 = tpu.memref_slice %arg3[%add3A_656, %dma_wait3A_879, %dma_wait3A_880] : memref<1024x1024x128xf32, #tpu.memory_space<hbm>> -> memref<1x384x128xf32, #tpu.memory_space<hbm>>
    %dma_wait3A_882 = tpu.memref_squeeze %dma_wait3A_881 : memref<1x384x128xf32, #tpu.memory_space<hbm>> -> memref<384x128xf32, #tpu.memory_space<hbm>>
    %dma_wait3A_883 = arith.constant 0 : i32
    %dma_wait3A_884 = tpu.memref_slice %arg4[%add3A_674, %dma_wait3A_883] : memref<2047x128xf32, #tpu.memory_space<vmem_shared>> -> memref<384x128xf32, #tpu.memory_space<vmem_shared>>
    tpu.wait_dma2 semaphore(%arg6 : memref<!tpu.dma_semaphore, #tpu.memory_space<semaphore_mem>>) src(%dma_wait3A_884 : memref<384x128xf32, #tpu.memory_space<vmem_shared>>) dst(%dma_wait3A_882 : memref<384x128xf32, #tpu.memory_space<hbm>>)
    %add3A_885 = arith.constant 160 : i32
    %add3A_886 = arith.addi %add3A_42, %add3A_885 : i32
    %dma_start3A_887 = arith.constant 88 : i32
    %dma_start3A_888 = arith.constant 0 : i32
    %dma_start3A_889 = tpu.memref_slice %arg5[%dma_start3A_887, %dma_start3A_888] : memref<888x128xf32, #tpu.memory_space<vmem>> -> memref<640x128xf32, #tpu.memory_space<vmem>>
    %dma_start3A_890 = arith.constant 0 : i32
    %dma_start3A_891 = arith.constant 0 : i32
    %dma_start3A_892 = tpu.memref_slice %arg3[%add3A_886, %dma_start3A_890, %dma_start3A_891] : memref<1024x1024x128xf32, #tpu.memory_space<hbm>> -> memref<1x640x128xf32, #tpu.memory_space<hbm>>
    %dma_start3A_893 = tpu.memref_squeeze %dma_start3A_892 : memref<1x640x128xf32, #tpu.memory_space<hbm>> -> memref<640x128xf32, #tpu.memory_space<hbm>>
    %dma_start3A_894 = arith.constant 0 : i32
    %dma_start3A_895 = arith.constant 0 : i32
    %dma_start3A_896 = tpu.memref_slice %arg3[%add3A_886, %dma_start3A_894, %dma_start3A_895] : memref<1024x1024x128xf32, #tpu.memory_space<hbm>> -> memref<1x640x128xf32, #tpu.memory_space<hbm>>
    %dma_start3A_897 = tpu.memref_squeeze %dma_start3A_896 : memref<1x640x128xf32, #tpu.memory_space<hbm>> -> memref<640x128xf32, #tpu.memory_space<hbm>>
    %dma_start3A_898 = arith.constant 88 : i32
    %dma_start3A_899 = arith.constant 0 : i32
    %dma_start3A_900 = tpu.memref_slice %arg5[%dma_start3A_898, %dma_start3A_899] : memref<888x128xf32, #tpu.memory_space<vmem>> -> memref<640x128xf32, #tpu.memory_space<vmem>>
    tpu.enqueue_dma source(%dma_start3A_900 : memref<640x128xf32, #tpu.memory_space<vmem>>) target(%dma_start3A_897 : memref<640x128xf32, #tpu.memory_space<hbm>>) target_semaphore(%arg6 : memref<!tpu.dma_semaphore, #tpu.memory_space<semaphore_mem>>)
    %sub3A_901 = arith.constant 1023 : i32
    %sub3A_902 = arith.subi %sub3A_901, %add3A_886 : i32
    %add3A_903 = arith.constant 640 : i32
    %add3A_904 = arith.addi %sub3A_902, %add3A_903 : i32
    %dma_start3A_905 = arith.constant 640 : i32
    %dma_start3A_906 = arith.constant 0 : i32
    %dma_start3A_907 = tpu.memref_slice %arg3[%add3A_886, %dma_start3A_905, %dma_start3A_906] : memref<1024x1024x128xf32, #tpu.memory_space<hbm>> -> memref<1x384x128xf32, #tpu.memory_space<hbm>>
    %dma_start3A_908 = tpu.memref_squeeze %dma_start3A_907 : memref<1x384x128xf32, #tpu.memory_space<hbm>> -> memref<384x128xf32, #tpu.memory_space<hbm>>
    %dma_start3A_909 = arith.constant 0 : i32
    %dma_start3A_910 = tpu.memref_slice %arg4[%add3A_904, %dma_start3A_909] : memref<2047x128xf32, #tpu.memory_space<vmem_shared>> -> memref<384x128xf32, #tpu.memory_space<vmem_shared>>
    tpu.enqueue_dma source(%dma_start3A_910 : memref<384x128xf32, #tpu.memory_space<vmem_shared>>) target(%dma_start3A_908 : memref<384x128xf32, #tpu.memory_space<hbm>>) target_semaphore(%arg6 : memref<!tpu.dma_semaphore, #tpu.memory_space<semaphore_mem>>)
    %dma_wait3A_911 = arith.constant 120 : i32
    %dma_wait3A_912 = arith.constant 0 : i32
    %dma_wait3A_913 = tpu.memref_slice %arg5[%dma_wait3A_911, %dma_wait3A_912] : memref<888x128xf32, #tpu.memory_space<vmem>> -> memref<640x128xf32, #tpu.memory_space<vmem>>
    %dma_wait3A_914 = arith.constant 0 : i32
    %dma_wait3A_915 = arith.constant 0 : i32
    %dma_wait3A_916 = tpu.memref_slice %arg3[%add3A_702, %dma_wait3A_914, %dma_wait3A_915] : memref<1024x1024x128xf32, #tpu.memory_space<hbm>> -> memref<1x640x128xf32, #tpu.memory_space<hbm>>
    %dma_wait3A_917 = tpu.memref_squeeze %dma_wait3A_916 : memref<1x640x128xf32, #tpu.memory_space<hbm>> -> memref<640x128xf32, #tpu.memory_space<hbm>>
    %dma_wait3A_918 = arith.constant 0 : i32
    %dma_wait3A_919 = arith.constant 0 : i32
    %dma_wait3A_920 = tpu.memref_slice %arg3[%add3A_702, %dma_wait3A_918, %dma_wait3A_919] : memref<1024x1024x128xf32, #tpu.memory_space<hbm>> -> memref<1x640x128xf32, #tpu.memory_space<hbm>>
    %dma_wait3A_921 = tpu.memref_squeeze %dma_wait3A_920 : memref<1x640x128xf32, #tpu.memory_space<hbm>> -> memref<640x128xf32, #tpu.memory_space<hbm>>
    %dma_wait3A_922 = arith.constant 120 : i32
    %dma_wait3A_923 = arith.constant 0 : i32
    %dma_wait3A_924 = tpu.memref_slice %arg5[%dma_wait3A_922, %dma_wait3A_923] : memref<888x128xf32, #tpu.memory_space<vmem>> -> memref<640x128xf32, #tpu.memory_space<vmem>>
    tpu.wait_dma2 semaphore(%arg6 : memref<!tpu.dma_semaphore, #tpu.memory_space<semaphore_mem>>) src(%dma_wait3A_924 : memref<640x128xf32, #tpu.memory_space<vmem>>) dst(%dma_wait3A_921 : memref<640x128xf32, #tpu.memory_space<hbm>>)
    %dma_wait3A_925 = arith.constant 640 : i32
    %dma_wait3A_926 = arith.constant 0 : i32
    %dma_wait3A_927 = tpu.memref_slice %arg3[%add3A_702, %dma_wait3A_925, %dma_wait3A_926] : memref<1024x1024x128xf32, #tpu.memory_space<hbm>> -> memref<1x384x128xf32, #tpu.memory_space<hbm>>
    %dma_wait3A_928 = tpu.memref_squeeze %dma_wait3A_927 : memref<1x384x128xf32, #tpu.memory_space<hbm>> -> memref<384x128xf32, #tpu.memory_space<hbm>>
    %dma_wait3A_929 = arith.constant 0 : i32
    %dma_wait3A_930 = tpu.memref_slice %arg4[%add3A_720, %dma_wait3A_929] : memref<2047x128xf32, #tpu.memory_space<vmem_shared>> -> memref<384x128xf32, #tpu.memory_space<vmem_shared>>
    tpu.wait_dma2 semaphore(%arg6 : memref<!tpu.dma_semaphore, #tpu.memory_space<semaphore_mem>>) src(%dma_wait3A_930 : memref<384x128xf32, #tpu.memory_space<vmem_shared>>) dst(%dma_wait3A_928 : memref<384x128xf32, #tpu.memory_space<hbm>>)
    %add3A_931 = arith.constant 168 : i32
    %add3A_932 = arith.addi %add3A_42, %add3A_931 : i32
    %dma_start3A_933 = arith.constant 80 : i32
    %dma_start3A_934 = arith.constant 0 : i32
    %dma_start3A_935 = tpu.memref_slice %arg5[%dma_start3A_933, %dma_start3A_934] : memref<888x128xf32, #tpu.memory_space<vmem>> -> memref<640x128xf32, #tpu.memory_space<vmem>>
    %dma_start3A_936 = arith.constant 0 : i32
    %dma_start3A_937 = arith.constant 0 : i32
    %dma_start3A_938 = tpu.memref_slice %arg3[%add3A_932, %dma_start3A_936, %dma_start3A_937] : memref<1024x1024x128xf32, #tpu.memory_space<hbm>> -> memref<1x640x128xf32, #tpu.memory_space<hbm>>
    %dma_start3A_939 = tpu.memref_squeeze %dma_start3A_938 : memref<1x640x128xf32, #tpu.memory_space<hbm>> -> memref<640x128xf32, #tpu.memory_space<hbm>>
    %dma_start3A_940 = arith.constant 0 : i32
    %dma_start3A_941 = arith.constant 0 : i32
    %dma_start3A_942 = tpu.memref_slice %arg3[%add3A_932, %dma_start3A_940, %dma_start3A_941] : memref<1024x1024x128xf32, #tpu.memory_space<hbm>> -> memref<1x640x128xf32, #tpu.memory_space<hbm>>
    %dma_start3A_943 = tpu.memref_squeeze %dma_start3A_942 : memref<1x640x128xf32, #tpu.memory_space<hbm>> -> memref<640x128xf32, #tpu.memory_space<hbm>>
    %dma_start3A_944 = arith.constant 80 : i32
    %dma_start3A_945 = arith.constant 0 : i32
    %dma_start3A_946 = tpu.memref_slice %arg5[%dma_start3A_944, %dma_start3A_945] : memref<888x128xf32, #tpu.memory_space<vmem>> -> memref<640x128xf32, #tpu.memory_space<vmem>>
    tpu.enqueue_dma source(%dma_start3A_946 : memref<640x128xf32, #tpu.memory_space<vmem>>) target(%dma_start3A_943 : memref<640x128xf32, #tpu.memory_space<hbm>>) target_semaphore(%arg6 : memref<!tpu.dma_semaphore, #tpu.memory_space<semaphore_mem>>)
    %sub3A_947 = arith.constant 1023 : i32
    %sub3A_948 = arith.subi %sub3A_947, %add3A_932 : i32
    %add3A_949 = arith.constant 640 : i32
    %add3A_950 = arith.addi %sub3A_948, %add3A_949 : i32
    %dma_start3A_951 = arith.constant 640 : i32
    %dma_start3A_952 = arith.constant 0 : i32
    %dma_start3A_953 = tpu.memref_slice %arg3[%add3A_932, %dma_start3A_951, %dma_start3A_952] : memref<1024x1024x128xf32, #tpu.memory_space<hbm>> -> memref<1x384x128xf32, #tpu.memory_space<hbm>>
    %dma_start3A_954 = tpu.memref_squeeze %dma_start3A_953 : memref<1x384x128xf32, #tpu.memory_space<hbm>> -> memref<384x128xf32, #tpu.memory_space<hbm>>
    %dma_start3A_955 = arith.constant 0 : i32
    %dma_start3A_956 = tpu.memref_slice %arg4[%add3A_950, %dma_start3A_955] : memref<2047x128xf32, #tpu.memory_space<vmem_shared>> -> memref<384x128xf32, #tpu.memory_space<vmem_shared>>
    tpu.enqueue_dma source(%dma_start3A_956 : memref<384x128xf32, #tpu.memory_space<vmem_shared>>) target(%dma_start3A_954 : memref<384x128xf32, #tpu.memory_space<hbm>>) target_semaphore(%arg6 : memref<!tpu.dma_semaphore, #tpu.memory_space<semaphore_mem>>)
    %dma_wait3A_957 = arith.constant 112 : i32
    %dma_wait3A_958 = arith.constant 0 : i32
    %dma_wait3A_959 = tpu.memref_slice %arg5[%dma_wait3A_957, %dma_wait3A_958] : memref<888x128xf32, #tpu.memory_space<vmem>> -> memref<640x128xf32, #tpu.memory_space<vmem>>
    %dma_wait3A_960 = arith.constant 0 : i32
    %dma_wait3A_961 = arith.constant 0 : i32
    %dma_wait3A_962 = tpu.memref_slice %arg3[%add3A_748, %dma_wait3A_960, %dma_wait3A_961] : memref<1024x1024x128xf32, #tpu.memory_space<hbm>> -> memref<1x640x128xf32, #tpu.memory_space<hbm>>
    %dma_wait3A_963 = tpu.memref_squeeze %dma_wait3A_962 : memref<1x640x128xf32, #tpu.memory_space<hbm>> -> memref<640x128xf32, #tpu.memory_space<hbm>>
    %dma_wait3A_964 = arith.constant 0 : i32
    %dma_wait3A_965 = arith.constant 0 : i32
    %dma_wait3A_966 = tpu.memref_slice %arg3[%add3A_748, %dma_wait3A_964, %dma_wait3A_965] : memref<1024x1024x128xf32, #tpu.memory_space<hbm>> -> memref<1x640x128xf32, #tpu.memory_space<hbm>>
    %dma_wait3A_967 = tpu.memref_squeeze %dma_wait3A_966 : memref<1x640x128xf32, #tpu.memory_space<hbm>> -> memref<640x128xf32, #tpu.memory_space<hbm>>
    %dma_wait3A_968 = arith.constant 112 : i32
    %dma_wait3A_969 = arith.constant 0 : i32
    %dma_wait3A_970 = tpu.memref_slice %arg5[%dma_wait3A_968, %dma_wait3A_969] : memref<888x128xf32, #tpu.memory_space<vmem>> -> memref<640x128xf32, #tpu.memory_space<vmem>>
    tpu.wait_dma2 semaphore(%arg6 : memref<!tpu.dma_semaphore, #tpu.memory_space<semaphore_mem>>) src(%dma_wait3A_970 : memref<640x128xf32, #tpu.memory_space<vmem>>) dst(%dma_wait3A_967 : memref<640x128xf32, #tpu.memory_space<hbm>>)
    %dma_wait3A_971 = arith.constant 640 : i32
    %dma_wait3A_972 = arith.constant 0 : i32
    %dma_wait3A_973 = tpu.memref_slice %arg3[%add3A_748, %dma_wait3A_971, %dma_wait3A_972] : memref<1024x1024x128xf32, #tpu.memory_space<hbm>> -> memref<1x384x128xf32, #tpu.memory_space<hbm>>
    %dma_wait3A_974 = tpu.memref_squeeze %dma_wait3A_973 : memref<1x384x128xf32, #tpu.memory_space<hbm>> -> memref<384x128xf32, #tpu.memory_space<hbm>>
    %dma_wait3A_975 = arith.constant 0 : i32
    %dma_wait3A_976 = tpu.memref_slice %arg4[%add3A_766, %dma_wait3A_975] : memref<2047x128xf32, #tpu.memory_space<vmem_shared>> -> memref<384x128xf32, #tpu.memory_space<vmem_shared>>
    tpu.wait_dma2 semaphore(%arg6 : memref<!tpu.dma_semaphore, #tpu.memory_space<semaphore_mem>>) src(%dma_wait3A_976 : memref<384x128xf32, #tpu.memory_space<vmem_shared>>) dst(%dma_wait3A_974 : memref<384x128xf32, #tpu.memory_space<hbm>>)
    %add3A_977 = arith.constant 176 : i32
    %add3A_978 = arith.addi %add3A_42, %add3A_977 : i32
    %dma_start3A_979 = arith.constant 72 : i32
    %dma_start3A_980 = arith.constant 0 : i32
    %dma_start3A_981 = tpu.memref_slice %arg5[%dma_start3A_979, %dma_start3A_980] : memref<888x128xf32, #tpu.memory_space<vmem>> -> memref<640x128xf32, #tpu.memory_space<vmem>>
    %dma_start3A_982 = arith.constant 0 : i32
    %dma_start3A_983 = arith.constant 0 : i32
    %dma_start3A_984 = tpu.memref_slice %arg3[%add3A_978, %dma_start3A_982, %dma_start3A_983] : memref<1024x1024x128xf32, #tpu.memory_space<hbm>> -> memref<1x640x128xf32, #tpu.memory_space<hbm>>
    %dma_start3A_985 = tpu.memref_squeeze %dma_start3A_984 : memref<1x640x128xf32, #tpu.memory_space<hbm>> -> memref<640x128xf32, #tpu.memory_space<hbm>>
    %dma_start3A_986 = arith.constant 0 : i32
    %dma_start3A_987 = arith.constant 0 : i32
    %dma_start3A_988 = tpu.memref_slice %arg3[%add3A_978, %dma_start3A_986, %dma_start3A_987] : memref<1024x1024x128xf32, #tpu.memory_space<hbm>> -> memref<1x640x128xf32, #tpu.memory_space<hbm>>
    %dma_start3A_989 = tpu.memref_squeeze %dma_start3A_988 : memref<1x640x128xf32, #tpu.memory_space<hbm>> -> memref<640x128xf32, #tpu.memory_space<hbm>>
    %dma_start3A_990 = arith.constant 72 : i32
    %dma_start3A_991 = arith.constant 0 : i32
    %dma_start3A_992 = tpu.memref_slice %arg5[%dma_start3A_990, %dma_start3A_991] : memref<888x128xf32, #tpu.memory_space<vmem>> -> memref<640x128xf32, #tpu.memory_space<vmem>>
    tpu.enqueue_dma source(%dma_start3A_992 : memref<640x128xf32, #tpu.memory_space<vmem>>) target(%dma_start3A_989 : memref<640x128xf32, #tpu.memory_space<hbm>>) target_semaphore(%arg6 : memref<!tpu.dma_semaphore, #tpu.memory_space<semaphore_mem>>)
    %sub3A_993 = arith.constant 1023 : i32
    %sub3A_994 = arith.subi %sub3A_993, %add3A_978 : i32
    %add3A_995 = arith.constant 640 : i32
    %add3A_996 = arith.addi %sub3A_994, %add3A_995 : i32
    %dma_start3A_997 = arith.constant 640 : i32
    %dma_start3A_998 = arith.constant 0 : i32
    %dma_start3A_999 = tpu.memref_slice %arg3[%add3A_978, %dma_start3A_997, %dma_start3A_998] : memref<1024x1024x128xf32, #tpu.memory_space<hbm>> -> memref<1x384x128xf32, #tpu.memory_space<hbm>>
    %dma_start3A_1000 = tpu.memref_squeeze %dma_start3A_999 : memref<1x384x128xf32, #tpu.memory_space<hbm>> -> memref<384x128xf32, #tpu.memory_space<hbm>>
    %dma_start3A_1001 = arith.constant 0 : i32
    %dma_start3A_1002 = tpu.memref_slice %arg4[%add3A_996, %dma_start3A_1001] : memref<2047x128xf32, #tpu.memory_space<vmem_shared>> -> memref<384x128xf32, #tpu.memory_space<vmem_shared>>
    tpu.enqueue_dma source(%dma_start3A_1002 : memref<384x128xf32, #tpu.memory_space<vmem_shared>>) target(%dma_start3A_1000 : memref<384x128xf32, #tpu.memory_space<hbm>>) target_semaphore(%arg6 : memref<!tpu.dma_semaphore, #tpu.memory_space<semaphore_mem>>)
    %dma_wait3A_1003 = arith.constant 104 : i32
    %dma_wait3A_1004 = arith.constant 0 : i32
    %dma_wait3A_1005 = tpu.memref_slice %arg5[%dma_wait3A_1003, %dma_wait3A_1004] : memref<888x128xf32, #tpu.memory_space<vmem>> -> memref<640x128xf32, #tpu.memory_space<vmem>>
    %dma_wait3A_1006 = arith.constant 0 : i32
    %dma_wait3A_1007 = arith.constant 0 : i32
    %dma_wait3A_1008 = tpu.memref_slice %arg3[%add3A_794, %dma_wait3A_1006, %dma_wait3A_1007] : memref<1024x1024x128xf32, #tpu.memory_space<hbm>> -> memref<1x640x128xf32, #tpu.memory_space<hbm>>
    %dma_wait3A_1009 = tpu.memref_squeeze %dma_wait3A_1008 : memref<1x640x128xf32, #tpu.memory_space<hbm>> -> memref<640x128xf32, #tpu.memory_space<hbm>>
    %dma_wait3A_1010 = arith.constant 0 : i32
    %dma_wait3A_1011 = arith.constant 0 : i32
    %dma_wait3A_1012 = tpu.memref_slice %arg3[%add3A_794, %dma_wait3A_1010, %dma_wait3A_1011] : memref<1024x1024x128xf32, #tpu.memory_space<hbm>> -> memref<1x640x128xf32, #tpu.memory_space<hbm>>
    %dma_wait3A_1013 = tpu.memref_squeeze %dma_wait3A_1012 : memref<1x640x128xf32, #tpu.memory_space<hbm>> -> memref<640x128xf32, #tpu.memory_space<hbm>>
    %dma_wait3A_1014 = arith.constant 104 : i32
    %dma_wait3A_1015 = arith.constant 0 : i32
    %dma_wait3A_1016 = tpu.memref_slice %arg5[%dma_wait3A_1014, %dma_wait3A_1015] : memref<888x128xf32, #tpu.memory_space<vmem>> -> memref<640x128xf32, #tpu.memory_space<vmem>>
    tpu.wait_dma2 semaphore(%arg6 : memref<!tpu.dma_semaphore, #tpu.memory_space<semaphore_mem>>) src(%dma_wait3A_1016 : memref<640x128xf32, #tpu.memory_space<vmem>>) dst(%dma_wait3A_1013 : memref<640x128xf32, #tpu.memory_space<hbm>>)
    %dma_wait3A_1017 = arith.constant 640 : i32
    %dma_wait3A_1018 = arith.constant 0 : i32
    %dma_wait3A_1019 = tpu.memref_slice %arg3[%add3A_794, %dma_wait3A_1017, %dma_wait3A_1018] : memref<1024x1024x128xf32, #tpu.memory_space<hbm>> -> memref<1x384x128xf32, #tpu.memory_space<hbm>>
    %dma_wait3A_1020 = tpu.memref_squeeze %dma_wait3A_1019 : memref<1x384x128xf32, #tpu.memory_space<hbm>> -> memref<384x128xf32, #tpu.memory_space<hbm>>
    %dma_wait3A_1021 = arith.constant 0 : i32
    %dma_wait3A_1022 = tpu.memref_slice %arg4[%add3A_812, %dma_wait3A_1021] : memref<2047x128xf32, #tpu.memory_space<vmem_shared>> -> memref<384x128xf32, #tpu.memory_space<vmem_shared>>
    tpu.wait_dma2 semaphore(%arg6 : memref<!tpu.dma_semaphore, #tpu.memory_space<semaphore_mem>>) src(%dma_wait3A_1022 : memref<384x128xf32, #tpu.memory_space<vmem_shared>>) dst(%dma_wait3A_1020 : memref<384x128xf32, #tpu.memory_space<hbm>>)
    %add3A_1023 = arith.constant 184 : i32
    %add3A_1024 = arith.addi %add3A_42, %add3A_1023 : i32
    %dma_start3A_1025 = arith.constant 64 : i32
    %dma_start3A_1026 = arith.constant 0 : i32
    %dma_start3A_1027 = tpu.memref_slice %arg5[%dma_start3A_1025, %dma_start3A_1026] : memref<888x128xf32, #tpu.memory_space<vmem>> -> memref<640x128xf32, #tpu.memory_space<vmem>>
    %dma_start3A_1028 = arith.constant 0 : i32
    %dma_start3A_1029 = arith.constant 0 : i32
    %dma_start3A_1030 = tpu.memref_slice %arg3[%add3A_1024, %dma_start3A_1028, %dma_start3A_1029] : memref<1024x1024x128xf32, #tpu.memory_space<hbm>> -> memref<1x640x128xf32, #tpu.memory_space<hbm>>
    %dma_start3A_1031 = tpu.memref_squeeze %dma_start3A_1030 : memref<1x640x128xf32, #tpu.memory_space<hbm>> -> memref<640x128xf32, #tpu.memory_space<hbm>>
    %dma_start3A_1032 = arith.constant 0 : i32
    %dma_start3A_1033 = arith.constant 0 : i32
    %dma_start3A_1034 = tpu.memref_slice %arg3[%add3A_1024, %dma_start3A_1032, %dma_start3A_1033] : memref<1024x1024x128xf32, #tpu.memory_space<hbm>> -> memref<1x640x128xf32, #tpu.memory_space<hbm>>
    %dma_start3A_1035 = tpu.memref_squeeze %dma_start3A_1034 : memref<1x640x128xf32, #tpu.memory_space<hbm>> -> memref<640x128xf32, #tpu.memory_space<hbm>>
    %dma_start3A_1036 = arith.constant 64 : i32
    %dma_start3A_1037 = arith.constant 0 : i32
    %dma_start3A_1038 = tpu.memref_slice %arg5[%dma_start3A_1036, %dma_start3A_1037] : memref<888x128xf32, #tpu.memory_space<vmem>> -> memref<640x128xf32, #tpu.memory_space<vmem>>
    tpu.enqueue_dma source(%dma_start3A_1038 : memref<640x128xf32, #tpu.memory_space<vmem>>) target(%dma_start3A_1035 : memref<640x128xf32, #tpu.memory_space<hbm>>) target_semaphore(%arg6 : memref<!tpu.dma_semaphore, #tpu.memory_space<semaphore_mem>>)
    %sub3A_1039 = arith.constant 1023 : i32
    %sub3A_1040 = arith.subi %sub3A_1039, %add3A_1024 : i32
    %add3A_1041 = arith.constant 640 : i32
    %add3A_1042 = arith.addi %sub3A_1040, %add3A_1041 : i32
    %dma_start3A_1043 = arith.constant 640 : i32
    %dma_start3A_1044 = arith.constant 0 : i32
    %dma_start3A_1045 = tpu.memref_slice %arg3[%add3A_1024, %dma_start3A_1043, %dma_start3A_1044] : memref<1024x1024x128xf32, #tpu.memory_space<hbm>> -> memref<1x384x128xf32, #tpu.memory_space<hbm>>
    %dma_start3A_1046 = tpu.memref_squeeze %dma_start3A_1045 : memref<1x384x128xf32, #tpu.memory_space<hbm>> -> memref<384x128xf32, #tpu.memory_space<hbm>>
    %dma_start3A_1047 = arith.constant 0 : i32
    %dma_start3A_1048 = tpu.memref_slice %arg4[%add3A_1042, %dma_start3A_1047] : memref<2047x128xf32, #tpu.memory_space<vmem_shared>> -> memref<384x128xf32, #tpu.memory_space<vmem_shared>>
    tpu.enqueue_dma source(%dma_start3A_1048 : memref<384x128xf32, #tpu.memory_space<vmem_shared>>) target(%dma_start3A_1046 : memref<384x128xf32, #tpu.memory_space<hbm>>) target_semaphore(%arg6 : memref<!tpu.dma_semaphore, #tpu.memory_space<semaphore_mem>>)
    %dma_wait3A_1049 = arith.constant 96 : i32
    %dma_wait3A_1050 = arith.constant 0 : i32
    %dma_wait3A_1051 = tpu.memref_slice %arg5[%dma_wait3A_1049, %dma_wait3A_1050] : memref<888x128xf32, #tpu.memory_space<vmem>> -> memref<640x128xf32, #tpu.memory_space<vmem>>
    %dma_wait3A_1052 = arith.constant 0 : i32
    %dma_wait3A_1053 = arith.constant 0 : i32
    %dma_wait3A_1054 = tpu.memref_slice %arg3[%add3A_840, %dma_wait3A_1052, %dma_wait3A_1053] : memref<1024x1024x128xf32, #tpu.memory_space<hbm>> -> memref<1x640x128xf32, #tpu.memory_space<hbm>>
    %dma_wait3A_1055 = tpu.memref_squeeze %dma_wait3A_1054 : memref<1x640x128xf32, #tpu.memory_space<hbm>> -> memref<640x128xf32, #tpu.memory_space<hbm>>
    %dma_wait3A_1056 = arith.constant 0 : i32
    %dma_wait3A_1057 = arith.constant 0 : i32
    %dma_wait3A_1058 = tpu.memref_slice %arg3[%add3A_840, %dma_wait3A_1056, %dma_wait3A_1057] : memref<1024x1024x128xf32, #tpu.memory_space<hbm>> -> memref<1x640x128xf32, #tpu.memory_space<hbm>>
    %dma_wait3A_1059 = tpu.memref_squeeze %dma_wait3A_1058 : memref<1x640x128xf32, #tpu.memory_space<hbm>> -> memref<640x128xf32, #tpu.memory_space<hbm>>
    %dma_wait3A_1060 = arith.constant 96 : i32
    %dma_wait3A_1061 = arith.constant 0 : i32
    %dma_wait3A_1062 = tpu.memref_slice %arg5[%dma_wait3A_1060, %dma_wait3A_1061] : memref<888x128xf32, #tpu.memory_space<vmem>> -> memref<640x128xf32, #tpu.memory_space<vmem>>
    tpu.wait_dma2 semaphore(%arg6 : memref<!tpu.dma_semaphore, #tpu.memory_space<semaphore_mem>>) src(%dma_wait3A_1062 : memref<640x128xf32, #tpu.memory_space<vmem>>) dst(%dma_wait3A_1059 : memref<640x128xf32, #tpu.memory_space<hbm>>)
    %dma_wait3A_1063 = arith.constant 640 : i32
    %dma_wait3A_1064 = arith.constant 0 : i32
    %dma_wait3A_1065 = tpu.memref_slice %arg3[%add3A_840, %dma_wait3A_1063, %dma_wait3A_1064] : memref<1024x1024x128xf32, #tpu.memory_space<hbm>> -> memref<1x384x128xf32, #tpu.memory_space<hbm>>
    %dma_wait3A_1066 = tpu.memref_squeeze %dma_wait3A_1065 : memref<1x384x128xf32, #tpu.memory_space<hbm>> -> memref<384x128xf32, #tpu.memory_space<hbm>>
    %dma_wait3A_1067 = arith.constant 0 : i32
    %dma_wait3A_1068 = tpu.memref_slice %arg4[%add3A_858, %dma_wait3A_1067] : memref<2047x128xf32, #tpu.memory_space<vmem_shared>> -> memref<384x128xf32, #tpu.memory_space<vmem_shared>>
    tpu.wait_dma2 semaphore(%arg6 : memref<!tpu.dma_semaphore, #tpu.memory_space<semaphore_mem>>) src(%dma_wait3A_1068 : memref<384x128xf32, #tpu.memory_space<vmem_shared>>) dst(%dma_wait3A_1066 : memref<384x128xf32, #tpu.memory_space<hbm>>)
    %add3A_1069 = arith.constant 192 : i32
    %add3A_1070 = arith.addi %add3A_42, %add3A_1069 : i32
    %dma_start3A_1071 = arith.constant 56 : i32
    %dma_start3A_1072 = arith.constant 0 : i32
    %dma_start3A_1073 = tpu.memref_slice %arg5[%dma_start3A_1071, %dma_start3A_1072] : memref<888x128xf32, #tpu.memory_space<vmem>> -> memref<640x128xf32, #tpu.memory_space<vmem>>
    %dma_start3A_1074 = arith.constant 0 : i32
    %dma_start3A_1075 = arith.constant 0 : i32
    %dma_start3A_1076 = tpu.memref_slice %arg3[%add3A_1070, %dma_start3A_1074, %dma_start3A_1075] : memref<1024x1024x128xf32, #tpu.memory_space<hbm>> -> memref<1x640x128xf32, #tpu.memory_space<hbm>>
    %dma_start3A_1077 = tpu.memref_squeeze %dma_start3A_1076 : memref<1x640x128xf32, #tpu.memory_space<hbm>> -> memref<640x128xf32, #tpu.memory_space<hbm>>
    %dma_start3A_1078 = arith.constant 0 : i32
    %dma_start3A_1079 = arith.constant 0 : i32
    %dma_start3A_1080 = tpu.memref_slice %arg3[%add3A_1070, %dma_start3A_1078, %dma_start3A_1079] : memref<1024x1024x128xf32, #tpu.memory_space<hbm>> -> memref<1x640x128xf32, #tpu.memory_space<hbm>>
    %dma_start3A_1081 = tpu.memref_squeeze %dma_start3A_1080 : memref<1x640x128xf32, #tpu.memory_space<hbm>> -> memref<640x128xf32, #tpu.memory_space<hbm>>
    %dma_start3A_1082 = arith.constant 56 : i32
    %dma_start3A_1083 = arith.constant 0 : i32
    %dma_start3A_1084 = tpu.memref_slice %arg5[%dma_start3A_1082, %dma_start3A_1083] : memref<888x128xf32, #tpu.memory_space<vmem>> -> memref<640x128xf32, #tpu.memory_space<vmem>>
    tpu.enqueue_dma source(%dma_start3A_1084 : memref<640x128xf32, #tpu.memory_space<vmem>>) target(%dma_start3A_1081 : memref<640x128xf32, #tpu.memory_space<hbm>>) target_semaphore(%arg6 : memref<!tpu.dma_semaphore, #tpu.memory_space<semaphore_mem>>)
    %sub3A_1085 = arith.constant 1023 : i32
    %sub3A_1086 = arith.subi %sub3A_1085, %add3A_1070 : i32
    %add3A_1087 = arith.constant 640 : i32
    %add3A_1088 = arith.addi %sub3A_1086, %add3A_1087 : i32
    %dma_start3A_1089 = arith.constant 640 : i32
    %dma_start3A_1090 = arith.constant 0 : i32
    %dma_start3A_1091 = tpu.memref_slice %arg3[%add3A_1070, %dma_start3A_1089, %dma_start3A_1090] : memref<1024x1024x128xf32, #tpu.memory_space<hbm>> -> memref<1x384x128xf32, #tpu.memory_space<hbm>>
    %dma_start3A_1092 = tpu.memref_squeeze %dma_start3A_1091 : memref<1x384x128xf32, #tpu.memory_space<hbm>> -> memref<384x128xf32, #tpu.memory_space<hbm>>
    %dma_start3A_1093 = arith.constant 0 : i32
    %dma_start3A_1094 = tpu.memref_slice %arg4[%add3A_1088, %dma_start3A_1093] : memref<2047x128xf32, #tpu.memory_space<vmem_shared>> -> memref<384x128xf32, #tpu.memory_space<vmem_shared>>
    tpu.enqueue_dma source(%dma_start3A_1094 : memref<384x128xf32, #tpu.memory_space<vmem_shared>>) target(%dma_start3A_1092 : memref<384x128xf32, #tpu.memory_space<hbm>>) target_semaphore(%arg6 : memref<!tpu.dma_semaphore, #tpu.memory_space<semaphore_mem>>)
    %dma_wait3A_1095 = arith.constant 88 : i32
    %dma_wait3A_1096 = arith.constant 0 : i32
    %dma_wait3A_1097 = tpu.memref_slice %arg5[%dma_wait3A_1095, %dma_wait3A_1096] : memref<888x128xf32, #tpu.memory_space<vmem>> -> memref<640x128xf32, #tpu.memory_space<vmem>>
    %dma_wait3A_1098 = arith.constant 0 : i32
    %dma_wait3A_1099 = arith.constant 0 : i32
    %dma_wait3A_1100 = tpu.memref_slice %arg3[%add3A_886, %dma_wait3A_1098, %dma_wait3A_1099] : memref<1024x1024x128xf32, #tpu.memory_space<hbm>> -> memref<1x640x128xf32, #tpu.memory_space<hbm>>
    %dma_wait3A_1101 = tpu.memref_squeeze %dma_wait3A_1100 : memref<1x640x128xf32, #tpu.memory_space<hbm>> -> memref<640x128xf32, #tpu.memory_space<hbm>>
    %dma_wait3A_1102 = arith.constant 0 : i32
    %dma_wait3A_1103 = arith.constant 0 : i32
    %dma_wait3A_1104 = tpu.memref_slice %arg3[%add3A_886, %dma_wait3A_1102, %dma_wait3A_1103] : memref<1024x1024x128xf32, #tpu.memory_space<hbm>> -> memref<1x640x128xf32, #tpu.memory_space<hbm>>
    %dma_wait3A_1105 = tpu.memref_squeeze %dma_wait3A_1104 : memref<1x640x128xf32, #tpu.memory_space<hbm>> -> memref<640x128xf32, #tpu.memory_space<hbm>>
    %dma_wait3A_1106 = arith.constant 88 : i32
    %dma_wait3A_1107 = arith.constant 0 : i32
    %dma_wait3A_1108 = tpu.memref_slice %arg5[%dma_wait3A_1106, %dma_wait3A_1107] : memref<888x128xf32, #tpu.memory_space<vmem>> -> memref<640x128xf32, #tpu.memory_space<vmem>>
    tpu.wait_dma2 semaphore(%arg6 : memref<!tpu.dma_semaphore, #tpu.memory_space<semaphore_mem>>) src(%dma_wait3A_1108 : memref<640x128xf32, #tpu.memory_space<vmem>>) dst(%dma_wait3A_1105 : memref<640x128xf32, #tpu.memory_space<hbm>>)
    %dma_wait3A_1109 = arith.constant 640 : i32
    %dma_wait3A_1110 = arith.constant 0 : i32
    %dma_wait3A_1111 = tpu.memref_slice %arg3[%add3A_886, %dma_wait3A_1109, %dma_wait3A_1110] : memref<1024x1024x128xf32, #tpu.memory_space<hbm>> -> memref<1x384x128xf32, #tpu.memory_space<hbm>>
    %dma_wait3A_1112 = tpu.memref_squeeze %dma_wait3A_1111 : memref<1x384x128xf32, #tpu.memory_space<hbm>> -> memref<384x128xf32, #tpu.memory_space<hbm>>
    %dma_wait3A_1113 = arith.constant 0 : i32
    %dma_wait3A_1114 = tpu.memref_slice %arg4[%add3A_904, %dma_wait3A_1113] : memref<2047x128xf32, #tpu.memory_space<vmem_shared>> -> memref<384x128xf32, #tpu.memory_space<vmem_shared>>
    tpu.wait_dma2 semaphore(%arg6 : memref<!tpu.dma_semaphore, #tpu.memory_space<semaphore_mem>>) src(%dma_wait3A_1114 : memref<384x128xf32, #tpu.memory_space<vmem_shared>>) dst(%dma_wait3A_1112 : memref<384x128xf32, #tpu.memory_space<hbm>>)
    %add3A_1115 = arith.constant 200 : i32
    %add3A_1116 = arith.addi %add3A_42, %add3A_1115 : i32
    %dma_start3A_1117 = arith.constant 48 : i32
    %dma_start3A_1118 = arith.constant 0 : i32
    %dma_start3A_1119 = tpu.memref_slice %arg5[%dma_start3A_1117, %dma_start3A_1118] : memref<888x128xf32, #tpu.memory_space<vmem>> -> memref<640x128xf32, #tpu.memory_space<vmem>>
    %dma_start3A_1120 = arith.constant 0 : i32
    %dma_start3A_1121 = arith.constant 0 : i32
    %dma_start3A_1122 = tpu.memref_slice %arg3[%add3A_1116, %dma_start3A_1120, %dma_start3A_1121] : memref<1024x1024x128xf32, #tpu.memory_space<hbm>> -> memref<1x640x128xf32, #tpu.memory_space<hbm>>
    %dma_start3A_1123 = tpu.memref_squeeze %dma_start3A_1122 : memref<1x640x128xf32, #tpu.memory_space<hbm>> -> memref<640x128xf32, #tpu.memory_space<hbm>>
    %dma_start3A_1124 = arith.constant 0 : i32
    %dma_start3A_1125 = arith.constant 0 : i32
    %dma_start3A_1126 = tpu.memref_slice %arg3[%add3A_1116, %dma_start3A_1124, %dma_start3A_1125] : memref<1024x1024x128xf32, #tpu.memory_space<hbm>> -> memref<1x640x128xf32, #tpu.memory_space<hbm>>
    %dma_start3A_1127 = tpu.memref_squeeze %dma_start3A_1126 : memref<1x640x128xf32, #tpu.memory_space<hbm>> -> memref<640x128xf32, #tpu.memory_space<hbm>>
    %dma_start3A_1128 = arith.constant 48 : i32
    %dma_start3A_1129 = arith.constant 0 : i32
    %dma_start3A_1130 = tpu.memref_slice %arg5[%dma_start3A_1128, %dma_start3A_1129] : memref<888x128xf32, #tpu.memory_space<vmem>> -> memref<640x128xf32, #tpu.memory_space<vmem>>
    tpu.enqueue_dma source(%dma_start3A_1130 : memref<640x128xf32, #tpu.memory_space<vmem>>) target(%dma_start3A_1127 : memref<640x128xf32, #tpu.memory_space<hbm>>) target_semaphore(%arg6 : memref<!tpu.dma_semaphore, #tpu.memory_space<semaphore_mem>>)
    %sub3A_1131 = arith.constant 1023 : i32
    %sub3A_1132 = arith.subi %sub3A_1131, %add3A_1116 : i32
    %add3A_1133 = arith.constant 640 : i32
    %add3A_1134 = arith.addi %sub3A_1132, %add3A_1133 : i32
    %dma_start3A_1135 = arith.constant 640 : i32
    %dma_start3A_1136 = arith.constant 0 : i32
    %dma_start3A_1137 = tpu.memref_slice %arg3[%add3A_1116, %dma_start3A_1135, %dma_start3A_1136] : memref<1024x1024x128xf32, #tpu.memory_space<hbm>> -> memref<1x384x128xf32, #tpu.memory_space<hbm>>
    %dma_start3A_1138 = tpu.memref_squeeze %dma_start3A_1137 : memref<1x384x128xf32, #tpu.memory_space<hbm>> -> memref<384x128xf32, #tpu.memory_space<hbm>>
    %dma_start3A_1139 = arith.constant 0 : i32
    %dma_start3A_1140 = tpu.memref_slice %arg4[%add3A_1134, %dma_start3A_1139] : memref<2047x128xf32, #tpu.memory_space<vmem_shared>> -> memref<384x128xf32, #tpu.memory_space<vmem_shared>>
    tpu.enqueue_dma source(%dma_start3A_1140 : memref<384x128xf32, #tpu.memory_space<vmem_shared>>) target(%dma_start3A_1138 : memref<384x128xf32, #tpu.memory_space<hbm>>) target_semaphore(%arg6 : memref<!tpu.dma_semaphore, #tpu.memory_space<semaphore_mem>>)
    %dma_wait3A_1141 = arith.constant 80 : i32
    %dma_wait3A_1142 = arith.constant 0 : i32
    %dma_wait3A_1143 = tpu.memref_slice %arg5[%dma_wait3A_1141, %dma_wait3A_1142] : memref<888x128xf32, #tpu.memory_space<vmem>> -> memref<640x128xf32, #tpu.memory_space<vmem>>
    %dma_wait3A_1144 = arith.constant 0 : i32
    %dma_wait3A_1145 = arith.constant 0 : i32
    %dma_wait3A_1146 = tpu.memref_slice %arg3[%add3A_932, %dma_wait3A_1144, %dma_wait3A_1145] : memref<1024x1024x128xf32, #tpu.memory_space<hbm>> -> memref<1x640x128xf32, #tpu.memory_space<hbm>>
    %dma_wait3A_1147 = tpu.memref_squeeze %dma_wait3A_1146 : memref<1x640x128xf32, #tpu.memory_space<hbm>> -> memref<640x128xf32, #tpu.memory_space<hbm>>
    %dma_wait3A_1148 = arith.constant 0 : i32
    %dma_wait3A_1149 = arith.constant 0 : i32
    %dma_wait3A_1150 = tpu.memref_slice %arg3[%add3A_932, %dma_wait3A_1148, %dma_wait3A_1149] : memref<1024x1024x128xf32, #tpu.memory_space<hbm>> -> memref<1x640x128xf32, #tpu.memory_space<hbm>>
    %dma_wait3A_1151 = tpu.memref_squeeze %dma_wait3A_1150 : memref<1x640x128xf32, #tpu.memory_space<hbm>> -> memref<640x128xf32, #tpu.memory_space<hbm>>
    %dma_wait3A_1152 = arith.constant 80 : i32
    %dma_wait3A_1153 = arith.constant 0 : i32
    %dma_wait3A_1154 = tpu.memref_slice %arg5[%dma_wait3A_1152, %dma_wait3A_1153] : memref<888x128xf32, #tpu.memory_space<vmem>> -> memref<640x128xf32, #tpu.memory_space<vmem>>
    tpu.wait_dma2 semaphore(%arg6 : memref<!tpu.dma_semaphore, #tpu.memory_space<semaphore_mem>>) src(%dma_wait3A_1154 : memref<640x128xf32, #tpu.memory_space<vmem>>) dst(%dma_wait3A_1151 : memref<640x128xf32, #tpu.memory_space<hbm>>)
    %dma_wait3A_1155 = arith.constant 640 : i32
    %dma_wait3A_1156 = arith.constant 0 : i32
    %dma_wait3A_1157 = tpu.memref_slice %arg3[%add3A_932, %dma_wait3A_1155, %dma_wait3A_1156] : memref<1024x1024x128xf32, #tpu.memory_space<hbm>> -> memref<1x384x128xf32, #tpu.memory_space<hbm>>
    %dma_wait3A_1158 = tpu.memref_squeeze %dma_wait3A_1157 : memref<1x384x128xf32, #tpu.memory_space<hbm>> -> memref<384x128xf32, #tpu.memory_space<hbm>>
    %dma_wait3A_1159 = arith.constant 0 : i32
    %dma_wait3A_1160 = tpu.memref_slice %arg4[%add3A_950, %dma_wait3A_1159] : memref<2047x128xf32, #tpu.memory_space<vmem_shared>> -> memref<384x128xf32, #tpu.memory_space<vmem_shared>>
    tpu.wait_dma2 semaphore(%arg6 : memref<!tpu.dma_semaphore, #tpu.memory_space<semaphore_mem>>) src(%dma_wait3A_1160 : memref<384x128xf32, #tpu.memory_space<vmem_shared>>) dst(%dma_wait3A_1158 : memref<384x128xf32, #tpu.memory_space<hbm>>)
    %add3A_1161 = arith.constant 208 : i32
    %add3A_1162 = arith.addi %add3A_42, %add3A_1161 : i32
    %dma_start3A_1163 = arith.constant 40 : i32
    %dma_start3A_1164 = arith.constant 0 : i32
    %dma_start3A_1165 = tpu.memref_slice %arg5[%dma_start3A_1163, %dma_start3A_1164] : memref<888x128xf32, #tpu.memory_space<vmem>> -> memref<640x128xf32, #tpu.memory_space<vmem>>
    %dma_start3A_1166 = arith.constant 0 : i32
    %dma_start3A_1167 = arith.constant 0 : i32
    %dma_start3A_1168 = tpu.memref_slice %arg3[%add3A_1162, %dma_start3A_1166, %dma_start3A_1167] : memref<1024x1024x128xf32, #tpu.memory_space<hbm>> -> memref<1x640x128xf32, #tpu.memory_space<hbm>>
    %dma_start3A_1169 = tpu.memref_squeeze %dma_start3A_1168 : memref<1x640x128xf32, #tpu.memory_space<hbm>> -> memref<640x128xf32, #tpu.memory_space<hbm>>
    %dma_start3A_1170 = arith.constant 0 : i32
    %dma_start3A_1171 = arith.constant 0 : i32
    %dma_start3A_1172 = tpu.memref_slice %arg3[%add3A_1162, %dma_start3A_1170, %dma_start3A_1171] : memref<1024x1024x128xf32, #tpu.memory_space<hbm>> -> memref<1x640x128xf32, #tpu.memory_space<hbm>>
    %dma_start3A_1173 = tpu.memref_squeeze %dma_start3A_1172 : memref<1x640x128xf32, #tpu.memory_space<hbm>> -> memref<640x128xf32, #tpu.memory_space<hbm>>
    %dma_start3A_1174 = arith.constant 40 : i32
    %dma_start3A_1175 = arith.constant 0 : i32
    %dma_start3A_1176 = tpu.memref_slice %arg5[%dma_start3A_1174, %dma_start3A_1175] : memref<888x128xf32, #tpu.memory_space<vmem>> -> memref<640x128xf32, #tpu.memory_space<vmem>>
    tpu.enqueue_dma source(%dma_start3A_1176 : memref<640x128xf32, #tpu.memory_space<vmem>>) target(%dma_start3A_1173 : memref<640x128xf32, #tpu.memory_space<hbm>>) target_semaphore(%arg6 : memref<!tpu.dma_semaphore, #tpu.memory_space<semaphore_mem>>)
    %sub3A_1177 = arith.constant 1023 : i32
    %sub3A_1178 = arith.subi %sub3A_1177, %add3A_1162 : i32
    %add3A_1179 = arith.constant 640 : i32
    %add3A_1180 = arith.addi %sub3A_1178, %add3A_1179 : i32
    %dma_start3A_1181 = arith.constant 640 : i32
    %dma_start3A_1182 = arith.constant 0 : i32
    %dma_start3A_1183 = tpu.memref_slice %arg3[%add3A_1162, %dma_start3A_1181, %dma_start3A_1182] : memref<1024x1024x128xf32, #tpu.memory_space<hbm>> -> memref<1x384x128xf32, #tpu.memory_space<hbm>>
    %dma_start3A_1184 = tpu.memref_squeeze %dma_start3A_1183 : memref<1x384x128xf32, #tpu.memory_space<hbm>> -> memref<384x128xf32, #tpu.memory_space<hbm>>
    %dma_start3A_1185 = arith.constant 0 : i32
    %dma_start3A_1186 = tpu.memref_slice %arg4[%add3A_1180, %dma_start3A_1185] : memref<2047x128xf32, #tpu.memory_space<vmem_shared>> -> memref<384x128xf32, #tpu.memory_space<vmem_shared>>
    tpu.enqueue_dma source(%dma_start3A_1186 : memref<384x128xf32, #tpu.memory_space<vmem_shared>>) target(%dma_start3A_1184 : memref<384x128xf32, #tpu.memory_space<hbm>>) target_semaphore(%arg6 : memref<!tpu.dma_semaphore, #tpu.memory_space<semaphore_mem>>)
    %dma_wait3A_1187 = arith.constant 72 : i32
    %dma_wait3A_1188 = arith.constant 0 : i32
    %dma_wait3A_1189 = tpu.memref_slice %arg5[%dma_wait3A_1187, %dma_wait3A_1188] : memref<888x128xf32, #tpu.memory_space<vmem>> -> memref<640x128xf32, #tpu.memory_space<vmem>>
    %dma_wait3A_1190 = arith.constant 0 : i32
    %dma_wait3A_1191 = arith.constant 0 : i32
    %dma_wait3A_1192 = tpu.memref_slice %arg3[%add3A_978, %dma_wait3A_1190, %dma_wait3A_1191] : memref<1024x1024x128xf32, #tpu.memory_space<hbm>> -> memref<1x640x128xf32, #tpu.memory_space<hbm>>
    %dma_wait3A_1193 = tpu.memref_squeeze %dma_wait3A_1192 : memref<1x640x128xf32, #tpu.memory_space<hbm>> -> memref<640x128xf32, #tpu.memory_space<hbm>>
    %dma_wait3A_1194 = arith.constant 0 : i32
    %dma_wait3A_1195 = arith.constant 0 : i32
    %dma_wait3A_1196 = tpu.memref_slice %arg3[%add3A_978, %dma_wait3A_1194, %dma_wait3A_1195] : memref<1024x1024x128xf32, #tpu.memory_space<hbm>> -> memref<1x640x128xf32, #tpu.memory_space<hbm>>
    %dma_wait3A_1197 = tpu.memref_squeeze %dma_wait3A_1196 : memref<1x640x128xf32, #tpu.memory_space<hbm>> -> memref<640x128xf32, #tpu.memory_space<hbm>>
    %dma_wait3A_1198 = arith.constant 72 : i32
    %dma_wait3A_1199 = arith.constant 0 : i32
    %dma_wait3A_1200 = tpu.memref_slice %arg5[%dma_wait3A_1198, %dma_wait3A_1199] : memref<888x128xf32, #tpu.memory_space<vmem>> -> memref<640x128xf32, #tpu.memory_space<vmem>>
    tpu.wait_dma2 semaphore(%arg6 : memref<!tpu.dma_semaphore, #tpu.memory_space<semaphore_mem>>) src(%dma_wait3A_1200 : memref<640x128xf32, #tpu.memory_space<vmem>>) dst(%dma_wait3A_1197 : memref<640x128xf32, #tpu.memory_space<hbm>>)
    %dma_wait3A_1201 = arith.constant 640 : i32
    %dma_wait3A_1202 = arith.constant 0 : i32
    %dma_wait3A_1203 = tpu.memref_slice %arg3[%add3A_978, %dma_wait3A_1201, %dma_wait3A_1202] : memref<1024x1024x128xf32, #tpu.memory_space<hbm>> -> memref<1x384x128xf32, #tpu.memory_space<hbm>>
    %dma_wait3A_1204 = tpu.memref_squeeze %dma_wait3A_1203 : memref<1x384x128xf32, #tpu.memory_space<hbm>> -> memref<384x128xf32, #tpu.memory_space<hbm>>
    %dma_wait3A_1205 = arith.constant 0 : i32
    %dma_wait3A_1206 = tpu.memref_slice %arg4[%add3A_996, %dma_wait3A_1205] : memref<2047x128xf32, #tpu.memory_space<vmem_shared>> -> memref<384x128xf32, #tpu.memory_space<vmem_shared>>
    tpu.wait_dma2 semaphore(%arg6 : memref<!tpu.dma_semaphore, #tpu.memory_space<semaphore_mem>>) src(%dma_wait3A_1206 : memref<384x128xf32, #tpu.memory_space<vmem_shared>>) dst(%dma_wait3A_1204 : memref<384x128xf32, #tpu.memory_space<hbm>>)
    %add3A_1207 = arith.constant 216 : i32
    %add3A_1208 = arith.addi %add3A_42, %add3A_1207 : i32
    %dma_start3A_1209 = arith.constant 32 : i32
    %dma_start3A_1210 = arith.constant 0 : i32
    %dma_start3A_1211 = tpu.memref_slice %arg5[%dma_start3A_1209, %dma_start3A_1210] : memref<888x128xf32, #tpu.memory_space<vmem>> -> memref<640x128xf32, #tpu.memory_space<vmem>>
    %dma_start3A_1212 = arith.constant 0 : i32
    %dma_start3A_1213 = arith.constant 0 : i32
    %dma_start3A_1214 = tpu.memref_slice %arg3[%add3A_1208, %dma_start3A_1212, %dma_start3A_1213] : memref<1024x1024x128xf32, #tpu.memory_space<hbm>> -> memref<1x640x128xf32, #tpu.memory_space<hbm>>
    %dma_start3A_1215 = tpu.memref_squeeze %dma_start3A_1214 : memref<1x640x128xf32, #tpu.memory_space<hbm>> -> memref<640x128xf32, #tpu.memory_space<hbm>>
    %dma_start3A_1216 = arith.constant 0 : i32
    %dma_start3A_1217 = arith.constant 0 : i32
    %dma_start3A_1218 = tpu.memref_slice %arg3[%add3A_1208, %dma_start3A_1216, %dma_start3A_1217] : memref<1024x1024x128xf32, #tpu.memory_space<hbm>> -> memref<1x640x128xf32, #tpu.memory_space<hbm>>
    %dma_start3A_1219 = tpu.memref_squeeze %dma_start3A_1218 : memref<1x640x128xf32, #tpu.memory_space<hbm>> -> memref<640x128xf32, #tpu.memory_space<hbm>>
    %dma_start3A_1220 = arith.constant 32 : i32
    %dma_start3A_1221 = arith.constant 0 : i32
    %dma_start3A_1222 = tpu.memref_slice %arg5[%dma_start3A_1220, %dma_start3A_1221] : memref<888x128xf32, #tpu.memory_space<vmem>> -> memref<640x128xf32, #tpu.memory_space<vmem>>
    tpu.enqueue_dma source(%dma_start3A_1222 : memref<640x128xf32, #tpu.memory_space<vmem>>) target(%dma_start3A_1219 : memref<640x128xf32, #tpu.memory_space<hbm>>) target_semaphore(%arg6 : memref<!tpu.dma_semaphore, #tpu.memory_space<semaphore_mem>>)
    %sub3A_1223 = arith.constant 1023 : i32
    %sub3A_1224 = arith.subi %sub3A_1223, %add3A_1208 : i32
    %add3A_1225 = arith.constant 640 : i32
    %add3A_1226 = arith.addi %sub3A_1224, %add3A_1225 : i32
    %dma_start3A_1227 = arith.constant 640 : i32
    %dma_start3A_1228 = arith.constant 0 : i32
    %dma_start3A_1229 = tpu.memref_slice %arg3[%add3A_1208, %dma_start3A_1227, %dma_start3A_1228] : memref<1024x1024x128xf32, #tpu.memory_space<hbm>> -> memref<1x384x128xf32, #tpu.memory_space<hbm>>
    %dma_start3A_1230 = tpu.memref_squeeze %dma_start3A_1229 : memref<1x384x128xf32, #tpu.memory_space<hbm>> -> memref<384x128xf32, #tpu.memory_space<hbm>>
    %dma_start3A_1231 = arith.constant 0 : i32
    %dma_start3A_1232 = tpu.memref_slice %arg4[%add3A_1226, %dma_start3A_1231] : memref<2047x128xf32, #tpu.memory_space<vmem_shared>> -> memref<384x128xf32, #tpu.memory_space<vmem_shared>>
    tpu.enqueue_dma source(%dma_start3A_1232 : memref<384x128xf32, #tpu.memory_space<vmem_shared>>) target(%dma_start3A_1230 : memref<384x128xf32, #tpu.memory_space<hbm>>) target_semaphore(%arg6 : memref<!tpu.dma_semaphore, #tpu.memory_space<semaphore_mem>>)
    %dma_wait3A_1233 = arith.constant 64 : i32
    %dma_wait3A_1234 = arith.constant 0 : i32
    %dma_wait3A_1235 = tpu.memref_slice %arg5[%dma_wait3A_1233, %dma_wait3A_1234] : memref<888x128xf32, #tpu.memory_space<vmem>> -> memref<640x128xf32, #tpu.memory_space<vmem>>
    %dma_wait3A_1236 = arith.constant 0 : i32
    %dma_wait3A_1237 = arith.constant 0 : i32
    %dma_wait3A_1238 = tpu.memref_slice %arg3[%add3A_1024, %dma_wait3A_1236, %dma_wait3A_1237] : memref<1024x1024x128xf32, #tpu.memory_space<hbm>> -> memref<1x640x128xf32, #tpu.memory_space<hbm>>
    %dma_wait3A_1239 = tpu.memref_squeeze %dma_wait3A_1238 : memref<1x640x128xf32, #tpu.memory_space<hbm>> -> memref<640x128xf32, #tpu.memory_space<hbm>>
    %dma_wait3A_1240 = arith.constant 0 : i32
    %dma_wait3A_1241 = arith.constant 0 : i32
    %dma_wait3A_1242 = tpu.memref_slice %arg3[%add3A_1024, %dma_wait3A_1240, %dma_wait3A_1241] : memref<1024x1024x128xf32, #tpu.memory_space<hbm>> -> memref<1x640x128xf32, #tpu.memory_space<hbm>>
    %dma_wait3A_1243 = tpu.memref_squeeze %dma_wait3A_1242 : memref<1x640x128xf32, #tpu.memory_space<hbm>> -> memref<640x128xf32, #tpu.memory_space<hbm>>
    %dma_wait3A_1244 = arith.constant 64 : i32
    %dma_wait3A_1245 = arith.constant 0 : i32
    %dma_wait3A_1246 = tpu.memref_slice %arg5[%dma_wait3A_1244, %dma_wait3A_1245] : memref<888x128xf32, #tpu.memory_space<vmem>> -> memref<640x128xf32, #tpu.memory_space<vmem>>
    tpu.wait_dma2 semaphore(%arg6 : memref<!tpu.dma_semaphore, #tpu.memory_space<semaphore_mem>>) src(%dma_wait3A_1246 : memref<640x128xf32, #tpu.memory_space<vmem>>) dst(%dma_wait3A_1243 : memref<640x128xf32, #tpu.memory_space<hbm>>)
    %dma_wait3A_1247 = arith.constant 640 : i32
    %dma_wait3A_1248 = arith.constant 0 : i32
    %dma_wait3A_1249 = tpu.memref_slice %arg3[%add3A_1024, %dma_wait3A_1247, %dma_wait3A_1248] : memref<1024x1024x128xf32, #tpu.memory_space<hbm>> -> memref<1x384x128xf32, #tpu.memory_space<hbm>>
    %dma_wait3A_1250 = tpu.memref_squeeze %dma_wait3A_1249 : memref<1x384x128xf32, #tpu.memory_space<hbm>> -> memref<384x128xf32, #tpu.memory_space<hbm>>
    %dma_wait3A_1251 = arith.constant 0 : i32
    %dma_wait3A_1252 = tpu.memref_slice %arg4[%add3A_1042, %dma_wait3A_1251] : memref<2047x128xf32, #tpu.memory_space<vmem_shared>> -> memref<384x128xf32, #tpu.memory_space<vmem_shared>>
    tpu.wait_dma2 semaphore(%arg6 : memref<!tpu.dma_semaphore, #tpu.memory_space<semaphore_mem>>) src(%dma_wait3A_1252 : memref<384x128xf32, #tpu.memory_space<vmem_shared>>) dst(%dma_wait3A_1250 : memref<384x128xf32, #tpu.memory_space<hbm>>)
    %add3A_1253 = arith.constant 224 : i32
    %add3A_1254 = arith.addi %add3A_42, %add3A_1253 : i32
    %dma_start3A_1255 = arith.constant 24 : i32
    %dma_start3A_1256 = arith.constant 0 : i32
    %dma_start3A_1257 = tpu.memref_slice %arg5[%dma_start3A_1255, %dma_start3A_1256] : memref<888x128xf32, #tpu.memory_space<vmem>> -> memref<640x128xf32, #tpu.memory_space<vmem>>
    %dma_start3A_1258 = arith.constant 0 : i32
    %dma_start3A_1259 = arith.constant 0 : i32
    %dma_start3A_1260 = tpu.memref_slice %arg3[%add3A_1254, %dma_start3A_1258, %dma_start3A_1259] : memref<1024x1024x128xf32, #tpu.memory_space<hbm>> -> memref<1x640x128xf32, #tpu.memory_space<hbm>>
    %dma_start3A_1261 = tpu.memref_squeeze %dma_start3A_1260 : memref<1x640x128xf32, #tpu.memory_space<hbm>> -> memref<640x128xf32, #tpu.memory_space<hbm>>
    %dma_start3A_1262 = arith.constant 0 : i32
    %dma_start3A_1263 = arith.constant 0 : i32
    %dma_start3A_1264 = tpu.memref_slice %arg3[%add3A_1254, %dma_start3A_1262, %dma_start3A_1263] : memref<1024x1024x128xf32, #tpu.memory_space<hbm>> -> memref<1x640x128xf32, #tpu.memory_space<hbm>>
    %dma_start3A_1265 = tpu.memref_squeeze %dma_start3A_1264 : memref<1x640x128xf32, #tpu.memory_space<hbm>> -> memref<640x128xf32, #tpu.memory_space<hbm>>
    %dma_start3A_1266 = arith.constant 24 : i32
    %dma_start3A_1267 = arith.constant 0 : i32
    %dma_start3A_1268 = tpu.memref_slice %arg5[%dma_start3A_1266, %dma_start3A_1267] : memref<888x128xf32, #tpu.memory_space<vmem>> -> memref<640x128xf32, #tpu.memory_space<vmem>>
    tpu.enqueue_dma source(%dma_start3A_1268 : memref<640x128xf32, #tpu.memory_space<vmem>>) target(%dma_start3A_1265 : memref<640x128xf32, #tpu.memory_space<hbm>>) target_semaphore(%arg6 : memref<!tpu.dma_semaphore, #tpu.memory_space<semaphore_mem>>)
    %sub3A_1269 = arith.constant 1023 : i32
    %sub3A_1270 = arith.subi %sub3A_1269, %add3A_1254 : i32
    %add3A_1271 = arith.constant 640 : i32
    %add3A_1272 = arith.addi %sub3A_1270, %add3A_1271 : i32
    %dma_start3A_1273 = arith.constant 640 : i32
    %dma_start3A_1274 = arith.constant 0 : i32
    %dma_start3A_1275 = tpu.memref_slice %arg3[%add3A_1254, %dma_start3A_1273, %dma_start3A_1274] : memref<1024x1024x128xf32, #tpu.memory_space<hbm>> -> memref<1x384x128xf32, #tpu.memory_space<hbm>>
    %dma_start3A_1276 = tpu.memref_squeeze %dma_start3A_1275 : memref<1x384x128xf32, #tpu.memory_space<hbm>> -> memref<384x128xf32, #tpu.memory_space<hbm>>
    %dma_start3A_1277 = arith.constant 0 : i32
    %dma_start3A_1278 = tpu.memref_slice %arg4[%add3A_1272, %dma_start3A_1277] : memref<2047x128xf32, #tpu.memory_space<vmem_shared>> -> memref<384x128xf32, #tpu.memory_space<vmem_shared>>
    tpu.enqueue_dma source(%dma_start3A_1278 : memref<384x128xf32, #tpu.memory_space<vmem_shared>>) target(%dma_start3A_1276 : memref<384x128xf32, #tpu.memory_space<hbm>>) target_semaphore(%arg6 : memref<!tpu.dma_semaphore, #tpu.memory_space<semaphore_mem>>)
    %dma_wait3A_1279 = arith.constant 56 : i32
    %dma_wait3A_1280 = arith.constant 0 : i32
    %dma_wait3A_1281 = tpu.memref_slice %arg5[%dma_wait3A_1279, %dma_wait3A_1280] : memref<888x128xf32, #tpu.memory_space<vmem>> -> memref<640x128xf32, #tpu.memory_space<vmem>>
    %dma_wait3A_1282 = arith.constant 0 : i32
    %dma_wait3A_1283 = arith.constant 0 : i32
    %dma_wait3A_1284 = tpu.memref_slice %arg3[%add3A_1070, %dma_wait3A_1282, %dma_wait3A_1283] : memref<1024x1024x128xf32, #tpu.memory_space<hbm>> -> memref<1x640x128xf32, #tpu.memory_space<hbm>>
    %dma_wait3A_1285 = tpu.memref_squeeze %dma_wait3A_1284 : memref<1x640x128xf32, #tpu.memory_space<hbm>> -> memref<640x128xf32, #tpu.memory_space<hbm>>
    %dma_wait3A_1286 = arith.constant 0 : i32
    %dma_wait3A_1287 = arith.constant 0 : i32
    %dma_wait3A_1288 = tpu.memref_slice %arg3[%add3A_1070, %dma_wait3A_1286, %dma_wait3A_1287] : memref<1024x1024x128xf32, #tpu.memory_space<hbm>> -> memref<1x640x128xf32, #tpu.memory_space<hbm>>
    %dma_wait3A_1289 = tpu.memref_squeeze %dma_wait3A_1288 : memref<1x640x128xf32, #tpu.memory_space<hbm>> -> memref<640x128xf32, #tpu.memory_space<hbm>>
    %dma_wait3A_1290 = arith.constant 56 : i32
    %dma_wait3A_1291 = arith.constant 0 : i32
    %dma_wait3A_1292 = tpu.memref_slice %arg5[%dma_wait3A_1290, %dma_wait3A_1291] : memref<888x128xf32, #tpu.memory_space<vmem>> -> memref<640x128xf32, #tpu.memory_space<vmem>>
    tpu.wait_dma2 semaphore(%arg6 : memref<!tpu.dma_semaphore, #tpu.memory_space<semaphore_mem>>) src(%dma_wait3A_1292 : memref<640x128xf32, #tpu.memory_space<vmem>>) dst(%dma_wait3A_1289 : memref<640x128xf32, #tpu.memory_space<hbm>>)
    %dma_wait3A_1293 = arith.constant 640 : i32
    %dma_wait3A_1294 = arith.constant 0 : i32
    %dma_wait3A_1295 = tpu.memref_slice %arg3[%add3A_1070, %dma_wait3A_1293, %dma_wait3A_1294] : memref<1024x1024x128xf32, #tpu.memory_space<hbm>> -> memref<1x384x128xf32, #tpu.memory_space<hbm>>
    %dma_wait3A_1296 = tpu.memref_squeeze %dma_wait3A_1295 : memref<1x384x128xf32, #tpu.memory_space<hbm>> -> memref<384x128xf32, #tpu.memory_space<hbm>>
    %dma_wait3A_1297 = arith.constant 0 : i32
    %dma_wait3A_1298 = tpu.memref_slice %arg4[%add3A_1088, %dma_wait3A_1297] : memref<2047x128xf32, #tpu.memory_space<vmem_shared>> -> memref<384x128xf32, #tpu.memory_space<vmem_shared>>
    tpu.wait_dma2 semaphore(%arg6 : memref<!tpu.dma_semaphore, #tpu.memory_space<semaphore_mem>>) src(%dma_wait3A_1298 : memref<384x128xf32, #tpu.memory_space<vmem_shared>>) dst(%dma_wait3A_1296 : memref<384x128xf32, #tpu.memory_space<hbm>>)
    %add3A_1299 = arith.constant 232 : i32
    %add3A_1300 = arith.addi %add3A_42, %add3A_1299 : i32
    %dma_start3A_1301 = arith.constant 16 : i32
    %dma_start3A_1302 = arith.constant 0 : i32
    %dma_start3A_1303 = tpu.memref_slice %arg5[%dma_start3A_1301, %dma_start3A_1302] : memref<888x128xf32, #tpu.memory_space<vmem>> -> memref<640x128xf32, #tpu.memory_space<vmem>>
    %dma_start3A_1304 = arith.constant 0 : i32
    %dma_start3A_1305 = arith.constant 0 : i32
    %dma_start3A_1306 = tpu.memref_slice %arg3[%add3A_1300, %dma_start3A_1304, %dma_start3A_1305] : memref<1024x1024x128xf32, #tpu.memory_space<hbm>> -> memref<1x640x128xf32, #tpu.memory_space<hbm>>
    %dma_start3A_1307 = tpu.memref_squeeze %dma_start3A_1306 : memref<1x640x128xf32, #tpu.memory_space<hbm>> -> memref<640x128xf32, #tpu.memory_space<hbm>>
    %dma_start3A_1308 = arith.constant 0 : i32
    %dma_start3A_1309 = arith.constant 0 : i32
    %dma_start3A_1310 = tpu.memref_slice %arg3[%add3A_1300, %dma_start3A_1308, %dma_start3A_1309] : memref<1024x1024x128xf32, #tpu.memory_space<hbm>> -> memref<1x640x128xf32, #tpu.memory_space<hbm>>
    %dma_start3A_1311 = tpu.memref_squeeze %dma_start3A_1310 : memref<1x640x128xf32, #tpu.memory_space<hbm>> -> memref<640x128xf32, #tpu.memory_space<hbm>>
    %dma_start3A_1312 = arith.constant 16 : i32
    %dma_start3A_1313 = arith.constant 0 : i32
    %dma_start3A_1314 = tpu.memref_slice %arg5[%dma_start3A_1312, %dma_start3A_1313] : memref<888x128xf32, #tpu.memory_space<vmem>> -> memref<640x128xf32, #tpu.memory_space<vmem>>
    tpu.enqueue_dma source(%dma_start3A_1314 : memref<640x128xf32, #tpu.memory_space<vmem>>) target(%dma_start3A_1311 : memref<640x128xf32, #tpu.memory_space<hbm>>) target_semaphore(%arg6 : memref<!tpu.dma_semaphore, #tpu.memory_space<semaphore_mem>>)
    %sub3A_1315 = arith.constant 1023 : i32
    %sub3A_1316 = arith.subi %sub3A_1315, %add3A_1300 : i32
    %add3A_1317 = arith.constant 640 : i32
    %add3A_1318 = arith.addi %sub3A_1316, %add3A_1317 : i32
    %dma_start3A_1319 = arith.constant 640 : i32
    %dma_start3A_1320 = arith.constant 0 : i32
    %dma_start3A_1321 = tpu.memref_slice %arg3[%add3A_1300, %dma_start3A_1319, %dma_start3A_1320] : memref<1024x1024x128xf32, #tpu.memory_space<hbm>> -> memref<1x384x128xf32, #tpu.memory_space<hbm>>
    %dma_start3A_1322 = tpu.memref_squeeze %dma_start3A_1321 : memref<1x384x128xf32, #tpu.memory_space<hbm>> -> memref<384x128xf32, #tpu.memory_space<hbm>>
    %dma_start3A_1323 = arith.constant 0 : i32
    %dma_start3A_1324 = tpu.memref_slice %arg4[%add3A_1318, %dma_start3A_1323] : memref<2047x128xf32, #tpu.memory_space<vmem_shared>> -> memref<384x128xf32, #tpu.memory_space<vmem_shared>>
    tpu.enqueue_dma source(%dma_start3A_1324 : memref<384x128xf32, #tpu.memory_space<vmem_shared>>) target(%dma_start3A_1322 : memref<384x128xf32, #tpu.memory_space<hbm>>) target_semaphore(%arg6 : memref<!tpu.dma_semaphore, #tpu.memory_space<semaphore_mem>>)
    %dma_wait3A_1325 = arith.constant 48 : i32
    %dma_wait3A_1326 = arith.constant 0 : i32
    %dma_wait3A_1327 = tpu.memref_slice %arg5[%dma_wait3A_1325, %dma_wait3A_1326] : memref<888x128xf32, #tpu.memory_space<vmem>> -> memref<640x128xf32, #tpu.memory_space<vmem>>
    %dma_wait3A_1328 = arith.constant 0 : i32
    %dma_wait3A_1329 = arith.constant 0 : i32
    %dma_wait3A_1330 = tpu.memref_slice %arg3[%add3A_1116, %dma_wait3A_1328, %dma_wait3A_1329] : memref<1024x1024x128xf32, #tpu.memory_space<hbm>> -> memref<1x640x128xf32, #tpu.memory_space<hbm>>
    %dma_wait3A_1331 = tpu.memref_squeeze %dma_wait3A_1330 : memref<1x640x128xf32, #tpu.memory_space<hbm>> -> memref<640x128xf32, #tpu.memory_space<hbm>>
    %dma_wait3A_1332 = arith.constant 0 : i32
    %dma_wait3A_1333 = arith.constant 0 : i32
    %dma_wait3A_1334 = tpu.memref_slice %arg3[%add3A_1116, %dma_wait3A_1332, %dma_wait3A_1333] : memref<1024x1024x128xf32, #tpu.memory_space<hbm>> -> memref<1x640x128xf32, #tpu.memory_space<hbm>>
    %dma_wait3A_1335 = tpu.memref_squeeze %dma_wait3A_1334 : memref<1x640x128xf32, #tpu.memory_space<hbm>> -> memref<640x128xf32, #tpu.memory_space<hbm>>
    %dma_wait3A_1336 = arith.constant 48 : i32
    %dma_wait3A_1337 = arith.constant 0 : i32
    %dma_wait3A_1338 = tpu.memref_slice %arg5[%dma_wait3A_1336, %dma_wait3A_1337] : memref<888x128xf32, #tpu.memory_space<vmem>> -> memref<640x128xf32, #tpu.memory_space<vmem>>
    tpu.wait_dma2 semaphore(%arg6 : memref<!tpu.dma_semaphore, #tpu.memory_space<semaphore_mem>>) src(%dma_wait3A_1338 : memref<640x128xf32, #tpu.memory_space<vmem>>) dst(%dma_wait3A_1335 : memref<640x128xf32, #tpu.memory_space<hbm>>)
    %dma_wait3A_1339 = arith.constant 640 : i32
    %dma_wait3A_1340 = arith.constant 0 : i32
    %dma_wait3A_1341 = tpu.memref_slice %arg3[%add3A_1116, %dma_wait3A_1339, %dma_wait3A_1340] : memref<1024x1024x128xf32, #tpu.memory_space<hbm>> -> memref<1x384x128xf32, #tpu.memory_space<hbm>>
    %dma_wait3A_1342 = tpu.memref_squeeze %dma_wait3A_1341 : memref<1x384x128xf32, #tpu.memory_space<hbm>> -> memref<384x128xf32, #tpu.memory_space<hbm>>
    %dma_wait3A_1343 = arith.constant 0 : i32
    %dma_wait3A_1344 = tpu.memref_slice %arg4[%add3A_1134, %dma_wait3A_1343] : memref<2047x128xf32, #tpu.memory_space<vmem_shared>> -> memref<384x128xf32, #tpu.memory_space<vmem_shared>>
    tpu.wait_dma2 semaphore(%arg6 : memref<!tpu.dma_semaphore, #tpu.memory_space<semaphore_mem>>) src(%dma_wait3A_1344 : memref<384x128xf32, #tpu.memory_space<vmem_shared>>) dst(%dma_wait3A_1342 : memref<384x128xf32, #tpu.memory_space<hbm>>)
    %add3A_1345 = arith.constant 240 : i32
    %add3A_1346 = arith.addi %add3A_42, %add3A_1345 : i32
    %dma_start3A_1347 = arith.constant 8 : i32
    %dma_start3A_1348 = arith.constant 0 : i32
    %dma_start3A_1349 = tpu.memref_slice %arg5[%dma_start3A_1347, %dma_start3A_1348] : memref<888x128xf32, #tpu.memory_space<vmem>> -> memref<640x128xf32, #tpu.memory_space<vmem>>
    %dma_start3A_1350 = arith.constant 0 : i32
    %dma_start3A_1351 = arith.constant 0 : i32
    %dma_start3A_1352 = tpu.memref_slice %arg3[%add3A_1346, %dma_start3A_1350, %dma_start3A_1351] : memref<1024x1024x128xf32, #tpu.memory_space<hbm>> -> memref<1x640x128xf32, #tpu.memory_space<hbm>>
    %dma_start3A_1353 = tpu.memref_squeeze %dma_start3A_1352 : memref<1x640x128xf32, #tpu.memory_space<hbm>> -> memref<640x128xf32, #tpu.memory_space<hbm>>
    %dma_start3A_1354 = arith.constant 0 : i32
    %dma_start3A_1355 = arith.constant 0 : i32
    %dma_start3A_1356 = tpu.memref_slice %arg3[%add3A_1346, %dma_start3A_1354, %dma_start3A_1355] : memref<1024x1024x128xf32, #tpu.memory_space<hbm>> -> memref<1x640x128xf32, #tpu.memory_space<hbm>>
    %dma_start3A_1357 = tpu.memref_squeeze %dma_start3A_1356 : memref<1x640x128xf32, #tpu.memory_space<hbm>> -> memref<640x128xf32, #tpu.memory_space<hbm>>
    %dma_start3A_1358 = arith.constant 8 : i32
    %dma_start3A_1359 = arith.constant 0 : i32
    %dma_start3A_1360 = tpu.memref_slice %arg5[%dma_start3A_1358, %dma_start3A_1359] : memref<888x128xf32, #tpu.memory_space<vmem>> -> memref<640x128xf32, #tpu.memory_space<vmem>>
    tpu.enqueue_dma source(%dma_start3A_1360 : memref<640x128xf32, #tpu.memory_space<vmem>>) target(%dma_start3A_1357 : memref<640x128xf32, #tpu.memory_space<hbm>>) target_semaphore(%arg6 : memref<!tpu.dma_semaphore, #tpu.memory_space<semaphore_mem>>)
    %sub3A_1361 = arith.constant 1023 : i32
    %sub3A_1362 = arith.subi %sub3A_1361, %add3A_1346 : i32
    %add3A_1363 = arith.constant 640 : i32
    %add3A_1364 = arith.addi %sub3A_1362, %add3A_1363 : i32
    %dma_start3A_1365 = arith.constant 640 : i32
    %dma_start3A_1366 = arith.constant 0 : i32
    %dma_start3A_1367 = tpu.memref_slice %arg3[%add3A_1346, %dma_start3A_1365, %dma_start3A_1366] : memref<1024x1024x128xf32, #tpu.memory_space<hbm>> -> memref<1x384x128xf32, #tpu.memory_space<hbm>>
    %dma_start3A_1368 = tpu.memref_squeeze %dma_start3A_1367 : memref<1x384x128xf32, #tpu.memory_space<hbm>> -> memref<384x128xf32, #tpu.memory_space<hbm>>
    %dma_start3A_1369 = arith.constant 0 : i32
    %dma_start3A_1370 = tpu.memref_slice %arg4[%add3A_1364, %dma_start3A_1369] : memref<2047x128xf32, #tpu.memory_space<vmem_shared>> -> memref<384x128xf32, #tpu.memory_space<vmem_shared>>
    tpu.enqueue_dma source(%dma_start3A_1370 : memref<384x128xf32, #tpu.memory_space<vmem_shared>>) target(%dma_start3A_1368 : memref<384x128xf32, #tpu.memory_space<hbm>>) target_semaphore(%arg6 : memref<!tpu.dma_semaphore, #tpu.memory_space<semaphore_mem>>)
    %dma_wait3A_1371 = arith.constant 40 : i32
    %dma_wait3A_1372 = arith.constant 0 : i32
    %dma_wait3A_1373 = tpu.memref_slice %arg5[%dma_wait3A_1371, %dma_wait3A_1372] : memref<888x128xf32, #tpu.memory_space<vmem>> -> memref<640x128xf32, #tpu.memory_space<vmem>>
    %dma_wait3A_1374 = arith.constant 0 : i32
    %dma_wait3A_1375 = arith.constant 0 : i32
    %dma_wait3A_1376 = tpu.memref_slice %arg3[%add3A_1162, %dma_wait3A_1374, %dma_wait3A_1375] : memref<1024x1024x128xf32, #tpu.memory_space<hbm>> -> memref<1x640x128xf32, #tpu.memory_space<hbm>>
    %dma_wait3A_1377 = tpu.memref_squeeze %dma_wait3A_1376 : memref<1x640x128xf32, #tpu.memory_space<hbm>> -> memref<640x128xf32, #tpu.memory_space<hbm>>
    %dma_wait3A_1378 = arith.constant 0 : i32
    %dma_wait3A_1379 = arith.constant 0 : i32
    %dma_wait3A_1380 = tpu.memref_slice %arg3[%add3A_1162, %dma_wait3A_1378, %dma_wait3A_1379] : memref<1024x1024x128xf32, #tpu.memory_space<hbm>> -> memref<1x640x128xf32, #tpu.memory_space<hbm>>
    %dma_wait3A_1381 = tpu.memref_squeeze %dma_wait3A_1380 : memref<1x640x128xf32, #tpu.memory_space<hbm>> -> memref<640x128xf32, #tpu.memory_space<hbm>>
    %dma_wait3A_1382 = arith.constant 40 : i32
    %dma_wait3A_1383 = arith.constant 0 : i32
    %dma_wait3A_1384 = tpu.memref_slice %arg5[%dma_wait3A_1382, %dma_wait3A_1383] : memref<888x128xf32, #tpu.memory_space<vmem>> -> memref<640x128xf32, #tpu.memory_space<vmem>>
    tpu.wait_dma2 semaphore(%arg6 : memref<!tpu.dma_semaphore, #tpu.memory_space<semaphore_mem>>) src(%dma_wait3A_1384 : memref<640x128xf32, #tpu.memory_space<vmem>>) dst(%dma_wait3A_1381 : memref<640x128xf32, #tpu.memory_space<hbm>>)
    %dma_wait3A_1385 = arith.constant 640 : i32
    %dma_wait3A_1386 = arith.constant 0 : i32
    %dma_wait3A_1387 = tpu.memref_slice %arg3[%add3A_1162, %dma_wait3A_1385, %dma_wait3A_1386] : memref<1024x1024x128xf32, #tpu.memory_space<hbm>> -> memref<1x384x128xf32, #tpu.memory_space<hbm>>
    %dma_wait3A_1388 = tpu.memref_squeeze %dma_wait3A_1387 : memref<1x384x128xf32, #tpu.memory_space<hbm>> -> memref<384x128xf32, #tpu.memory_space<hbm>>
    %dma_wait3A_1389 = arith.constant 0 : i32
    %dma_wait3A_1390 = tpu.memref_slice %arg4[%add3A_1180, %dma_wait3A_1389] : memref<2047x128xf32, #tpu.memory_space<vmem_shared>> -> memref<384x128xf32, #tpu.memory_space<vmem_shared>>
    tpu.wait_dma2 semaphore(%arg6 : memref<!tpu.dma_semaphore, #tpu.memory_space<semaphore_mem>>) src(%dma_wait3A_1390 : memref<384x128xf32, #tpu.memory_space<vmem_shared>>) dst(%dma_wait3A_1388 : memref<384x128xf32, #tpu.memory_space<hbm>>)
    %add3A_1391 = arith.constant 248 : i32
    %add3A_1392 = arith.addi %add3A_42, %add3A_1391 : i32
    %dma_start3A_1393 = arith.constant 0 : i32
    %dma_start3A_1394 = arith.constant 0 : i32
    %dma_start3A_1395 = tpu.memref_slice %arg5[%dma_start3A_1393, %dma_start3A_1394] : memref<888x128xf32, #tpu.memory_space<vmem>> -> memref<640x128xf32, #tpu.memory_space<vmem>>
    %dma_start3A_1396 = arith.constant 0 : i32
    %dma_start3A_1397 = arith.constant 0 : i32
    %dma_start3A_1398 = tpu.memref_slice %arg3[%add3A_1392, %dma_start3A_1396, %dma_start3A_1397] : memref<1024x1024x128xf32, #tpu.memory_space<hbm>> -> memref<1x640x128xf32, #tpu.memory_space<hbm>>
    %dma_start3A_1399 = tpu.memref_squeeze %dma_start3A_1398 : memref<1x640x128xf32, #tpu.memory_space<hbm>> -> memref<640x128xf32, #tpu.memory_space<hbm>>
    %dma_start3A_1400 = arith.constant 0 : i32
    %dma_start3A_1401 = arith.constant 0 : i32
    %dma_start3A_1402 = tpu.memref_slice %arg3[%add3A_1392, %dma_start3A_1400, %dma_start3A_1401] : memref<1024x1024x128xf32, #tpu.memory_space<hbm>> -> memref<1x640x128xf32, #tpu.memory_space<hbm>>
    %dma_start3A_1403 = tpu.memref_squeeze %dma_start3A_1402 : memref<1x640x128xf32, #tpu.memory_space<hbm>> -> memref<640x128xf32, #tpu.memory_space<hbm>>
    %dma_start3A_1404 = arith.constant 0 : i32
    %dma_start3A_1405 = arith.constant 0 : i32
    %dma_start3A_1406 = tpu.memref_slice %arg5[%dma_start3A_1404, %dma_start3A_1405] : memref<888x128xf32, #tpu.memory_space<vmem>> -> memref<640x128xf32, #tpu.memory_space<vmem>>
    tpu.enqueue_dma source(%dma_start3A_1406 : memref<640x128xf32, #tpu.memory_space<vmem>>) target(%dma_start3A_1403 : memref<640x128xf32, #tpu.memory_space<hbm>>) target_semaphore(%arg6 : memref<!tpu.dma_semaphore, #tpu.memory_space<semaphore_mem>>)
    %sub3A_1407 = arith.constant 1023 : i32
    %sub3A_1408 = arith.subi %sub3A_1407, %add3A_1392 : i32
    %add3A_1409 = arith.constant 640 : i32
    %add3A_1410 = arith.addi %sub3A_1408, %add3A_1409 : i32
    %dma_start3A_1411 = arith.constant 640 : i32
    %dma_start3A_1412 = arith.constant 0 : i32
    %dma_start3A_1413 = tpu.memref_slice %arg3[%add3A_1392, %dma_start3A_1411, %dma_start3A_1412] : memref<1024x1024x128xf32, #tpu.memory_space<hbm>> -> memref<1x384x128xf32, #tpu.memory_space<hbm>>
    %dma_start3A_1414 = tpu.memref_squeeze %dma_start3A_1413 : memref<1x384x128xf32, #tpu.memory_space<hbm>> -> memref<384x128xf32, #tpu.memory_space<hbm>>
    %dma_start3A_1415 = arith.constant 0 : i32
    %dma_start3A_1416 = tpu.memref_slice %arg4[%add3A_1410, %dma_start3A_1415] : memref<2047x128xf32, #tpu.memory_space<vmem_shared>> -> memref<384x128xf32, #tpu.memory_space<vmem_shared>>
    tpu.enqueue_dma source(%dma_start3A_1416 : memref<384x128xf32, #tpu.memory_space<vmem_shared>>) target(%dma_start3A_1414 : memref<384x128xf32, #tpu.memory_space<hbm>>) target_semaphore(%arg6 : memref<!tpu.dma_semaphore, #tpu.memory_space<semaphore_mem>>)
    %dma_wait3A_1417 = arith.constant 32 : i32
    %dma_wait3A_1418 = arith.constant 0 : i32
    %dma_wait3A_1419 = tpu.memref_slice %arg5[%dma_wait3A_1417, %dma_wait3A_1418] : memref<888x128xf32, #tpu.memory_space<vmem>> -> memref<640x128xf32, #tpu.memory_space<vmem>>
    %dma_wait3A_1420 = arith.constant 0 : i32
    %dma_wait3A_1421 = arith.constant 0 : i32
    %dma_wait3A_1422 = tpu.memref_slice %arg3[%add3A_1208, %dma_wait3A_1420, %dma_wait3A_1421] : memref<1024x1024x128xf32, #tpu.memory_space<hbm>> -> memref<1x640x128xf32, #tpu.memory_space<hbm>>
    %dma_wait3A_1423 = tpu.memref_squeeze %dma_wait3A_1422 : memref<1x640x128xf32, #tpu.memory_space<hbm>> -> memref<640x128xf32, #tpu.memory_space<hbm>>
    %dma_wait3A_1424 = arith.constant 0 : i32
    %dma_wait3A_1425 = arith.constant 0 : i32
    %dma_wait3A_1426 = tpu.memref_slice %arg3[%add3A_1208, %dma_wait3A_1424, %dma_wait3A_1425] : memref<1024x1024x128xf32, #tpu.memory_space<hbm>> -> memref<1x640x128xf32, #tpu.memory_space<hbm>>
    %dma_wait3A_1427 = tpu.memref_squeeze %dma_wait3A_1426 : memref<1x640x128xf32, #tpu.memory_space<hbm>> -> memref<640x128xf32, #tpu.memory_space<hbm>>
    %dma_wait3A_1428 = arith.constant 32 : i32
    %dma_wait3A_1429 = arith.constant 0 : i32
    %dma_wait3A_1430 = tpu.memref_slice %arg5[%dma_wait3A_1428, %dma_wait3A_1429] : memref<888x128xf32, #tpu.memory_space<vmem>> -> memref<640x128xf32, #tpu.memory_space<vmem>>
    tpu.wait_dma2 semaphore(%arg6 : memref<!tpu.dma_semaphore, #tpu.memory_space<semaphore_mem>>) src(%dma_wait3A_1430 : memref<640x128xf32, #tpu.memory_space<vmem>>) dst(%dma_wait3A_1427 : memref<640x128xf32, #tpu.memory_space<hbm>>)
    %dma_wait3A_1431 = arith.constant 640 : i32
    %dma_wait3A_1432 = arith.constant 0 : i32
    %dma_wait3A_1433 = tpu.memref_slice %arg3[%add3A_1208, %dma_wait3A_1431, %dma_wait3A_1432] : memref<1024x1024x128xf32, #tpu.memory_space<hbm>> -> memref<1x384x128xf32, #tpu.memory_space<hbm>>
    %dma_wait3A_1434 = tpu.memref_squeeze %dma_wait3A_1433 : memref<1x384x128xf32, #tpu.memory_space<hbm>> -> memref<384x128xf32, #tpu.memory_space<hbm>>
    %dma_wait3A_1435 = arith.constant 0 : i32
    %dma_wait3A_1436 = tpu.memref_slice %arg4[%add3A_1226, %dma_wait3A_1435] : memref<2047x128xf32, #tpu.memory_space<vmem_shared>> -> memref<384x128xf32, #tpu.memory_space<vmem_shared>>
    tpu.wait_dma2 semaphore(%arg6 : memref<!tpu.dma_semaphore, #tpu.memory_space<semaphore_mem>>) src(%dma_wait3A_1436 : memref<384x128xf32, #tpu.memory_space<vmem_shared>>) dst(%dma_wait3A_1434 : memref<384x128xf32, #tpu.memory_space<hbm>>)
    %dma_wait3A_1437 = arith.constant 24 : i32
    %dma_wait3A_1438 = arith.constant 0 : i32
    %dma_wait3A_1439 = tpu.memref_slice %arg5[%dma_wait3A_1437, %dma_wait3A_1438] : memref<888x128xf32, #tpu.memory_space<vmem>> -> memref<640x128xf32, #tpu.memory_space<vmem>>
    %dma_wait3A_1440 = arith.constant 0 : i32
    %dma_wait3A_1441 = arith.constant 0 : i32
    %dma_wait3A_1442 = tpu.memref_slice %arg3[%add3A_1254, %dma_wait3A_1440, %dma_wait3A_1441] : memref<1024x1024x128xf32, #tpu.memory_space<hbm>> -> memref<1x640x128xf32, #tpu.memory_space<hbm>>
    %dma_wait3A_1443 = tpu.memref_squeeze %dma_wait3A_1442 : memref<1x640x128xf32, #tpu.memory_space<hbm>> -> memref<640x128xf32, #tpu.memory_space<hbm>>
    %dma_wait3A_1444 = arith.constant 0 : i32
    %dma_wait3A_1445 = arith.constant 0 : i32
    %dma_wait3A_1446 = tpu.memref_slice %arg3[%add3A_1254, %dma_wait3A_1444, %dma_wait3A_1445] : memref<1024x1024x128xf32, #tpu.memory_space<hbm>> -> memref<1x640x128xf32, #tpu.memory_space<hbm>>
    %dma_wait3A_1447 = tpu.memref_squeeze %dma_wait3A_1446 : memref<1x640x128xf32, #tpu.memory_space<hbm>> -> memref<640x128xf32, #tpu.memory_space<hbm>>
    %dma_wait3A_1448 = arith.constant 24 : i32
    %dma_wait3A_1449 = arith.constant 0 : i32
    %dma_wait3A_1450 = tpu.memref_slice %arg5[%dma_wait3A_1448, %dma_wait3A_1449] : memref<888x128xf32, #tpu.memory_space<vmem>> -> memref<640x128xf32, #tpu.memory_space<vmem>>
    tpu.wait_dma2 semaphore(%arg6 : memref<!tpu.dma_semaphore, #tpu.memory_space<semaphore_mem>>) src(%dma_wait3A_1450 : memref<640x128xf32, #tpu.memory_space<vmem>>) dst(%dma_wait3A_1447 : memref<640x128xf32, #tpu.memory_space<hbm>>)
    %dma_wait3A_1451 = arith.constant 640 : i32
    %dma_wait3A_1452 = arith.constant 0 : i32
    %dma_wait3A_1453 = tpu.memref_slice %arg3[%add3A_1254, %dma_wait3A_1451, %dma_wait3A_1452] : memref<1024x1024x128xf32, #tpu.memory_space<hbm>> -> memref<1x384x128xf32, #tpu.memory_space<hbm>>
    %dma_wait3A_1454 = tpu.memref_squeeze %dma_wait3A_1453 : memref<1x384x128xf32, #tpu.memory_space<hbm>> -> memref<384x128xf32, #tpu.memory_space<hbm>>
    %dma_wait3A_1455 = arith.constant 0 : i32
    %dma_wait3A_1456 = tpu.memref_slice %arg4[%add3A_1272, %dma_wait3A_1455] : memref<2047x128xf32, #tpu.memory_space<vmem_shared>> -> memref<384x128xf32, #tpu.memory_space<vmem_shared>>
    tpu.wait_dma2 semaphore(%arg6 : memref<!tpu.dma_semaphore, #tpu.memory_space<semaphore_mem>>) src(%dma_wait3A_1456 : memref<384x128xf32, #tpu.memory_space<vmem_shared>>) dst(%dma_wait3A_1454 : memref<384x128xf32, #tpu.memory_space<hbm>>)
    %dma_wait3A_1457 = arith.constant 16 : i32
    %dma_wait3A_1458 = arith.constant 0 : i32
    %dma_wait3A_1459 = tpu.memref_slice %arg5[%dma_wait3A_1457, %dma_wait3A_1458] : memref<888x128xf32, #tpu.memory_space<vmem>> -> memref<640x128xf32, #tpu.memory_space<vmem>>
    %dma_wait3A_1460 = arith.constant 0 : i32
    %dma_wait3A_1461 = arith.constant 0 : i32
    %dma_wait3A_1462 = tpu.memref_slice %arg3[%add3A_1300, %dma_wait3A_1460, %dma_wait3A_1461] : memref<1024x1024x128xf32, #tpu.memory_space<hbm>> -> memref<1x640x128xf32, #tpu.memory_space<hbm>>
    %dma_wait3A_1463 = tpu.memref_squeeze %dma_wait3A_1462 : memref<1x640x128xf32, #tpu.memory_space<hbm>> -> memref<640x128xf32, #tpu.memory_space<hbm>>
    %dma_wait3A_1464 = arith.constant 0 : i32
    %dma_wait3A_1465 = arith.constant 0 : i32
    %dma_wait3A_1466 = tpu.memref_slice %arg3[%add3A_1300, %dma_wait3A_1464, %dma_wait3A_1465] : memref<1024x1024x128xf32, #tpu.memory_space<hbm>> -> memref<1x640x128xf32, #tpu.memory_space<hbm>>
    %dma_wait3A_1467 = tpu.memref_squeeze %dma_wait3A_1466 : memref<1x640x128xf32, #tpu.memory_space<hbm>> -> memref<640x128xf32, #tpu.memory_space<hbm>>
    %dma_wait3A_1468 = arith.constant 16 : i32
    %dma_wait3A_1469 = arith.constant 0 : i32
    %dma_wait3A_1470 = tpu.memref_slice %arg5[%dma_wait3A_1468, %dma_wait3A_1469] : memref<888x128xf32, #tpu.memory_space<vmem>> -> memref<640x128xf32, #tpu.memory_space<vmem>>
    tpu.wait_dma2 semaphore(%arg6 : memref<!tpu.dma_semaphore, #tpu.memory_space<semaphore_mem>>) src(%dma_wait3A_1470 : memref<640x128xf32, #tpu.memory_space<vmem>>) dst(%dma_wait3A_1467 : memref<640x128xf32, #tpu.memory_space<hbm>>)
    %dma_wait3A_1471 = arith.constant 640 : i32
    %dma_wait3A_1472 = arith.constant 0 : i32
    %dma_wait3A_1473 = tpu.memref_slice %arg3[%add3A_1300, %dma_wait3A_1471, %dma_wait3A_1472] : memref<1024x1024x128xf32, #tpu.memory_space<hbm>> -> memref<1x384x128xf32, #tpu.memory_space<hbm>>
    %dma_wait3A_1474 = tpu.memref_squeeze %dma_wait3A_1473 : memref<1x384x128xf32, #tpu.memory_space<hbm>> -> memref<384x128xf32, #tpu.memory_space<hbm>>
    %dma_wait3A_1475 = arith.constant 0 : i32
    %dma_wait3A_1476 = tpu.memref_slice %arg4[%add3A_1318, %dma_wait3A_1475] : memref<2047x128xf32, #tpu.memory_space<vmem_shared>> -> memref<384x128xf32, #tpu.memory_space<vmem_shared>>
    tpu.wait_dma2 semaphore(%arg6 : memref<!tpu.dma_semaphore, #tpu.memory_space<semaphore_mem>>) src(%dma_wait3A_1476 : memref<384x128xf32, #tpu.memory_space<vmem_shared>>) dst(%dma_wait3A_1474 : memref<384x128xf32, #tpu.memory_space<hbm>>)
    %dma_wait3A_1477 = arith.constant 8 : i32
    %dma_wait3A_1478 = arith.constant 0 : i32
    %dma_wait3A_1479 = tpu.memref_slice %arg5[%dma_wait3A_1477, %dma_wait3A_1478] : memref<888x128xf32, #tpu.memory_space<vmem>> -> memref<640x128xf32, #tpu.memory_space<vmem>>
    %dma_wait3A_1480 = arith.constant 0 : i32
    %dma_wait3A_1481 = arith.constant 0 : i32
    %dma_wait3A_1482 = tpu.memref_slice %arg3[%add3A_1346, %dma_wait3A_1480, %dma_wait3A_1481] : memref<1024x1024x128xf32, #tpu.memory_space<hbm>> -> memref<1x640x128xf32, #tpu.memory_space<hbm>>
    %dma_wait3A_1483 = tpu.memref_squeeze %dma_wait3A_1482 : memref<1x640x128xf32, #tpu.memory_space<hbm>> -> memref<640x128xf32, #tpu.memory_space<hbm>>
    %dma_wait3A_1484 = arith.constant 0 : i32
    %dma_wait3A_1485 = arith.constant 0 : i32
    %dma_wait3A_1486 = tpu.memref_slice %arg3[%add3A_1346, %dma_wait3A_1484, %dma_wait3A_1485] : memref<1024x1024x128xf32, #tpu.memory_space<hbm>> -> memref<1x640x128xf32, #tpu.memory_space<hbm>>
    %dma_wait3A_1487 = tpu.memref_squeeze %dma_wait3A_1486 : memref<1x640x128xf32, #tpu.memory_space<hbm>> -> memref<640x128xf32, #tpu.memory_space<hbm>>
    %dma_wait3A_1488 = arith.constant 8 : i32
    %dma_wait3A_1489 = arith.constant 0 : i32
    %dma_wait3A_1490 = tpu.memref_slice %arg5[%dma_wait3A_1488, %dma_wait3A_1489] : memref<888x128xf32, #tpu.memory_space<vmem>> -> memref<640x128xf32, #tpu.memory_space<vmem>>
    tpu.wait_dma2 semaphore(%arg6 : memref<!tpu.dma_semaphore, #tpu.memory_space<semaphore_mem>>) src(%dma_wait3A_1490 : memref<640x128xf32, #tpu.memory_space<vmem>>) dst(%dma_wait3A_1487 : memref<640x128xf32, #tpu.memory_space<hbm>>)
    %dma_wait3A_1491 = arith.constant 640 : i32
    %dma_wait3A_1492 = arith.constant 0 : i32
    %dma_wait3A_1493 = tpu.memref_slice %arg3[%add3A_1346, %dma_wait3A_1491, %dma_wait3A_1492] : memref<1024x1024x128xf32, #tpu.memory_space<hbm>> -> memref<1x384x128xf32, #tpu.memory_space<hbm>>
    %dma_wait3A_1494 = tpu.memref_squeeze %dma_wait3A_1493 : memref<1x384x128xf32, #tpu.memory_space<hbm>> -> memref<384x128xf32, #tpu.memory_space<hbm>>
    %dma_wait3A_1495 = arith.constant 0 : i32
    %dma_wait3A_1496 = tpu.memref_slice %arg4[%add3A_1364, %dma_wait3A_1495] : memref<2047x128xf32, #tpu.memory_space<vmem_shared>> -> memref<384x128xf32, #tpu.memory_space<vmem_shared>>
    tpu.wait_dma2 semaphore(%arg6 : memref<!tpu.dma_semaphore, #tpu.memory_space<semaphore_mem>>) src(%dma_wait3A_1496 : memref<384x128xf32, #tpu.memory_space<vmem_shared>>) dst(%dma_wait3A_1494 : memref<384x128xf32, #tpu.memory_space<hbm>>)
    %dma_wait3A_1497 = arith.constant 0 : i32
    %dma_wait3A_1498 = arith.constant 0 : i32
    %dma_wait3A_1499 = tpu.memref_slice %arg5[%dma_wait3A_1497, %dma_wait3A_1498] : memref<888x128xf32, #tpu.memory_space<vmem>> -> memref<640x128xf32, #tpu.memory_space<vmem>>
    %dma_wait3A_1500 = arith.constant 0 : i32
    %dma_wait3A_1501 = arith.constant 0 : i32
    %dma_wait3A_1502 = tpu.memref_slice %arg3[%add3A_1392, %dma_wait3A_1500, %dma_wait3A_1501] : memref<1024x1024x128xf32, #tpu.memory_space<hbm>> -> memref<1x640x128xf32, #tpu.memory_space<hbm>>
    %dma_wait3A_1503 = tpu.memref_squeeze %dma_wait3A_1502 : memref<1x640x128xf32, #tpu.memory_space<hbm>> -> memref<640x128xf32, #tpu.memory_space<hbm>>
    %dma_wait3A_1504 = arith.constant 0 : i32
    %dma_wait3A_1505 = arith.constant 0 : i32
    %dma_wait3A_1506 = tpu.memref_slice %arg3[%add3A_1392, %dma_wait3A_1504, %dma_wait3A_1505] : memref<1024x1024x128xf32, #tpu.memory_space<hbm>> -> memref<1x640x128xf32, #tpu.memory_space<hbm>>
    %dma_wait3A_1507 = tpu.memref_squeeze %dma_wait3A_1506 : memref<1x640x128xf32, #tpu.memory_space<hbm>> -> memref<640x128xf32, #tpu.memory_space<hbm>>
    %dma_wait3A_1508 = arith.constant 0 : i32
    %dma_wait3A_1509 = arith.constant 0 : i32
    %dma_wait3A_1510 = tpu.memref_slice %arg5[%dma_wait3A_1508, %dma_wait3A_1509] : memref<888x128xf32, #tpu.memory_space<vmem>> -> memref<640x128xf32, #tpu.memory_space<vmem>>
    tpu.wait_dma2 semaphore(%arg6 : memref<!tpu.dma_semaphore, #tpu.memory_space<semaphore_mem>>) src(%dma_wait3A_1510 : memref<640x128xf32, #tpu.memory_space<vmem>>) dst(%dma_wait3A_1507 : memref<640x128xf32, #tpu.memory_space<hbm>>)
    %dma_wait3A_1511 = arith.constant 640 : i32
    %dma_wait3A_1512 = arith.constant 0 : i32
    %dma_wait3A_1513 = tpu.memref_slice %arg3[%add3A_1392, %dma_wait3A_1511, %dma_wait3A_1512] : memref<1024x1024x128xf32, #tpu.memory_space<hbm>> -> memref<1x384x128xf32, #tpu.memory_space<hbm>>
    %dma_wait3A_1514 = tpu.memref_squeeze %dma_wait3A_1513 : memref<1x384x128xf32, #tpu.memory_space<hbm>> -> memref<384x128xf32, #tpu.memory_space<hbm>>
    %dma_wait3A_1515 = arith.constant 0 : i32
    %dma_wait3A_1516 = tpu.memref_slice %arg4[%add3A_1410, %dma_wait3A_1515] : memref<2047x128xf32, #tpu.memory_space<vmem_shared>> -> memref<384x128xf32, #tpu.memory_space<vmem_shared>>
    tpu.wait_dma2 semaphore(%arg6 : memref<!tpu.dma_semaphore, #tpu.memory_space<semaphore_mem>>) src(%dma_wait3A_1516 : memref<384x128xf32, #tpu.memory_space<vmem_shared>>) dst(%dma_wait3A_1514 : memref<384x128xf32, #tpu.memory_space<hbm>>)
    return
  }
}

</mosaic_0001>

<sc_bundles>
// kernel: kernel.3.cloned.1.call-start
scs
__scs_entry_jumppad:
0x0: {  	(pc) =	sbr.rel $0x88, $3  }
0x1: {  	(tag) =	ssettag $0x0;
	lr =	simm.s32 $0x1  }
0x2: {  	[smem:$0x3FA0] =	sst lr;
	_ =	strace $0xD0000000  }
0x3: {  	_ = 	snop  }
0x4: {  	_ = 	snop  }
0x5: {  	_ = 	snop  }
0x6: {  	_ = 	snop  }
0x7: {  	_ = 	snop  }
__scs_overlays_trampoline_lowered:
0x8: {  	[smem:$0x3FAF] =	sst s0  }
0x9: {  	[smem:$0x3FB0] =	sst s1  }
0xa: {  	[smem:$0x3FB1] =	sst s2  }
0xb: {  	[smem:$0x3FB2] =	sst s3  }
0xc: {  	[smem:$0x3FB3] =	sst s4  }
0xd: {  	[smem:$0x3FB4] =	sst s5  }
0xe: {  	[smem:$0x3FB5] =	sst s6  }
0xf: {  	[smem:$0x3FB6] =	sst s7  }
0x10: {  	[smem:$0x3FB7] =	sst s8  }
0x11: {  	[smem:$0x3FB8] =	sst s9;
	s0 =	simm.s32 @!p0 $0x0  }
0x12: {  	s1 =	sld [smem:$0x3F9E];
	s0 =	simm.s32 @p0 $0x1  }
0x13: {  	[smem:$0x3FB9] =	sst s0;
	s0 =	simm.s32 @!p1 $0x0  }
0x14: {  	s2 =	sld [smem:$0x3F9D];
	s0 =	simm.s32 @p1 $0x1  }
0x15: {  	[smem:$0x3FBA] =	sst s0;
	s0 =	simm.s32 @!p2 $0x0  }
0x16: {  	s3 =	sld [smem:$0x3FDB];
	s0 =	simm.s32 @p2 $0x1  }
0x17: {  	s4 =	simm.s32 $0x1BF5;
	[smem:$0x3FBC] =	sst s0  }
0x18: {  	s0 =	sld [smem:$0x3F9F];
	_ =	swait.ge [sflag:s4], $0x0  }
0x19: {  	s7 =	sld [smem:$0x3FA0]  }
0x1a: {  	s8 =	sadd.s32 $0xFFFFE003, lr  }
0x1b: {  	s9 =	sadd.s32 $0xFFFFFEF7, lr;
	s5 =	simm.s32 $0xFFFFFFFF;
	p2 =	slt.u32 s8, $0xFFFFF086  }
0x1c: {  	p1 =	slt.u32 s9, $0xF7A;
	s5 =	simm.s32 @!p2 $0x0  }
0x1d: {  	s5 =	simm.s32 @p1 $0x1;
	p0 =	seq.s32 s7, s2  }
0x1e: {  	s7 =	smul.u32 @!p0 $0xF7A, s2;
	p2 =	seq.s32 @!p0 s5, $0x0  }
0x1f: {  	s9 =	smul.u32 $0xF7A, s1;
	s8 =	simm.s32 @!p0 $0x1BF5;
	p2 =	por !p2, p0  }
0x20: {  	[sflag:s8] =	ssyncset.s32 @!p0 $0xFFFFF086;
	s6 =	sadd.s32 @!p0 s3, s7;
	s7 =	simm.s32 @!p0 $0x108  }
0x21: {  	s3 =	sadd.s32 s3, s9;
	s6 =	sadd.s32 @!p0 $0x88, s6;
	s7 =	simm.s32 @p2 $0x1082  }
0x22: {  	[simem:s7], [sflag:s8] =	dma.local @!p0 [hbm:s6], $0xF7A  }
0x23: {  	s9 =	sor.u32 $0xD0000000, s2;
	s6 =	simm.s32 $0x108;
	_ =	swait.ge @!p0 [sflag:s8], $0x0  }
0x24: {  	s3 =	sadd.s32 $0x88, s3;
	s6 =	simm.s32 @!p1 $0x1082;
	[sflag:s4] =	ssyncset.s32 $0xFFFFF086  }
0x25: {  	[simem:s6], [sflag:s4] =	dma.local [hbm:s3], $0xF7A  }
0x26: {  	[smem:$0x3FA0] =	sst s1;
	(tag) =	ssettag s2;
	_ =	strace s9  }
0x27: {  	s1 =	sld [smem:$0x3FB0]  }
0x28: {  	s2 =	sld [smem:$0x3FB1]  }
0x29: {  	s4 =	sld [smem:$0x3FB3]  }
0x2a: {  	p0 =	seq.s32 s5, $0x0;
	s5 =	sld [smem:$0x3FB4]  }
0x2b: {  	s6 =	sld [smem:$0x3FB5]  }
0x2c: {  	s7 =	sld [smem:$0x3FB6]  }
0x2d: {  	s3 =	simm.s32 $0x108;
	s8 =	sld [smem:$0x3FB7]  }
0x2e: {  	s3 =	simm.s32 @!p0 $0x1082;
	s9 =	sld [smem:$0x3FB8]  }
0x2f: {  	lr =	sadd.s32 s0, s3;
	s0 =	sld [smem:$0x3FAF]  }
0x30: {  	s3 =	sld [smem:$0x3FB2]  }
0x31: {  	[smem:$0x3FBB] =	sst s10  }
0x32: {  	s10 =	sld [smem:$0x3FB9];
	_ =	sdelay $0x3  }
0x33: {  	p0 =	seq.s32 s10, $0x1;
	s10 =	sld [smem:$0x3FBB];
	_ =	sdelay $0x3  }
0x34: {  	[smem:$0x3FBB] =	sst s10  }
0x35: {  	s10 =	sld [smem:$0x3FBA];
	_ =	sdelay $0x3  }
0x36: {  	p1 =	seq.s32 s10, $0x1;
	s10 =	sld [smem:$0x3FBB];
	_ =	sdelay $0x3  }
0x37: {  	[smem:$0x3FBB] =	sst s10  }
0x38: {  	s10 =	sld [smem:$0x3FBC]  }
0x39: {  	_ = 	snop;
	(pc) =	sbr.ind lr, $3  }
0x3a: {  	_ = 	snop  }
0x3b: {  	_ = 	snop  }
0x3c: {  	p2 =	seq.s32 s10, $0x1;
	s10 =	sld [smem:$0x3FBB]  }
0x3d: {  	_ =	shalt  }
0x3e: {  	_ =	shalt  }
0x3f: {  	_ =	shalt  }
0x40: {  	_ =	shalt  }
0x41: {  	_ =	shalt  }
0x42: {  	_ =	shalt  }
0x43: {  	_ =	shalt  }
0x44: {  	_ =	shalt  }
0x45: {  	_ =	shalt  }
0x46: {  	_ =	shalt  }
0x47: {  	_ =	shalt  }
0x48: {  	_ =	shalt  }
0x49: {  	_ =	shalt  }
0x4a: {  	_ =	shalt  }
0x4b: {  	_ =	shalt  }
0x4c: {  	_ =	shalt  }
0x4d: {  	_ =	shalt  }
0x4e: {  	_ =	shalt  }
0x4f: {  	_ =	shalt  }
0x50: {  	_ =	shalt  }
0x51: {  	_ =	shalt  }
0x52: {  	_ =	shalt  }
0x53: {  	_ =	shalt  }
0x54: {  	_ =	shalt  }
0x55: {  	_ =	shalt  }
0x56: {  	_ =	shalt  }
0x57: {  	_ =	shalt  }
0x58: {  	_ =	shalt  }
0x59: {  	_ =	shalt  }
0x5a: {  	_ =	shalt  }
0x5b: {  	_ =	shalt  }
0x5c: {  	_ =	shalt  }
0x5d: {  	_ =	shalt  }
0x5e: {  	_ =	shalt  }
0x5f: {  	_ =	shalt  }
0x60: {  	_ =	shalt  }
0x61: {  	_ =	shalt  }
0x62: {  	_ =	shalt  }
0x63: {  	_ =	shalt  }
0x64: {  	_ =	shalt  }
0x65: {  	_ =	shalt  }
0x66: {  	_ =	shalt  }
0x67: {  	_ =	shalt  }
0x68: {  	_ =	shalt  }
0x69: {  	_ =	shalt  }
0x6a: {  	_ =	shalt  }
0x6b: {  	_ =	shalt  }
0x6c: {  	_ =	shalt  }
0x6d: {  	_ =	shalt  }
0x6e: {  	_ =	shalt  }
0x6f: {  	_ =	shalt  }
0x70: {  	_ =	shalt  }
0x71: {  	_ =	shalt  }
0x72: {  	_ =	shalt  }
0x73: {  	_ =	shalt  }
0x74: {  	_ =	shalt  }
0x75: {  	_ =	shalt  }
0x76: {  	_ =	shalt  }
0x77: {  	_ =	shalt  }
0x78: {  	_ =	shalt  }
0x79: {  	_ =	shalt  }
0x7a: {  	_ =	shalt  }
0x7b: {  	_ =	shalt  }
0x7c: {  	_ =	shalt  }
0x7d: {  	_ =	shalt  }
0x7e: {  	_ =	shalt  }
0x7f: {  	_ =	shalt  }
0x80: {  	_ =	shalt  }
0x81: {  	_ =	shalt  }
0x82: {  	_ =	shalt  }
0x83: {  	_ =	shalt  }
0x84: {  	_ =	shalt  }
0x85: {  	_ =	shalt  }
0x86: {  	_ =	shalt  }
0x87: {  	_ =	shalt  }
.Lfunc_end0:
.L_simem_size_0:
called_computation_lowered:
.L_overlay_start_0:
0x88: {  	s2 =	sld [smem:$0x3FD9]  }
0x89: {  	s3 =	sld [smem:$0x3FFE];
	_ =	sdelay $0x1  }
0x8a: {  	s1 =	srdreg.scid  }
0x8b: {  	s0 =	sand.u32 $0x1, s1  }
0x8c: {  	s18 =	sshll.u32 s0, $0xA;
	s2 =	sadd.s32 s3, s2  }
0x8d: {  	s2 =	sadd.s32 s2, s18  }
0x8e: {  	[smem:$0x3FC7] =	sst s2  }
0x8f: {  	_ = 	snop  }
0x90: {  	s2 =	sld [smem:$0x3FC9]  }
0x91: {  	s19 =	sld [smem:$0x3FD0];
	(tm) =	ssettm $0x1  }
0x92: {  	s4 =	sld [smem:$0x3FFB];
	_ =	sdelay $0x3  }
0x93: {  	_ =	strace s4  }
0x94: {  	s4 =	sld [smem:$0x3FFC];
	_ =	sdelay $0x3  }
0x95: {  	_ =	strace s4  }
0x96: {  	s4 =	sld [smem:$0x3FFD];
	_ =	sdelay $0x3  }
0x97: {  	_ =	strace s4  }
0x98: {  	_ =	strace $0x8FFFFFFF  }
0x99: {  	s20 =	sld [smem:$0x3FDB];
	_ =	sdelay $0x1  }
0x9a: {  	s5 =	simm.s32 $_scs_section_size  }
0x9b: {  	s6 =	simm.s32 $_size__tile_overlayer_lowered;
	s7 =	simm.s32 $_tile_overlayer_lowered  }
0x9c: {  	s23 =	simm.s32 $0x1BFF;
	s22 =	sshll.u32 s7, $0x1;
	s4 =	sadd.s32 s5, s20  }
0x9d: {  	s8 =	simm.s32 $0x0;
	s21 =	sshll.u32 s6, $0x1;
	s6 =	sadd.s32 s22, s4  }
0x9e: {  	[timem:s8], [sflag:s23] =	dma.local [hbm:s6], s21  }
0x9f: {  	_ =	swait.ge [sflag:s23], s21  }
0xa0: {  	s5 =	ssub.s32 $0x0, s21;
	[sflag:s23] =	ssyncset.done $0x0  }
0xa1: {  	[sflag:s23] =	ssyncadd.s32 s5;
	_ =	sdelay $0x1  }
0xa2: {  	s24 =	simm.s32 $0x1B8B  }
0xa3: {  	_ =	swait.ge [sflag:s24], $0x1  }
0xa4: {  	[sflag:s24] =	ssyncset.done $0x0  }
0xa5: {  	s25 =	simm.s32 $0x1B8E;
	[sflag:s24] =	ssyncadd.s32 $0xFFFFFFFF  }
0xa6: {  	s26 =	simm.s32 $execute0_lowered;
	[smem:$0x3FD2] =	sst s25  }
0xa7: {  	s5 =	sshll.u32 s26, $0x1;
	_ =	strace $0x80000046;
	[dreg:$0x1] =	wrdreg $0xFFFFFFFF  }
0xa8: {  	s28 =	simm.s32 $_size_execute0_lowered;
	s4 =	sadd.s32 s4, s5;
	[dreg:$0x0] =	wrdreg $0x0  }
0xa9: {  	s5 =	sshll.u32 s28, $0x1;
	[dreg:$0x2] =	wrdreg s4  }
0xaa: {  	[dreg:$0x3] =	wrdreg s5  }
0xab: {  	[dreg:$0x4] =	wrdreg $0xC0  }
0xac: {  	_ =	task [dreg:s8], $0x5FFFF  }
0xad: {  	[dreg:$0x1] =	wrdreg $0xFFFFFFFF  }
0xae: {  	[dreg:$0x0] =	wrdreg $0x60  }
0xaf: {  	[dreg:$0x2] =	wrdreg s2  }
0xb0: {  	[dreg:$0x3] =	wrdreg s19  }
0xb1: {  	[dreg:$0x4] =	wrdreg $0x0  }
0xb2: {  	[dreg:$0x5] =	wrdreg $0x9  }
0xb3: {  	_ =	task.clear_ibuf [dreg:s8], $0x6FFFF;
	_ =	strace $0x90000046  }
0xb4: {  	s29 =	simm.s32 $0x9;
	_ =	strace $0x80000048  }
0xb5: {  	_ =	swait.ge [sflag:s29], $0x1  }
0xb6: {  	[sflag:s29] =	ssyncadd.s32 $0xFFFFFFFF  }
0xb7: {  	_ =	strace $0x90000048  }
0xb8: {  	_ =	sfence  }
0xb9: {  	s30 =	sld [smem:$0x0];
	_ =	sdelay $0x2  }
0xba: {  	s31 =	sshll.u32 s1, $0xD;
	s1 =	sshrl.u32 s1, $0x2  }
0xbb: {  	s3 =	sand.u32 $0x4000, s31;
	s1 =	sadd.s32 s1, s30  }
0xbc: {  	s0 =	sor.u32 s3, s0;
	s1 =	sshll.u32 s1, $0x11  }
0xbd: {  	s0 =	sor.u32 s1, s0  }
0xbe: {  	s0 =	sadd.s32 $0x8F2B, s0  }
0xbf: {  	[sflag:s0] =	ssyncadd.remote.s32 $0x1  }
0xc0: {  	_ =	sfence.sel $0xFFFF  }
0xc1: {  	[dreg:$0x0] =	wrdreg $0xFFFFFFFF;
	(pc) =	sbr.abs _section_cstart, $3  }
0xc2: {  	[dreg:$0x1] =	wrdreg $0xFFFFFFFF  }
0xc3: {  	_ =	task.clear_ibuf [dreg:s8], $0x2FFFF;
	_ =	strace $0x9FFFFFFF  }
0xc4: {  	(tm) =	ssettm $0x7FFFFFFF  }
0xc5: {  	_ =	shalt  }
tec
execute0_lowered:
.L_overlay_start_1:
0x0: {  	(tag) =	ssettag $0x1  }
0x1: {  	s9 =	rddreg [dreg:$0x0]  }
0x2: {  	s0 =	rddreg [dreg:$0x1]  }
0x3: {  	s1 =	rddreg [dreg:$0x2]  }
0x4: {  	s6 =	stileid.u32;
	s2 =	srdreg.scid  }
0x5: {  	s4 =	simm.s32 $0xFFFFFFFF;
	s3 =	simm.s32 $0x0;
	p0 =	slt.u32 s6, $0x6  }
0x6: {  	s2 =	sand.u32 $0x1, s2;
	[smem:$0x7FF] =	sst s3;
	s4 =	simm.s32 @!p0 $0xFFFFFFFA  }
0x7: {  	s5 =	sshll.u32 s2, $0x4;
	_ =	strace $0x80000047;
	s2 =	ssub.s32 $0x2, s2  }
0x8: {  	s4 =	sadd.s32 s6, s4;
	s5 =	sadd.s32 s6, s5;
	s6 =	sand.u32 $0x7, s6  }
0x9: {  	s8 =	sshrl.u32 s2, $0x1;
	p2 =	seq.s32 s5, $0x0;
	p3 =	sne.s32 s6, $0x0  }
0xa: {  	p1 =	slt.s32 s4, $0x0;
	s7 =	sadd.s32 $0x5, s4;
	p6 =	por !p2, !p3  }
0xb: {  	s4 =	smov.u32 @p1 s7;
	s7 =	simm.s32 $0x1;
	p1 =	por !p6, !p6  }
0xc: {  	s5 =	sshrl.u32 s5, $0x3;
	s4 =	smul.u32 $0x5980, s4;
	s7 =	simm.s32 @!p1 $0x0  }
0xd: {  	s2 =	ssub.s32 s2, s8;
	s5 =	ssub.s32 s5, s7;
	s7 =	simm.s32 $0x0  }
0xe: {  	[smem:$0x7C4] =	sst s2;
	s8 =	sadd.s32 $0x24000, s4;
	s7 =	simm.s32 @!p0 $0x1000  }
0xf: {  	s5 =	sshll.u32 s5, $0x8;
	s8 =	smov.u32 @p0 s4;
	s22 =	sadd.s32 s9, s7  }
0x10: {  	s5 =	sor.u32 s6, s5;
	s24 =	sadd.s32 s8, s1;
	[dreg:$0x4] =	wrdreg s22  }
0x11: {  	s23 =	sshll.u32 s5, $0x7;
	[dreg:$0x5] =	wrdreg s24;
	s5 =	sshll.u32 s5, $0xE  }
0x12: {  	s4 =	ssub.s32 s1, s23;
	s1 =	sadd.s32 $0x1BF80, s1;
	s26 =	sand.u32 $0x1FC1C000, s5  }
0x13: {  	[smem:$0x7C5] =	sst s1;
	s25 =	sadd.s32 $0x18380, s4;
	s7 =	sadd.s32 s0, s26  }
0x14: {  	s5 =	sadd.s32 $0x33F80, s4;
	s8 =	sadd.s32 $0x33B80, s4;
	s9 =	sadd.s32 $0x33780, s4  }
0x15: {  	s10 =	sadd.s32 $0x33380, s4;
	s11 =	sadd.s32 $0x32F80, s4;
	s12 =	sadd.s32 $0x32B80, s4  }
0x16: {  	s13 =	sadd.s32 $0x32780, s4;
	s14 =	sadd.s32 $0x32380, s4;
	s15 =	sadd.s32 $0x31F80, s4  }
0x17: {  	s16 =	sadd.s32 $0x31B80, s4;
	s17 =	sadd.s32 $0x31780, s4;
	s18 =	sadd.s32 $0x31380, s4  }
0x18: {  	s19 =	sadd.s32 $0x30F80, s4;
	s20 =	sadd.s32 $0x30B80, s4;
	s21 =	sadd.s32 $0x30780, s4  }
0x19: {  	s22 =	sadd.s32 $0x30380, s4;
	s23 =	sadd.s32 $0x2FF80, s4;
	s24 =	sadd.s32 $0x2FB80, s4  }
0x1a: {  	s26 =	sadd.s32 $0x2F380, s4;
	s28 =	sadd.s32 $0x2EF80, s4;
	s29 =	sadd.s32 $0x2EB80, s4  }
0x1b: {  	s30 =	sadd.s32 $0x2E780, s4;
	s31 =	sadd.s32 $0x2E380, s4;
	s2 =	sadd.s32 $0x2DF80, s4  }
0x1c: {  	s1 =	sadd.s32 $0x2DB80, s4;
	s6 =	sadd.s32 $0x2D380, s4;
	[dreg:$0x6] =	wrdreg s25  }
0x1d: {  	s0 =	sadd.s32 $0x2CF80, s4;
	s25 =	sadd.s32 $0x2F780, s4;
	[smem:$0x7C8] =	sst s2  }
0x1e: {  	s2 =	sadd.s32 $0x2D780, s4;
	[smem:$0x7C9] =	sst s0;
	s0 =	sadd.s32 $0x2CB80, s4  }
0x1f: {  	s5 =	sshrl.u32 s5, $0x3;
	s8 =	sshrl.u32 s8, $0x3;
	[smem:$0x7CE] =	sst s0  }
0x20: {  	s1 =	sshrl.u32 s1, $0x3;
	s6 =	sshrl.u32 s6, $0x3;
	[smem:$0x7C6] =	sst s5  }
0x21: {  	s0 =	sadd.s32 $0x2C780, s4;
	s4 =	sadd.s32 $0x2C380, s4;
	[smem:$0x7C7] =	sst s8  }
0x22: {  	s8 =	sshrl.u32 s9, $0x3;
	s9 =	sshrl.u32 s10, $0x3;
	s10 =	sshrl.u32 s11, $0x3  }
0x23: {  	s11 =	sshrl.u32 s12, $0x3;
	s12 =	sshrl.u32 s13, $0x3;
	s5 =	sshrl.u32 s16, $0x3  }
0x24: {  	s16 =	sshrl.u32 s17, $0x3;
	s17 =	sshrl.u32 s18, $0x3;
	s18 =	sshrl.u32 s19, $0x3  }
0x25: {  	s19 =	sshrl.u32 s20, $0x3;
	s20 =	sshrl.u32 s21, $0x3;
	[dreg:$0xb] =	wrdreg s1  }
0x26: {  	s21 =	sshrl.u32 s22, $0x3;
	s22 =	sshrl.u32 s23, $0x3;
	[dreg:$0xd] =	wrdreg s6  }
0x27: {  	s13 =	sshrl.u32 s24, $0x3;
	s23 =	sshrl.u32 s28, $0x3;
	[smem:$0x7D8] =	sst s0  }
0x28: {  	s24 =	sshrl.u32 s30, $0x3;
	s2 =	sshrl.u32 s2, $0x3;
	[smem:$0x7E2] =	sst s4  }
0x29: {  	s4 =	sld [smem:$0x7C4];
	s28 =	smov.u32 s9;
	s9 =	smov.u32 s16  }
0x2a: {  	s16 =	smov.u32 s23;
	s23 =	sld [smem:$0x7C8];
	s1 =	smov.u32 s12  }
0x2b: {  	s12 =	smov.u32 s22;
	[dreg:$0xc] =	wrdreg s2;
	s6 =	smov.u32 s18  }
0x2c: {  	s18 =	smov.u32 s24;
	s24 =	sld [smem:$0x7C9];
	s22 =	sadd.s32 $0x40000, s7  }
0x2d: {  	[dreg:$0x11] =	wrdreg s22;
	s22 =	sadd.s32 $0xA0000, s7  }
0x2e: {  	[dreg:$0x17] =	wrdreg s22;
	s22 =	sadd.s32 $0x102800, s7  }
0x2f: {  	s0 =	smax.u32 s4, $0x1;
	[dreg:$0x1d] =	wrdreg s22  }
0x30: {  	s4 =	stileid.u32;
	[dreg:$0x7] =	wrdreg s0  }
0x31: {  	s22 =	sadd.s32 $0x160000, s7;
	p0 =	sne.s32 s4, $0x0;
	s4 =	sld [smem:$0x7C5]  }
0x32: {  	[smem:$0x7CD] =	sst s22;
	s22 =	sadd.s32 $0x1A2800, s7  }
0x33: {  	[smem:$0x7D4] =	sst s22;
	s22 =	sadd.s32 $0x202800, s7  }
0x34: {  	s2 =	smov.u32 s17;
	[smem:$0x7DB] =	sst s22;
	s22 =	sadd.s32 $0x260000, s7  }
0x35: {  	s0 =	sshrl.u32 s4, $0x3;
	s4 =	sshrl.u32 s15, $0x3;
	s15 =	sshrl.u32 s26, $0x3  }
0x36: {  	s26 =	smov.u32 s8;
	s8 =	smov.u32 s19;
	s19 =	sshrl.u32 s29, $0x3  }
0x37: {  	s29 =	smov.u32 s10;
	s10 =	smov.u32 s20;
	[smem:$0x7E1] =	sst s22  }
0x38: {  	s20 =	sadd.s32 $0x20000, s7;
	s22 =	sadd.s32 $0x2A2800, s7;
	[dreg:$0x8] =	wrdreg s0  }
0x39: {  	s0 =	sshrl.u32 s14, $0x3;
	s14 =	sshrl.u32 s25, $0x3;
	[dreg:$0xf] =	wrdreg s20  }
0x3a: {  	s25 =	sshrl.u32 s31, $0x3;
	s31 =	smov.u32 s11;
	[smem:$0x7E8] =	sst s22  }
0x3b: {  	s11 =	smov.u32 s21;
	s21 =	sshrl.u32 s23, $0x3;
	[dreg:$0x9] =	wrdreg s25  }
0x3c: {  	s17 =	smov.u32 s19;
	s19 =	sshrl.u32 s24, $0x3;
	[dreg:$0xa] =	wrdreg s21  }
0x3d: {  	s23 =	sadd.s32 $0x42800, s7;
	[dreg:$0xe] =	wrdreg s19  }
0x3e: {  	s24 =	sadd.s32 $0x60000, s7;
	[dreg:$0x12] =	wrdreg s23  }
0x3f: {  	s20 =	sadd.s32 $0x80000, s7;
	[dreg:$0x13] =	wrdreg s24  }
0x40: {  	s22 =	sadd.s32 $0x300000, s7;
	[dreg:$0x15] =	wrdreg s20  }
0x41: {  	s21 =	sadd.s32 $0x22800, s7;
	[smem:$0x7EE] =	sst s22  }
0x42: {  	s23 =	sadd.s32 $0xA2800, s7;
	[dreg:$0x10] =	wrdreg s21  }
0x43: {  	s24 =	sadd.s32 $0xC0000, s7;
	[dreg:$0x18] =	wrdreg s23  }
0x44: {  	s20 =	sadd.s32 $0xE0000, s7;
	[dreg:$0x19] =	wrdreg s24  }
0x45: {  	s25 =	stileid.u32;
	s22 =	sadd.s32 $0x2800, s7;
	[dreg:$0x1b] =	wrdreg s20  }
0x46: {  	p1 =	sgt.u32 s25, $0xA;
	s25 =	sadd.s32 $0x62800, s7;
	[smem:$0x7F4] =	sst s22  }
0x47: {  	s21 =	sadd.s32 $0x82800, s7;
	[dreg:$0x14] =	wrdreg s25  }
0x48: {  	s23 =	sadd.s32 $0x100000, s7;
	[dreg:$0x16] =	wrdreg s21  }
0x49: {  	s24 =	sadd.s32 $0x120000, s7;
	[dreg:$0x1e] =	wrdreg s23  }
0x4a: {  	s20 =	sadd.s32 $0x140000, s7;
	[dreg:$0x1f] =	wrdreg s24  }
0x4b: {  	[smem:$0x7CB] =	sst s20  }
0x4c: {  	s22 =	sadd.s32 $0x3C0000, s7;
	s23 =	sld [smem:$0x7CE]  }
0x4d: {  	s25 =	sadd.s32 $0xC2800, s7;
	[smem:$0x7FA] =	sst s22  }
0x4e: {  	s21 =	sadd.s32 $0xE2800, s7;
	[dreg:$0x1a] =	wrdreg s25  }
0x4f: {  	s24 =	sadd.s32 $0x162800, s7;
	[dreg:$0x1c] =	wrdreg s21  }
0x50: {  	s20 =	sadd.s32 $0x180000, s7;
	[smem:$0x7D0] =	sst s24  }
0x51: {  	[smem:$0x7D2] =	sst s20  }
0x52: {  	s25 =	sadd.s32 $0x122800, s7;
	s20 =	sld [smem:$0x7D8]  }
0x53: {  	s21 =	sadd.s32 $0x142800, s7;
	[smem:$0x7CA] =	sst s25  }
0x54: {  	s24 =	sadd.s32 $0x1C2800, s7;
	[smem:$0x7CC] =	sst s21  }
0x55: {  	s25 =	sadd.s32 $0x182800, s7;
	[smem:$0x7D6] =	sst s24  }
0x56: {  	s21 =	sadd.s32 $0x1A0000, s7;
	[smem:$0x7D1] =	sst s25  }
0x57: {  	s24 =	sadd.s32 $0x220000, s7;
	[smem:$0x7D3] =	sst s21  }
0x58: {  	s19 =	sshrl.u32 s23, $0x3;
	[smem:$0x7DD] =	sst s24  }
0x59: {  	s23 =	sadd.s32 $0x1C0000, s7;
	[smem:$0x7CF] =	sst s19  }
0x5a: {  	s25 =	sadd.s32 $0x1E0000, s7;
	[smem:$0x7D5] =	sst s23  }
0x5b: {  	s21 =	sadd.s32 $0x1E2800, s7;
	[smem:$0x7D7] =	sst s25  }
0x5c: {  	s24 =	sadd.s32 $0x262800, s7;
	[smem:$0x7DA] =	sst s21  }
0x5d: {  	s19 =	sshrl.u32 s20, $0x3;
	[smem:$0x7E4] =	sst s24  }
0x5e: {  	s23 =	sadd.s32 $0x200000, s7;
	[smem:$0x7D9] =	sst s19  }
0x5f: {  	s25 =	sadd.s32 $0x222800, s7;
	[smem:$0x7DC] =	sst s23  }
0x60: {  	s20 =	sadd.s32 $0x240000, s7;
	[smem:$0x7DE] =	sst s25  }
0x61: {  	s21 =	sadd.s32 $0x242800, s7;
	[smem:$0x7DF] =	sst s20  }
0x62: {  	[smem:$0x7E0] =	sst s21  }
0x63: {  	s24 =	sadd.s32 $0x2C2800, s7;
	s23 =	sld [smem:$0x7E2]  }
0x64: {  	s25 =	sadd.s32 $0x282800, s7;
	[smem:$0x7EA] =	sst s24  }
0x65: {  	s20 =	sadd.s32 $0x280000, s7;
	[smem:$0x7E5] =	sst s25  }
0x66: {  	s21 =	sadd.s32 $0x2A0000, s7;
	[smem:$0x7E6] =	sst s20  }
0x67: {  	s24 =	sadd.s32 $0x322800, s7;
	[smem:$0x7E7] =	sst s21  }
0x68: {  	s25 =	sadd.s32 $0x2E0000, s7;
	[smem:$0x7F0] =	sst s24  }
0x69: {  	s20 =	sadd.s32 $0x2E2800, s7;
	[smem:$0x7EB] =	sst s25  }
0x6a: {  	s21 =	sadd.s32 $0x302800, s7;
	[smem:$0x7EC] =	sst s20  }
0x6b: {  	s24 =	sadd.s32 $0x382800, s7;
	[smem:$0x7ED] =	sst s21  }
0x6c: {  	s25 =	sadd.s32 $0x340000, s7;
	[smem:$0x7F6] =	sst s24  }
0x6d: {  	s20 =	sadd.s32 $0x342800, s7;
	[smem:$0x7F1] =	sst s25  }
0x6e: {  	s21 =	sadd.s32 $0x360000, s7;
	[smem:$0x7F2] =	sst s20  }
0x6f: {  	s24 =	sadd.s32 $0x3E0000, s7;
	[smem:$0x7F3] =	sst s21  }
0x70: {  	s19 =	sshrl.u32 s23, $0x3;
	[smem:$0x7FC] =	sst s24  }
0x71: {  	s23 =	sadd.s32 $0x2C0000, s7;
	[smem:$0x7E3] =	sst s19  }
0x72: {  	s25 =	sadd.s32 $0x380000, s7;
	[smem:$0x7E9] =	sst s23  }
0x73: {  	s20 =	sadd.s32 $0x3A0000, s7;
	[smem:$0x7F7] =	sst s25  }
0x74: {  	s21 =	sadd.s32 $0x3A2800, s7;
	[smem:$0x7F8] =	sst s20  }
.Ltmp0:
0x75: {  	s23 =	sadd.s32 $0x320000, s7;
	[smem:$0x7F9] =	sst s21;
	(pc) =	sbr.rel .LBB2_1-.Ltmp0, $4  }
0x76: {  	s25 =	sadd.s32 $0x3E2800, s7;
	[smem:$0x7EF] =	sst s23  }
0x77: {  	s30 =	simm.s32 $0x1;
	s23 =	sadd.s32 $0x362800, s7;
	[smem:$0x7FD] =	sst s25  }
0x78: {  	s19 =	simm.s32 $0x2;
	[smem:$0x7F5] =	sst s23;
	s23 =	sadd.s32 $0x3C2800, s7  }
0x79: {  	s21 =	simm.s32 $0x0;
	s25 =	simm.s32 $0x3FF8;
	[smem:$0x7FB] =	sst s23  }
.LBB2_2:
0x7a: {  	s22 =	rddreg [dreg:$0x0];
	s23 =	smov.u32 s18  }
0x7b: {  	s18 =	smov.u32 s17;
	s17 =	smov.u32 s16;
	s16 =	smov.u32 s15  }
0x7c: {  	s15 =	smov.u32 s14;
	s14 =	smov.u32 s13;
	s13 =	smov.u32 s12  }
0x7d: {  	s12 =	smov.u32 s11;
	s11 =	smov.u32 s10;
	s10 =	smov.u32 s8  }
0x7e: {  	s8 =	smov.u32 s6;
	s6 =	smov.u32 s2;
	s2 =	smov.u32 s9  }
0x7f: {  	s9 =	smov.u32 s5;
	s5 =	smov.u32 s4;
	s25 =	smov.u32 s31  }
0x80: {  	s31 =	smov.u32 s29;
	s24 =	rddreg [dreg:$0x8];
	s20 =	simm.s32 $0x1C02  }
0x81: {  	[spmem:s24], [sflag:s20] =	dma.local [hbm:s22], $0x1010  }
0x82: {  	s4 =	smov.u32 s0;
	s0 =	smov.u32 s1;
	s29 =	smov.u32 s31  }
0x83: {  	s31 =	smov.u32 s25;
	s1 =	smov.u32 s0;
	s0 =	smov.u32 s4  }
0x84: {  	s4 =	smov.u32 s5;
	s5 =	smov.u32 s9;
	s9 =	smov.u32 s2  }
0x85: {  	s2 =	smov.u32 s6;
	s6 =	smov.u32 s8;
	s8 =	smov.u32 s10  }
0x86: {  	s10 =	smov.u32 s11;
	s11 =	smov.u32 s12;
	s12 =	smov.u32 s13  }
0x87: {  	s13 =	smov.u32 s14;
	s14 =	smov.u32 s15;
	_ =	swait.ge [sflag:s19], $0x1010  }
0x88: {  	s15 =	smov.u32 s16;
	s16 =	smov.u32 s17;
	[sflag:s19] =	ssyncset.done $0x0  }
0x89: {  	s17 =	smov.u32 s18;
	s18 =	smov.u32 s23;
	[sflag:s19] =	ssyncadd.s32 $0xFFFFEFF0  }
.LBB2_7:
0x8a: {  	[bflag:$0x0] =	sbarrier.arrive $0xFFFF  }
0x8b: {  	s24 =	simm.s32 $0x3FF8;
	s22 =	rddreg [dreg:$0x6]  }
0x8c: {  	[tilespmem:s24], [sflag:$0x2] =	stream.linear.gather [spmem:s22], $0x1BC00, $0x38;
	[tilespmem:$0x1FBF8] =	vst v63  }
0x8d: {  	_ =	swait.ge [sflag:s19], $0x1BC00  }
0x8e: {  	s23 =	stileid.u32;
	s25 =	sld [smem:$0x7F4]  }
0x8f: {  	s22 =	sshll.u32 s23, $0x6;
	[sflag:s19] =	ssyncset.done $0x0;
	s23 =	sld [smem:$0x7C6]  }
0x90: {  	s20 =	simm.s32 $0xBBF8;
	s22 =	sadd.s32 $0x1C01, s22;
	[sflag:s19] =	ssyncadd.s32 $0xFFFE4400  }
0x91: {  	[hbm4b:s7+s3] =	stream.linear.scatter [tilespmem:s20], [sflag:$0x1], $0x14000, $0x38;
	[tilespmem:$0x1FBF8] =	vst v63  }
0x92: {  	[hbm:s25], [sflag:s22] =	dma.local [spmem:s23], $0x1800  }
0x93: {  	s25 =	simm.s32 $0xB7F8;
	s23 =	rddreg [dreg:$0xf]  }
0x94: {  	[hbm4b:s23+s3] =	stream.linear.scatter [tilespmem:s25], [sflag:$0x1], $0x14000, $0x38;
	[tilespmem:$0x1FBF8] =	vst v63  }
0x95: {  	s25 =	sld [smem:$0x7C7];
	_ =	sdelay $0x1  }
0x96: {  	s20 =	rddreg [dreg:$0x10]  }
0x97: {  	[hbm:s20], [sflag:s22] =	dma.local [spmem:s25], $0x1800  }
0x98: {  	s23 =	rddreg [dreg:$0x11]  }
0x99: {  	s25 =	simm.s32 $0xB3F8;
	s20 =	rddreg [dreg:$0x12]  }
0x9a: {  	[hbm4b:s23+s3] =	stream.linear.scatter [tilespmem:s25], [sflag:$0x1], $0x14000, $0x38;
	[tilespmem:$0x1FBF8] =	vst v63  }
0x9b: {  	[hbm:s20], [sflag:s22] =	dma.local [spmem:s26], $0x1800  }
0x9c: {  	s23 =	rddreg [dreg:$0x13]  }
0x9d: {  	s25 =	simm.s32 $0xAFF8;
	s20 =	rddreg [dreg:$0x14]  }
0x9e: {  	[hbm4b:s23+s3] =	stream.linear.scatter [tilespmem:s25], [sflag:$0x1], $0x14000, $0x38;
	[tilespmem:$0x1FBF8] =	vst v63  }
0x9f: {  	[hbm:s20], [sflag:s22] =	dma.local [spmem:s28], $0x1800  }
0xa0: {  	s25 =	simm.s32 $0xABF8;
	s23 =	rddreg [dreg:$0x15]  }
0xa1: {  	[hbm4b:s23+s3] =	stream.linear.scatter [tilespmem:s25], [sflag:$0x1], $0x14000, $0x38;
	[tilespmem:$0x1FBF8] =	vst v63  }
0xa2: {  	s25 =	rddreg [dreg:$0x16]  }
0xa3: {  	[hbm:s25], [sflag:s22] =	dma.local [spmem:s29], $0x1800  }
0xa4: {  	_ =	swait.ge [sflag:s30], $0x14000  }
0xa5: {  	[sflag:s30] =	ssyncset.done $0x0  }
0xa6: {  	[sflag:s30] =	ssyncadd.s32 $0xFFFEC000  }
0xa7: {  	_ =	swait.ge [sflag:s30], $0x1800  }
0xa8: {  	[sflag:s30] =	ssyncset.done $0x0  }
0xa9: {  	s25 =	simm.s32 $0xA7F8;
	s20 =	rddreg [dreg:$0x17];
	[sflag:s30] =	ssyncadd.s32 $0xFFFFE800  }
0xaa: {  	[hbm4b:s20+s3] =	stream.linear.scatter [tilespmem:s25], [sflag:$0x1], $0x14000, $0x38;
	[tilespmem:$0x1FBF8] =	vst v63  }
0xab: {  	s25 =	rddreg [dreg:$0x18]  }
0xac: {  	[hbm:s25], [sflag:s22] =	dma.local [spmem:s31], $0x1800  }
0xad: {  	_ =	swait.ge [sflag:s30], $0x14000  }
0xae: {  	[sflag:s30] =	ssyncset.done $0x0  }
0xaf: {  	[sflag:s30] =	ssyncadd.s32 $0xFFFEC000  }
0xb0: {  	_ =	swait.ge [sflag:s30], $0x1800  }
0xb1: {  	[sflag:s30] =	ssyncset.done $0x0  }
0xb2: {  	s25 =	simm.s32 $0xA3F8;
	s20 =	rddreg [dreg:$0x19];
	[sflag:s30] =	ssyncadd.s32 $0xFFFFE800  }
0xb3: {  	[hbm4b:s20+s3] =	stream.linear.scatter [tilespmem:s25], [sflag:$0x1], $0x14000, $0x38;
	[tilespmem:$0x1FBF8] =	vst v63  }
0xb4: {  	s25 =	rddreg [dreg:$0x1a]  }
0xb5: {  	[hbm:s25], [sflag:s22] =	dma.local [spmem:s1], $0x1800  }
0xb6: {  	_ =	swait.ge [sflag:s30], $0x14000  }
0xb7: {  	[sflag:s30] =	ssyncset.done $0x0  }
0xb8: {  	[sflag:s30] =	ssyncadd.s32 $0xFFFEC000  }
0xb9: {  	_ =	swait.ge [sflag:s30], $0x1800  }
0xba: {  	[sflag:s30] =	ssyncset.done $0x0  }
0xbb: {  	s25 =	simm.s32 $0x9FF8;
	s20 =	rddreg [dreg:$0x1b];
	[sflag:s30] =	ssyncadd.s32 $0xFFFFE800  }
0xbc: {  	[hbm4b:s20+s3] =	stream.linear.scatter [tilespmem:s25], [sflag:$0x1], $0x14000, $0x38;
	[tilespmem:$0x1FBF8] =	vst v63  }
0xbd: {  	s25 =	rddreg [dreg:$0x1c]  }
0xbe: {  	[hbm:s25], [sflag:s22] =	dma.local [spmem:s0], $0x1800  }
0xbf: {  	_ =	swait.ge [sflag:s30], $0x14000  }
0xc0: {  	[sflag:s30] =	ssyncset.done $0x0  }
0xc1: {  	[sflag:s30] =	ssyncadd.s32 $0xFFFEC000  }
0xc2: {  	_ =	swait.ge [sflag:s30], $0x1800  }
0xc3: {  	[sflag:s30] =	ssyncset.done $0x0  }
0xc4: {  	s25 =	simm.s32 $0x9BF8;
	s20 =	rddreg [dreg:$0x1e];
	[sflag:s30] =	ssyncadd.s32 $0xFFFFE800  }
0xc5: {  	[hbm4b:s20+s3] =	stream.linear.scatter [tilespmem:s25], [sflag:$0x1], $0x14000, $0x38;
	[tilespmem:$0x1FBF8] =	vst v63  }
0xc6: {  	s25 =	rddreg [dreg:$0x1d]  }
0xc7: {  	[hbm:s25], [sflag:s22] =	dma.local [spmem:s4], $0x1800  }
0xc8: {  	_ =	swait.ge [sflag:s30], $0x14000  }
0xc9: {  	[sflag:s30] =	ssyncset.done $0x0  }
0xca: {  	[sflag:s30] =	ssyncadd.s32 $0xFFFEC000  }
0xcb: {  	_ =	swait.ge [sflag:s30], $0x1800  }
0xcc: {  	[sflag:s30] =	ssyncset.done $0x0  }
0xcd: {  	s25 =	simm.s32 $0x97F8;
	s20 =	rddreg [dreg:$0x1f];
	[sflag:s30] =	ssyncadd.s32 $0xFFFFE800  }
0xce: {  	[hbm4b:s20+s3] =	stream.linear.scatter [tilespmem:s25], [sflag:$0x1], $0x14000, $0x38;
	[tilespmem:$0x1FBF8] =	vst v63  }
0xcf: {  	s25 =	sld [smem:$0x7CA];
	_ =	sdelay $0x2  }
0xd0: {  	[hbm:s25], [sflag:s22] =	dma.local [spmem:s5], $0x1800  }
0xd1: {  	_ =	swait.ge [sflag:s30], $0x14000  }
0xd2: {  	[sflag:s30] =	ssyncset.done $0x0  }
0xd3: {  	[sflag:s30] =	ssyncadd.s32 $0xFFFEC000  }
0xd4: {  	_ =	swait.ge [sflag:s30], $0x1800  }
0xd5: {  	s20 =	sld [smem:$0x7CB]  }
0xd6: {  	[sflag:s30] =	ssyncset.done $0x0  }
0xd7: {  	s25 =	simm.s32 $0x93F8;
	[sflag:s30] =	ssyncadd.s32 $0xFFFFE800  }
0xd8: {  	[hbm4b:s20+s3] =	stream.linear.scatter [tilespmem:s25], [sflag:$0x1], $0x14000, $0x38;
	[tilespmem:$0x1FBF8] =	vst v63  }
0xd9: {  	s25 =	sld [smem:$0x7CC];
	_ =	sdelay $0x2  }
0xda: {  	[hbm:s25], [sflag:s22] =	dma.local [spmem:s9], $0x1800  }
0xdb: {  	_ =	swait.ge [sflag:s30], $0x14000  }
0xdc: {  	[sflag:s30] =	ssyncset.done $0x0  }
0xdd: {  	[sflag:s30] =	ssyncadd.s32 $0xFFFEC000  }
0xde: {  	_ =	swait.ge [sflag:s30], $0x1800  }
0xdf: {  	s20 =	sld [smem:$0x7CD]  }
0xe0: {  	[sflag:s30] =	ssyncset.done $0x0  }
0xe1: {  	s25 =	simm.s32 $0x8FF8;
	[sflag:s30] =	ssyncadd.s32 $0xFFFFE800  }
0xe2: {  	[hbm4b:s20+s3] =	stream.linear.scatter [tilespmem:s25], [sflag:$0x1], $0x14000, $0x38;
	[tilespmem:$0x1FBF8] =	vst v63  }
0xe3: {  	s25 =	sld [smem:$0x7D0];
	_ =	sdelay $0x2  }
0xe4: {  	[hbm:s25], [sflag:s22] =	dma.local [spmem:s2], $0x1800  }
0xe5: {  	_ =	swait.ge [sflag:s30], $0x14000  }
0xe6: {  	[sflag:s30] =	ssyncset.done $0x0  }
0xe7: {  	[sflag:s30] =	ssyncadd.s32 $0xFFFEC000  }
0xe8: {  	_ =	swait.ge [sflag:s30], $0x1800  }
0xe9: {  	s20 =	sld [smem:$0x7D2]  }
0xea: {  	[sflag:s30] =	ssyncset.done $0x0  }
0xeb: {  	s25 =	simm.s32 $0x8BF8;
	[sflag:s30] =	ssyncadd.s32 $0xFFFFE800  }
0xec: {  	[hbm4b:s20+s3] =	stream.linear.scatter [tilespmem:s25], [sflag:$0x1], $0x14000, $0x38;
	[tilespmem:$0x1FBF8] =	vst v63  }
0xed: {  	s25 =	sld [smem:$0x7D1];
	_ =	sdelay $0x2  }
0xee: {  	[hbm:s25], [sflag:s22] =	dma.local [spmem:s6], $0x1800  }
0xef: {  	_ =	swait.ge [sflag:s30], $0x14000  }
0xf0: {  	[sflag:s30] =	ssyncset.done $0x0  }
0xf1: {  	[sflag:s30] =	ssyncadd.s32 $0xFFFEC000  }
0xf2: {  	_ =	swait.ge [sflag:s30], $0x1800  }
0xf3: {  	s20 =	sld [smem:$0x7D3]  }
0xf4: {  	[sflag:s30] =	ssyncset.done $0x0  }
0xf5: {  	s25 =	simm.s32 $0x87F8;
	[sflag:s30] =	ssyncadd.s32 $0xFFFFE800  }
0xf6: {  	[hbm4b:s20+s3] =	stream.linear.scatter [tilespmem:s25], [sflag:$0x1], $0x14000, $0x38;
	[tilespmem:$0x1FBF8] =	vst v63  }
0xf7: {  	s25 =	sld [smem:$0x7D4];
	_ =	sdelay $0x2  }
0xf8: {  	[hbm:s25], [sflag:s22] =	dma.local [spmem:s8], $0x1800  }
0xf9: {  	_ =	swait.ge [sflag:s30], $0x14000  }
0xfa: {  	[sflag:s30] =	ssyncset.done $0x0  }
0xfb: {  	[sflag:s30] =	ssyncadd.s32 $0xFFFEC000  }
0xfc: {  	_ =	swait.ge [sflag:s30], $0x1800  }
0xfd: {  	s20 =	sld [smem:$0x7D5]  }
0xfe: {  	[sflag:s30] =	ssyncset.done $0x0  }
0xff: {  	s25 =	simm.s32 $0x83F8;
	[sflag:s30] =	ssyncadd.s32 $0xFFFFE800  }
0x100: {  	[hbm4b:s20+s3] =	stream.linear.scatter [tilespmem:s25], [sflag:$0x1], $0x14000, $0x38;
	[tilespmem:$0x1FBF8] =	vst v63  }
0x101: {  	s25 =	sld [smem:$0x7D6];
	_ =	sdelay $0x2  }
0x102: {  	[hbm:s25], [sflag:s22] =	dma.local [spmem:s10], $0x1800  }
0x103: {  	_ =	swait.ge [sflag:s30], $0x14000  }
0x104: {  	[sflag:s30] =	ssyncset.done $0x0  }
0x105: {  	[sflag:s30] =	ssyncadd.s32 $0xFFFEC000  }
0x106: {  	_ =	swait.ge [sflag:s30], $0x1800  }
0x107: {  	s20 =	sld [smem:$0x7D7]  }
0x108: {  	[sflag:s30] =	ssyncset.done $0x0  }
0x109: {  	s25 =	simm.s32 $0x7FF8;
	[sflag:s30] =	ssyncadd.s32 $0xFFFFE800  }
0x10a: {  	[hbm4b:s20+s3] =	stream.linear.scatter [tilespmem:s25], [sflag:$0x1], $0x14000, $0x38;
	[tilespmem:$0x1FBF8] =	vst v63  }
0x10b: {  	s25 =	sld [smem:$0x7DA];
	_ =	sdelay $0x2  }
0x10c: {  	[hbm:s25], [sflag:s22] =	dma.local [spmem:s11], $0x1800  }
0x10d: {  	_ =	swait.ge [sflag:s30], $0x14000  }
0x10e: {  	[sflag:s30] =	ssyncset.done $0x0  }
0x10f: {  	[sflag:s30] =	ssyncadd.s32 $0xFFFEC000  }
0x110: {  	_ =	swait.ge [sflag:s30], $0x1800  }
0x111: {  	s20 =	sld [smem:$0x7DC]  }
0x112: {  	[sflag:s30] =	ssyncset.done $0x0  }
0x113: {  	s25 =	simm.s32 $0x7BF8;
	[sflag:s30] =	ssyncadd.s32 $0xFFFFE800  }
0x114: {  	[hbm4b:s20+s3] =	stream.linear.scatter [tilespmem:s25], [sflag:$0x1], $0x14000, $0x38;
	[tilespmem:$0x1FBF8] =	vst v63  }
0x115: {  	s25 =	sld [smem:$0x7DB];
	_ =	sdelay $0x2  }
0x116: {  	[hbm:s25], [sflag:s22] =	dma.local [spmem:s12], $0x1800  }
0x117: {  	_ =	swait.ge [sflag:s30], $0x14000  }
0x118: {  	[sflag:s30] =	ssyncset.done $0x0  }
0x119: {  	[sflag:s30] =	ssyncadd.s32 $0xFFFEC000  }
0x11a: {  	_ =	swait.ge [sflag:s30], $0x1800  }
0x11b: {  	s20 =	sld [smem:$0x7DD]  }
0x11c: {  	[sflag:s30] =	ssyncset.done $0x0  }
0x11d: {  	s25 =	simm.s32 $0x77F8;
	[sflag:s30] =	ssyncadd.s32 $0xFFFFE800  }
0x11e: {  	[hbm4b:s20+s3] =	stream.linear.scatter [tilespmem:s25], [sflag:$0x1], $0x14000, $0x38;
	[tilespmem:$0x1FBF8] =	vst v63  }
0x11f: {  	s25 =	sld [smem:$0x7DE];
	_ =	sdelay $0x2  }
0x120: {  	[hbm:s25], [sflag:s22] =	dma.local [spmem:s13], $0x1800  }
0x121: {  	_ =	swait.ge [sflag:s30], $0x14000  }
0x122: {  	[sflag:s30] =	ssyncset.done $0x0  }
0x123: {  	[sflag:s30] =	ssyncadd.s32 $0xFFFEC000  }
0x124: {  	_ =	swait.ge [sflag:s30], $0x1800  }
0x125: {  	s20 =	sld [smem:$0x7DF]  }
0x126: {  	[sflag:s30] =	ssyncset.done $0x0  }
0x127: {  	s25 =	simm.s32 $0x73F8;
	[sflag:s30] =	ssyncadd.s32 $0xFFFFE800  }
0x128: {  	[hbm4b:s20+s3] =	stream.linear.scatter [tilespmem:s25], [sflag:$0x1], $0x14000, $0x38;
	[tilespmem:$0x1FBF8] =	vst v63  }
0x129: {  	s25 =	sld [smem:$0x7E0];
	_ =	sdelay $0x2  }
0x12a: {  	[hbm:s25], [sflag:s22] =	dma.local [spmem:s14], $0x1800  }
0x12b: {  	_ =	swait.ge [sflag:s30], $0x14000  }
0x12c: {  	[sflag:s30] =	ssyncset.done $0x0  }
0x12d: {  	[sflag:s30] =	ssyncadd.s32 $0xFFFEC000  }
0x12e: {  	_ =	swait.ge [sflag:s30], $0x1800  }
0x12f: {  	s20 =	sld [smem:$0x7E1]  }
0x130: {  	[sflag:s30] =	ssyncset.done $0x0  }
0x131: {  	s25 =	simm.s32 $0x6FF8;
	[sflag:s30] =	ssyncadd.s32 $0xFFFFE800  }
0x132: {  	[hbm4b:s20+s3] =	stream.linear.scatter [tilespmem:s25], [sflag:$0x1], $0x14000, $0x38;
	[tilespmem:$0x1FBF8] =	vst v63  }
0x133: {  	s25 =	sld [smem:$0x7E4];
	_ =	sdelay $0x2  }
0x134: {  	[hbm:s25], [sflag:s22] =	dma.local [spmem:s15], $0x1800  }
0x135: {  	_ =	swait.ge [sflag:s30], $0x14000  }
0x136: {  	[sflag:s30] =	ssyncset.done $0x0  }
0x137: {  	[sflag:s30] =	ssyncadd.s32 $0xFFFEC000  }
0x138: {  	_ =	swait.ge [sflag:s30], $0x1800  }
0x139: {  	s20 =	sld [smem:$0x7E6]  }
0x13a: {  	[sflag:s30] =	ssyncset.done $0x0  }
0x13b: {  	s25 =	simm.s32 $0x6BF8;
	[sflag:s30] =	ssyncadd.s32 $0xFFFFE800  }
0x13c: {  	[hbm4b:s20+s3] =	stream.linear.scatter [tilespmem:s25], [sflag:$0x1], $0x14000, $0x38;
	[tilespmem:$0x1FBF8] =	vst v63  }
0x13d: {  	s25 =	sld [smem:$0x7E5];
	_ =	sdelay $0x2  }
0x13e: {  	[hbm:s25], [sflag:s22] =	dma.local [spmem:s16], $0x1800  }
0x13f: {  	_ =	swait.ge [sflag:s30], $0x14000  }
0x140: {  	[sflag:s30] =	ssyncset.done $0x0  }
0x141: {  	[sflag:s30] =	ssyncadd.s32 $0xFFFEC000  }
0x142: {  	_ =	swait.ge [sflag:s30], $0x1800  }
0x143: {  	s20 =	sld [smem:$0x7E7]  }
0x144: {  	[sflag:s30] =	ssyncset.done $0x0  }
0x145: {  	s25 =	simm.s32 $0x67F8;
	[sflag:s30] =	ssyncadd.s32 $0xFFFFE800  }
0x146: {  	[hbm4b:s20+s3] =	stream.linear.scatter [tilespmem:s25], [sflag:$0x1], $0x14000, $0x38;
	[tilespmem:$0x1FBF8] =	vst v63  }
0x147: {  	s25 =	sld [smem:$0x7E8];
	_ =	sdelay $0x2  }
0x148: {  	[hbm:s25], [sflag:s22] =	dma.local [spmem:s17], $0x1800  }
0x149: {  	_ =	swait.ge [sflag:s30], $0x14000  }
0x14a: {  	[sflag:s30] =	ssyncset.done $0x0  }
0x14b: {  	[sflag:s30] =	ssyncadd.s32 $0xFFFEC000  }
0x14c: {  	_ =	swait.ge [sflag:s30], $0x1800  }
0x14d: {  	s20 =	sld [smem:$0x7E9]  }
0x14e: {  	[sflag:s30] =	ssyncset.done $0x0  }
0x14f: {  	s25 =	simm.s32 $0x63F8;
	[sflag:s30] =	ssyncadd.s32 $0xFFFFE800  }
0x150: {  	[hbm4b:s20+s3] =	stream.linear.scatter [tilespmem:s25], [sflag:$0x1], $0x14000, $0x38;
	[tilespmem:$0x1FBF8] =	vst v63  }
0x151: {  	s25 =	sld [smem:$0x7EA];
	_ =	sdelay $0x2  }
0x152: {  	[hbm:s25], [sflag:s22] =	dma.local [spmem:s18], $0x1800  }
0x153: {  	_ =	swait.ge [sflag:s30], $0x14000  }
0x154: {  	[sflag:s30] =	ssyncset.done $0x0  }
0x155: {  	[sflag:s30] =	ssyncadd.s32 $0xFFFEC000  }
0x156: {  	_ =	swait.ge [sflag:s30], $0x1800  }
0x157: {  	s20 =	sld [smem:$0x7EB]  }
0x158: {  	[sflag:s30] =	ssyncset.done $0x0  }
0x159: {  	s25 =	simm.s32 $0x5FF8;
	[sflag:s30] =	ssyncadd.s32 $0xFFFFE800  }
0x15a: {  	[hbm4b:s20+s3] =	stream.linear.scatter [tilespmem:s25], [sflag:$0x1], $0x14000, $0x38;
	[tilespmem:$0x1FBF8] =	vst v63  }
0x15b: {  	s25 =	sld [smem:$0x7EC];
	_ =	sdelay $0x1  }
0x15c: {  	s20 =	rddreg [dreg:$0x9]  }
0x15d: {  	[hbm:s25], [sflag:s22] =	dma.local [spmem:s20], $0x1800  }
0x15e: {  	_ =	swait.ge [sflag:s30], $0x14000  }
0x15f: {  	[sflag:s30] =	ssyncset.done $0x0  }
0x160: {  	[sflag:s30] =	ssyncadd.s32 $0xFFFEC000  }
0x161: {  	_ =	swait.ge [sflag:s30], $0x1800  }
0x162: {  	s23 =	sld [smem:$0x7EE]  }
0x163: {  	[sflag:s30] =	ssyncset.done $0x0  }
0x164: {  	s25 =	simm.s32 $0x5BF8;
	[sflag:s30] =	ssyncadd.s32 $0xFFFFE800  }
0x165: {  	[hbm4b:s23+s3] =	stream.linear.scatter [tilespmem:s25], [sflag:$0x1], $0x14000, $0x38;
	[tilespmem:$0x1FBF8] =	vst v63  }
0x166: {  	s25 =	sld [smem:$0x7ED];
	_ =	sdelay $0x1  }
0x167: {  	s20 =	rddreg [dreg:$0xa]  }
0x168: {  	[hbm:s25], [sflag:s22] =	dma.local [spmem:s20], $0x1800  }
0x169: {  	_ =	swait.ge [sflag:s30], $0x14000  }
0x16a: {  	[sflag:s30] =	ssyncset.done $0x0  }
0x16b: {  	[sflag:s30] =	ssyncadd.s32 $0xFFFEC000  }
0x16c: {  	_ =	swait.ge [sflag:s30], $0x1800  }
0x16d: {  	s23 =	sld [smem:$0x7EF]  }
0x16e: {  	[sflag:s30] =	ssyncset.done $0x0  }
0x16f: {  	s25 =	simm.s32 $0x57F8;
	[sflag:s30] =	ssyncadd.s32 $0xFFFFE800  }
0x170: {  	[hbm4b:s23+s3] =	stream.linear.scatter [tilespmem:s25], [sflag:$0x1], $0x14000, $0x38;
	[tilespmem:$0x1FBF8] =	vst v63  }
0x171: {  	s25 =	sld [smem:$0x7F0];
	_ =	sdelay $0x1  }
0x172: {  	s20 =	rddreg [dreg:$0xb]  }
0x173: {  	[hbm:s25], [sflag:s22] =	dma.local [spmem:s20], $0x1800  }
0x174: {  	_ =	swait.ge [sflag:s30], $0x14000  }
0x175: {  	[sflag:s30] =	ssyncset.done $0x0  }
0x176: {  	[sflag:s30] =	ssyncadd.s32 $0xFFFEC000  }
0x177: {  	_ =	swait.ge [sflag:s30], $0x1800  }
0x178: {  	s23 =	sld [smem:$0x7F1]  }
0x179: {  	[sflag:s30] =	ssyncset.done $0x0  }
0x17a: {  	s25 =	simm.s32 $0x53F8;
	[sflag:s30] =	ssyncadd.s32 $0xFFFFE800  }
0x17b: {  	[hbm4b:s23+s3] =	stream.linear.scatter [tilespmem:s25], [sflag:$0x1], $0x14000, $0x38;
	[tilespmem:$0x1FBF8] =	vst v63  }
0x17c: {  	s25 =	sld [smem:$0x7F2];
	_ =	sdelay $0x1  }
0x17d: {  	s20 =	rddreg [dreg:$0xc]  }
0x17e: {  	[hbm:s25], [sflag:s22] =	dma.local [spmem:s20], $0x1800  }
0x17f: {  	_ =	swait.ge [sflag:s30], $0x14000  }
0x180: {  	[sflag:s30] =	ssyncset.done $0x0  }
0x181: {  	[sflag:s30] =	ssyncadd.s32 $0xFFFEC000  }
0x182: {  	_ =	swait.ge [sflag:s30], $0x1800  }
0x183: {  	s23 =	sld [smem:$0x7F3]  }
0x184: {  	[sflag:s30] =	ssyncset.done $0x0  }
0x185: {  	s25 =	simm.s32 $0x4FF8;
	[sflag:s30] =	ssyncadd.s32 $0xFFFFE800  }
0x186: {  	[hbm4b:s23+s3] =	stream.linear.scatter [tilespmem:s25], [sflag:$0x1], $0x14000, $0x38;
	[tilespmem:$0x1FBF8] =	vst v63  }
0x187: {  	s25 =	sld [smem:$0x7F5];
	_ =	sdelay $0x1  }
0x188: {  	s20 =	rddreg [dreg:$0xd]  }
0x189: {  	[hbm:s25], [sflag:s22] =	dma.local [spmem:s20], $0x1800  }
0x18a: {  	_ =	swait.ge [sflag:s30], $0x14000  }
0x18b: {  	[sflag:s30] =	ssyncset.done $0x0  }
0x18c: {  	[sflag:s30] =	ssyncadd.s32 $0xFFFEC000  }
0x18d: {  	_ =	swait.ge [sflag:s30], $0x1800  }
0x18e: {  	s23 =	sld [smem:$0x7F7]  }
0x18f: {  	[sflag:s30] =	ssyncset.done $0x0  }
0x190: {  	s25 =	simm.s32 $0x4BF8;
	[sflag:s30] =	ssyncadd.s32 $0xFFFFE800  }
0x191: {  	[hbm4b:s23+s3] =	stream.linear.scatter [tilespmem:s25], [sflag:$0x1], $0x14000, $0x38;
	[tilespmem:$0x1FBF8] =	vst v63  }
0x192: {  	s25 =	sld [smem:$0x7F6];
	_ =	sdelay $0x1  }
0x193: {  	s20 =	rddreg [dreg:$0xe]  }
0x194: {  	[hbm:s25], [sflag:s22] =	dma.local [spmem:s20], $0x1800  }
0x195: {  	_ =	swait.ge [sflag:s30], $0x14000  }
0x196: {  	[sflag:s30] =	ssyncset.done $0x0  }
0x197: {  	[sflag:s30] =	ssyncadd.s32 $0xFFFEC000  }
0x198: {  	_ =	swait.ge [sflag:s30], $0x1800  }
0x199: {  	s23 =	sld [smem:$0x7F8]  }
0x19a: {  	[sflag:s30] =	ssyncset.done $0x0  }
0x19b: {  	s25 =	simm.s32 $0x47F8;
	s20 =	sld [smem:$0x7CF];
	[sflag:s30] =	ssyncadd.s32 $0xFFFFE800  }
0x19c: {  	[hbm4b:s23+s3] =	stream.linear.scatter [tilespmem:s25], [sflag:$0x1], $0x14000, $0x38;
	[tilespmem:$0x1FBF8] =	vst v63  }
0x19d: {  	s25 =	sld [smem:$0x7F9];
	_ =	sdelay $0x2  }
0x19e: {  	[hbm:s25], [sflag:s22] =	dma.local [spmem:s20], $0x1800  }
0x19f: {  	_ =	swait.ge [sflag:s30], $0x14000  }
0x1a0: {  	[sflag:s30] =	ssyncset.done $0x0  }
0x1a1: {  	[sflag:s30] =	ssyncadd.s32 $0xFFFEC000  }
0x1a2: {  	_ =	swait.ge [sflag:s30], $0x1800  }
0x1a3: {  	s23 =	sld [smem:$0x7FA]  }
0x1a4: {  	[sflag:s30] =	ssyncset.done $0x0  }
0x1a5: {  	s25 =	simm.s32 $0x43F8;
	s20 =	sld [smem:$0x7D9];
	[sflag:s30] =	ssyncadd.s32 $0xFFFFE800  }
0x1a6: {  	[hbm4b:s23+s3] =	stream.linear.scatter [tilespmem:s25], [sflag:$0x1], $0x14000, $0x38;
	[tilespmem:$0x1FBF8] =	vst v63  }
0x1a7: {  	s25 =	sld [smem:$0x7FB];
	_ =	sdelay $0x2  }
0x1a8: {  	[hbm:s25], [sflag:s22] =	dma.local [spmem:s20], $0x1800  }
0x1a9: {  	_ =	swait.ge [sflag:s30], $0x14000  }
0x1aa: {  	[sflag:s30] =	ssyncset.done $0x0  }
0x1ab: {  	[sflag:s30] =	ssyncadd.s32 $0xFFFEC000  }
0x1ac: {  	_ =	swait.ge [sflag:s30], $0x1800  }
0x1ad: {  	s23 =	sld [smem:$0x7FC]  }
0x1ae: {  	[sflag:s30] =	ssyncset.done $0x0  }
0x1af: {  	s20 =	sld [smem:$0x7E3];
	[sflag:s30] =	ssyncadd.s32 $0xFFFFE800  }
0x1b0: {  	[hbm4b:s23+s3] =	stream.linear.scatter [tilespmem:s24], [sflag:$0x1], $0x14000, $0x38;
	[tilespmem:$0x1FBF8] =	vst v63  }
0x1b1: {  	s24 =	sld [smem:$0x7FD];
	_ =	sdelay $0x2  }
0x1b2: {  	[hbm:s24], [sflag:s22] =	dma.local [spmem:s20], $0x1800  }
0x1b3: {  	_ =	swait.ge [sflag:s30], $0x14000  }
0x1b4: {  	[sflag:s30] =	ssyncset.done $0x0  }
0x1b5: {  	[sflag:s30] =	ssyncadd.s32 $0xFFFEC000  }
0x1b6: {  	_ =	swait.ge [sflag:s30], $0x1800  }
0x1b7: {  	[sflag:s30] =	ssyncset.done $0x0  }
0x1b8: {  	[sflag:s30] =	ssyncadd.s32 $0xFFFFE800  }
0x1b9: {  	_ =	swait.ge [sflag:s30], $0x14000  }
0x1ba: {  	[sflag:s30] =	ssyncset.done $0x0  }
0x1bb: {  	[sflag:s30] =	ssyncadd.s32 $0xFFFEC000  }
0x1bc: {  	_ =	swait.ge [sflag:s30], $0x1800  }
0x1bd: {  	[sflag:s30] =	ssyncset.done $0x0  }
0x1be: {  	[sflag:s30] =	ssyncadd.s32 $0xFFFFE800  }
0x1bf: {  	_ =	swait.ge [sflag:s30], $0x14000  }
0x1c0: {  	[sflag:s30] =	ssyncset.done $0x0  }
0x1c1: {  	[sflag:s30] =	ssyncadd.s32 $0xFFFEC000  }
0x1c2: {  	_ =	swait.ge [sflag:s30], $0x1800  }
0x1c3: {  	[sflag:s30] =	ssyncset.done $0x0  }
0x1c4: {  	[sflag:s30] =	ssyncadd.s32 $0xFFFFE800  }
0x1c5: {  	_ =	swait.ge [sflag:s30], $0x14000  }
0x1c6: {  	[sflag:s30] =	ssyncset.done $0x0  }
0x1c7: {  	[sflag:s30] =	ssyncadd.s32 $0xFFFEC000  }
0x1c8: {  	_ =	swait.ge [sflag:s30], $0x1800  }
0x1c9: {  	[sflag:s30] =	ssyncset.done $0x0  }
0x1ca: {  	[sflag:s30] =	ssyncadd.s32 $0xFFFFE800  }
0x1cb: {  	_ =	swait.ge [sflag:s30], $0x14000  }
0x1cc: {  	[sflag:s30] =	ssyncset.done $0x0  }
0x1cd: {  	[sflag:s30] =	ssyncadd.s32 $0xFFFEC000  }
0x1ce: {  	_ =	swait.ge [sflag:s30], $0x1800  }
0x1cf: {  	s21 =	sadd.s32 $0x1, s21;
	s24 =	rddreg [dreg:$0x7]  }
0x1d0: {  	p2 =	sne.s32 s21, s24  }
.Ltmp1:
0x1d1: {  	_ = 	snop;
	(pc) =	sbr.rel @!p2 .LBB2_8-.Ltmp1, $3  }
0x1d2: {  	_ =	sdelay $0x1  }
0x1d3: {  	[sflag:s30] =	ssyncset.done $0x0  }
0x1d4: {  	s25 =	simm.s32 $0x3FF8;
	[sflag:s30] =	ssyncadd.s32 $0xFFFFE800  }
.LBB2_1:
.Ltmp2:
0x1d5: {  	(pc) =	sbr.rel @!p0 .LBB2_2-.Ltmp2, $1  }
0x1d6: {  	_ =	sdelay $0x3  }
.Ltmp3:
0x1d7: {  	(pc) =	sbr.rel @p1 .LBB2_7-.Ltmp3, $1  }
0x1d8: {  	_ =	sdelay $0x3  }
0x1d9: {  	s22 =	rddreg [dreg:$0x4]  }
0x1da: {  	[tilespmem:s25], [sflag:$0x2] =	stream.linear.gather [hbm4b:s22+s3], $0x80, $0x38;
	[tilespmem:$0x1FBF8] =	vst v63  }
0x1db: {  	_ =	swait.ge [sflag:s19], $0x80  }
0x1dc: {  	[sflag:s19] =	ssyncset.done $0x0  }
0x1dd: {  	[sflag:s19] =	ssyncadd.s32 $0xFFFFFF80  }
0x1de: {  	v0 =	vld [tilespmem:$0x3FF8]  }
0x1df: {  	v1 =	vld [tilespmem:$0x4008]  }
0x1e0: {  	v2 =	vld [tilespmem:$0x4018]  }
0x1e1: {  	v7 =	vld [tilespmem:$0x4068]  }
0x1e2: {  	v3 =	vld [tilespmem:$0x4028]  }
0x1e3: {  	v4 =	vld [tilespmem:$0x4038]  }
0x1e4: {  	v5 =	vld [tilespmem:$0x4048]  }
0x1e5: {  	s23 =	simm.s32 $0x5C0;
	s22 =	simm.s32 $0xF0;
	v6 =	vld [tilespmem:$0x4058]  }
.LBB2_5:
0x1e6: {  	p2 =	sne.s32 s23, $0x165C0;
	[tilespmem:s22+$0x3FF8] =	vst v7  }
0x1e7: {  	[tilespmem:s22+$0x3F88] =	vst v0  }
0x1e8: {  	[tilespmem:s22+$0x3F98] =	vst v1  }
.Ltmp4:
0x1e9: {  	[tilespmem:s22+$0x3FA8] =	vst v2;
	(pc) =	sbr.rel @p2 .LBB2_5-.Ltmp4, $4  }
0x1ea: {  	[tilespmem:s22+$0x3FB8] =	vst v3  }
0x1eb: {  	[tilespmem:s22+$0x3FC8] =	vst v4  }
0x1ec: {  	[tilespmem:s22+$0x3FD8] =	vst v5  }
0x1ed: {  	[tilespmem:s22+$0x3FE8] =	vst v6;
	s22 =	sshra.s32 s23, $0x2;
	s23 =	sadd.s32 $0x200, s23  }
0x1ee: {  	[tilespmem:s22+$0x3FF8] =	vst v7  }
0x1ef: {  	[tilespmem:s22+$0x3F88] =	vst v0  }
0x1f0: {  	[tilespmem:s22+$0x3F98] =	vst v1  }
0x1f1: {  	[tilespmem:s22+$0x3FA8] =	vst v2  }
0x1f2: {  	[tilespmem:s22+$0x3FB8] =	vst v3  }
0x1f3: {  	[tilespmem:s22+$0x3FC8] =	vst v4  }
0x1f4: {  	[tilespmem:s22+$0x3FD8] =	vst v5  }
.Ltmp5:
0x1f5: {  	[tilespmem:s22+$0x3FE8] =	vst v6;
	s24 =	rddreg [dreg:$0x5];
	(pc) =	sbr.rel .LBB2_7-.Ltmp5, $4  }
0x1f6: {  	[spmem:s24] =	stream.linear.scatter [tilespmem:s25], [sflag:$0x2], $0x5980, $0x38;
	[tilespmem:$0x1FBF8] =	vst v63  }
0x1f7: {  	_ =	swait.ge [sflag:s19], $0x5980  }
0x1f8: {  	[sflag:s19] =	ssyncset.done $0x0  }
0x1f9: {  	[sflag:s19] =	ssyncadd.s32 $0xFFFFA680  }
.LBB2_8:
0x1fa: {  	_ =	sfence.sel $0x180000  }
0x1fb: {  	[bflag:$0x0] =	sbarrier.arrive $0xFFFF  }
0x1fc: {  	_ =	strace $0x90000047  }
0x1fd: {  	[bflag:$0x2] =	sbarrier.arrive $0xFFFF  }
0x1fe: {  	s0 =	rddreg [dreg:$0x3]  }
0x1ff: {  	s0 =	sadd.s32 @!p0 $0x100000, s0  }
0x200: {  	[sflag:s0] =	ssyncadd.tile.s32 @!p0 $0x1;
	_ =	shalt  }
.Lfunc_end2:
_tile_overlayer_lowered:
.L_overlay_start_2:
0x201: {  	(tag) =	ssettag $0x2  }
0x202: {  	s0 =	rddreg [dreg:$0x0];
	s2 =	stileid.u32  }
0x203: {  	s1 =	rddreg [dreg:$0x1];
	p0 =	sne.s32 s2, $0x0  }
0x204: {  	s3 =	rddreg [dreg:$0x2];
	[bflag:$0x3] =	sbarrier.arrive $0xFFFF;
	s2 =	simm.s32 @!p0 $0x1C02  }
0x205: {  	[timem:s3], [sflag:s2] =	dma.local @!p0 [hbm:s0], s1  }
0x206: {  	s0 =	simm.s32 @!p0 $0x2  }
0x207: {  	_ =	swait.ge @!p0 [sflag:s0], s1  }
0x208: {  	s1 =	ssub.s32 @!p0 $0x0, s1;
	[sflag:s0] =	ssyncset.done @!p0 $0x0  }
0x209: {  	[sflag:s0] =	ssyncadd.s32 @!p0 s1  }
0x20a: {  	[bflag:$0x3] =	sbarrier.arrive $0xFFFF  }
0x20b: {  	_ =	shalt  }

</sc_bundles>
